<compile_context>
chip_gen: v7x
topology: tpu7x:2x2x1
jax: 0.10.2.dev20260603
libtpu: 0.0.44.dev20260713+nightly
codegen_flags: <defaults>
</compile_context>

<pallas_src>
import functools

import jax
import jax.numpy as jnp
import numpy as np
from jax import lax
from jax.experimental import pallas as pl
from jax.experimental.pallas import tpu as pltpu
from jax.experimental.pallas import tpu_sc as plsc

V = 100_000
F = 100_000
E = 1_600_000
S = 16
ALPHA = 0.5
SHIFT = 1e-19

NC = 2
NS = 16
NW = NC * NS
IW = 128
BLK = 512
NROW = BLK // IW
NBLOCKS = E // BLK
NROUNDS = -(-NBLOCKS // NW)
WB = 6_248
WREM = V - NS * WB



def _zero_and_barrier(buf_v, acc_sh, s):
    @pl.loop(0, BLK)
    def _(e):
        buf_v[e] = jnp.zeros((S,), jnp.float32)

    base = pl.multiple_of(s * WB, 8)
    off = 0
    while off < WB:
        n = min(BLK, WB - off)
        pltpu.sync_copy(buf_v.at[pl.ds(0, n)], acc_sh.at[pl.ds(base + off, n)])
        off += n

    @pl.when(s == NS - 1)
    def _():
        pltpu.sync_copy(buf_v.at[pl.ds(0, WREM)], acc_sh.at[pl.ds(NS * WB, WREM)])

    plsc.subcore_barrier()


def _writeback(acc_sh, part_out, c, s, table_rows):
    base = pl.multiple_of(c * table_rows + s * WB, 8)
    pltpu.sync_copy(acc_sh.at[pl.ds(pl.multiple_of(s * WB, 8), WB)],
                    part_out.at[pl.ds(base, WB)])

    @pl.when(s == NS - 1)
    def _():
        tail = pl.multiple_of(c * table_rows + NS * WB, 8)
        pltpu.sync_copy(acc_sh.at[pl.ds(NS * WB, WREM)],
                        part_out.at[pl.ds(tail, WREM)])


def _pass1_body(fb_hbm, fidx_hbm, vidx_hbm, v2f_hbm, f2v_hbm,
                m_out, part_out,
                idxf_v, idxv_v, rows_v, v2f_v, f2v_v, acc_sh,
                xsem, lsem, gsem):
    c = lax.axis_index("c")
    s = lax.axis_index("s")
    wid = c * NS + s

    _zero_and_barrier(rows_v, acc_sh, s)

    @pl.loop(0, NROUNDS)
    def _(r):
        b = r * NW + wid

        @pl.when(b < NBLOCKS)
        def _():
            ebase = pl.multiple_of(b * BLK, BLK)
            irow = pl.multiple_of(b * NROW, NROW)
            idx_cps = [
                pltpu.async_copy(fidx_hbm.at[pl.ds(irow, NROW)], idxf_v, xsem),
                pltpu.async_copy(vidx_hbm.at[pl.ds(irow, NROW)], idxv_v, xsem),
            ]
            loads = [
                pltpu.async_copy(v2f_hbm.at[pl.ds(ebase, BLK)], v2f_v, lsem),
                pltpu.async_copy(f2v_hbm.at[pl.ds(ebase, BLK)], f2v_v, lsem),
            ]
            for cp in idx_cps:
                cp.wait()
            gathers = [
                pltpu.async_copy(fb_hbm.at[idxf_v.at[j]],
                                 rows_v.at[pl.ds(j * IW, IW)], gsem)
                for j in range(NROW)
            ]
            for cp in loads + gathers:
                cp.wait()

            @pl.loop(0, BLK, unroll=8)
            def _(e):
                rows_v[e] = (rows_v[e] - v2f_v[e] + f2v_v[e]) * ALPHA

            outs = [pltpu.async_copy(rows_v, m_out.at[pl.ds(ebase, BLK)], lsem)]
            outs += [
                pltpu.async_copy(rows_v.at[pl.ds(j * IW, IW)],
                                 acc_sh.at[idxv_v.at[j]], gsem, add=True)
                for j in range(NROW)
            ]
            for cp in outs:
                cp.wait()

    plsc.subcore_barrier()
    _writeback(acc_sh, part_out, c, s, V)


def _pass2_body(vb_hbm, vidx_hbm, fidx_hbm, m_hbm,
                v2f_out, part_out,
                idxv_v, idxf_v, rows_v, m_v, acc_sh,
                xsem, lsem, gsem):
    c = lax.axis_index("c")
    s = lax.axis_index("s")
    wid = c * NS + s

    _zero_and_barrier(rows_v, acc_sh, s)

    @pl.loop(0, NROUNDS)
    def _(r):
        b = r * NW + wid

        @pl.when(b < NBLOCKS)
        def _():
            ebase = pl.multiple_of(b * BLK, BLK)
            irow = pl.multiple_of(b * NROW, NROW)
            idx_cps = [
                pltpu.async_copy(vidx_hbm.at[pl.ds(irow, NROW)], idxv_v, xsem),
                pltpu.async_copy(fidx_hbm.at[pl.ds(irow, NROW)], idxf_v, xsem),
            ]
            loads = [pltpu.async_copy(m_hbm.at[pl.ds(ebase, BLK)], m_v, lsem)]
            for cp in idx_cps:
                cp.wait()
            gathers = [
                pltpu.async_copy(vb_hbm.at[idxv_v.at[j]],
                                 rows_v.at[pl.ds(j * IW, IW)], gsem)
                for j in range(NROW)
            ]
            for cp in loads + gathers:
                cp.wait()

            @pl.loop(0, BLK, unroll=8)
            def _(e):
                rows_v[e] = rows_v[e] - m_v[e]

            outs = [pltpu.async_copy(rows_v, v2f_out.at[pl.ds(ebase, BLK)], lsem)]
            outs += [
                pltpu.async_copy(rows_v.at[pl.ds(j * IW, IW)],
                                 acc_sh.at[idxf_v.at[j]], gsem, add=True)
                for j in range(NROW)
            ]
            for cp in outs:
                cp.wait()

    plsc.subcore_barrier()
    _writeback(acc_sh, part_out, c, s, F)


@functools.cache
def _build_sc_passes():
    mesh = plsc.VectorSubcoreMesh(core_axis_name="c", subcore_axis_name="s",
                                  num_cores=NC, num_subcores=NS)
    sc_params = pltpu.CompilerParams(use_tc_tiling_on_sc=False)
    pass1 = pl.kernel(
        _pass1_body,
        out_type=(
            jax.ShapeDtypeStruct((E, S), jnp.float32),
            jax.ShapeDtypeStruct((NC * V, S), jnp.float32),
        ),
        mesh=mesh,
        scratch_types=(
            pltpu.VMEM((NROW, IW), jnp.int32),
            pltpu.VMEM((NROW, IW), jnp.int32),
            pltpu.VMEM((BLK, S), jnp.float32),
            pltpu.VMEM((BLK, S), jnp.float32),
            pltpu.VMEM((BLK, S), jnp.float32),
            pltpu.VMEM_SHARED((V, S), jnp.float32),
            pltpu.SemaphoreType.DMA,
            pltpu.SemaphoreType.DMA,
            pltpu.SemaphoreType.DMA,
        ),
        compiler_params=sc_params,
    )
    pass2 = pl.kernel(
        _pass2_body,
        out_type=(
            jax.ShapeDtypeStruct((E, S), jnp.float32),
            jax.ShapeDtypeStruct((NC * F, S), jnp.float32),
        ),
        mesh=mesh,
        scratch_types=(
            pltpu.VMEM((NROW, IW), jnp.int32),
            pltpu.VMEM((NROW, IW), jnp.int32),
            pltpu.VMEM((BLK, S), jnp.float32),
            pltpu.VMEM((BLK, S), jnp.float32),
            pltpu.VMEM_SHARED((F, S), jnp.float32),
            pltpu.SemaphoreType.DMA,
            pltpu.SemaphoreType.DMA,
            pltpu.SemaphoreType.DMA,
        ),
        compiler_params=sc_params,
    )
    return pass1, pass2

CR = NC * V // 8
HR = CR // 2

_SEG_SUM = np.kron(np.eye(8, dtype=np.float32),
                   np.ones((16, 1), np.float32))
_SEG_BCAST = np.kron(np.eye(8, dtype=np.float32),
                     np.ones((1, 16), np.float32))


def _dot(a, b):
    return jax.lax.dot_general(a, b, (((1,), (0,)), ((), ())),
                               preferred_element_type=jnp.float32,
                               precision=jax.lax.Precision.HIGHEST)


def _norm_body(p0_ref, p1_ref, ssum_ref, sbc_ref, o_ref):
    x = p0_ref[0] + p1_ref[0]
    lse = jnp.log(_dot(jnp.exp(x), ssum_ref[...]))
    o_ref[...] = x - _dot(lse, sbc_ref[...])


_norm = pl.pallas_call(
    _norm_body,
    grid=(1,),
    in_specs=[
        pl.BlockSpec((1, HR, 128), lambda i: (0, 0, 0)),
        pl.BlockSpec((1, HR, 128), lambda i: (1, 0, 0)),
        pl.BlockSpec((128, 8), lambda i: (0, 0)),
        pl.BlockSpec((8, 128), lambda i: (0, 0)),
    ],
    out_specs=pl.BlockSpec((HR, 128), lambda i: (0, 0)),
    out_shape=jax.ShapeDtypeStruct((HR, 128), jnp.float32),
)


def _mlp_body(p0_ref, p1_ref, w1_ref, b1_ref, w2_ref, b2_ref, o_ref):
    h = jnp.exp(p0_ref[0] + p1_ref[0])
    h = jnp.maximum(_dot(h, w1_ref[...]) + b1_ref[...], 0.0)
    h = _dot(h, w2_ref[...]) + b2_ref[...]
    h = SHIFT + jnp.maximum(h - SHIFT, 0.0)
    o_ref[...] = jnp.log(h)


_mlp = pl.pallas_call(
    _mlp_body,
    grid=(1,),
    in_specs=[
        pl.BlockSpec((1, HR, 128), lambda i: (0, 0, 0)),
        pl.BlockSpec((1, HR, 128), lambda i: (1, 0, 0)),
        pl.BlockSpec((128, 128), lambda i: (0, 0)),
        pl.BlockSpec((1, 128), lambda i: (0, 0)),
        pl.BlockSpec((128, 128), lambda i: (0, 0)),
        pl.BlockSpec((1, 128), lambda i: (0, 0)),
    ],
    out_specs=pl.BlockSpec((HR, 128), lambda i: (0, 0)),
    out_shape=jax.ShapeDtypeStruct((HR, 128), jnp.float32),
)


def kernel(prv_varToFactor_messages, prv_factorToVar_messages, prv_factor_beliefs,
           factorToVar_edge_index, W1, b1, W2, b2):
    fidx2 = factorToVar_edge_index[0].reshape(E // IW, IW)
    vidx2 = factorToVar_edge_index[1].reshape(E // IW, IW)

    _pass1, _pass2 = _build_sc_passes()
    f2v_messages, vb_part = _pass1(
        prv_factor_beliefs, fidx2, vidx2,
        prv_varToFactor_messages, prv_factorToVar_messages)

    vbp = vb_part.reshape(2, HR, 128)
    vb128 = _norm(vbp, vbp, jnp.asarray(_SEG_SUM), jnp.asarray(_SEG_BCAST))
    var_beliefs = vb128.reshape(V, S)

    v2f_messages, fb_part = _pass2(var_beliefs, vidx2, fidx2, f2v_messages)

    fbp = fb_part.reshape(2, HR, 128)
    eye8 = jnp.eye(8, dtype=jnp.float32)
    w1bd = jnp.kron(eye8, W1.T)
    w2bd = jnp.kron(eye8, W2.T)
    b1t = jnp.tile(b1, 8).reshape(1, 128)
    b2t = jnp.tile(b2, 8).reshape(1, 128)
    fb128 = _mlp(fbp, fbp, w1bd, b1t, w2bd, b2t)
    factor_beliefs = fb128.reshape(F, S)

    return v2f_messages, f2v_messages, var_beliefs, factor_beliefs

# --- scband reference (transcript-rebuilt; emitter-appended) ---
"""Pipeline reference for scband-factor-graph-msg-passing-layer-no-double-counting-13941463843340 (READ-ONLY COPY).

The authoritative reference and input builder live on the scoring server;
editing this copy changes nothing except your own understanding.
"""

import jax, jax.numpy as jnp
import numpy as np

NUM_VARS = 100000
NUM_FACTORS = 100000
NUM_EDGES = 1600000
S = 16
ALPHA = 0.5
SHIFT = 1e-19


def setup_inputs(seed: int = 0) -> dict:
    key = jax.random.key(seed)
    k1, k2, k3, k4 = jax.random.split(key, 4)
    prv_varToFactor_messages = 0.05 * jax.random.normal(k1, (NUM_EDGES, S), dtype=jnp.float32)
    prv_factorToVar_messages = 0.05 * jax.random.normal(k2, (NUM_EDGES, S), dtype=jnp.float32)
    prv_factor_beliefs = 0.05 * jax.random.normal(k3, (NUM_FACTORS, S), dtype=jnp.float32)
    factorToVar_edge_index = jax.random.randint(k4, (2, NUM_EDGES), 0, NUM_VARS, dtype=jnp.int32)
    # learned MLP params, initialized exactly as in __init__ (identity weights, zero bias)
    W1 = jnp.eye(S, dtype=jnp.float32)
    b1 = jnp.zeros((S,), dtype=jnp.float32)
    W2 = jnp.eye(S, dtype=jnp.float32)
    b2 = jnp.zeros((S,), dtype=jnp.float32)
    return {
        'prv_varToFactor_messages': prv_varToFactor_messages,
        'prv_factorToVar_messages': prv_factorToVar_messages,
        'prv_factor_beliefs': prv_factor_beliefs,
        'factorToVar_edge_index': factorToVar_edge_index,
        'W1': W1, 'b1': b1, 'W2': W2, 'b2': b2,
    }


def reference(prv_varToFactor_messages, prv_factorToVar_messages, prv_factor_beliefs,
              factorToVar_edge_index, W1, b1, W2, b2):
    fidx = factorToVar_edge_index[0]
    vidx = factorToVar_edge_index[1]

    # message_factorToVar: map factor beliefs to edges (gather), divide out (subtract in
    # log space) previously sent varToFactor messages to avoid double counting
    mapped_factor_beliefs = jnp.take(prv_factor_beliefs, fidx, axis=0)
    new_factorToVar = mapped_factor_beliefs - prv_varToFactor_messages

    # residual-weighted factorToVar messages
    factorToVar_messages = ALPHA * new_factorToVar + (1.0 - ALPHA) * prv_factorToVar_messages

    # var beliefs: scatter-add of incoming messages by destination variable
    var_beliefs = jax.ops.segment_sum(factorToVar_messages, vidx, num_segments=NUM_VARS)
    # normalize var beliefs in log space
    var_beliefs = var_beliefs - jax.nn.logsumexp(var_beliefs, axis=1, keepdims=True)

    # message_varToFactor: map var beliefs to edges (gather), divide out factorToVar messages
    mapped_var_beliefs = jnp.take(var_beliefs, vidx, axis=0)
    varToFactor_messages = mapped_var_beliefs - factorToVar_messages

    # factor beliefs: scatter-add of varToFactor messages by factor
    factor_beliefs_pre = jax.ops.segment_sum(varToFactor_messages, fidx, num_segments=NUM_FACTORS)

    # learn_BP MLP (logspace_mlp=False): exponentiate, run mlp = linear1 -> ReLU -> linear2
    # -> shifted ReLU (shift=1e-19), then log
    h = jnp.exp(factor_beliefs_pre)
    h = jnp.maximum(h @ W1.T + b1, 0.0)
    h = h @ W2.T + b2
    h = SHIFT + jnp.maximum(h - SHIFT, 0.0)
    factor_beliefs = jnp.log(h)

    return varToFactor_messages, factorToVar_messages, var_beliefs, factor_beliefs

if __name__ == "__main__":
    import jax
    _d = setup_inputs()
    print(jax.jit(kernel)(*tuple(_d.values())))

</pallas_src>

<mosaic_0001>
#map = affine_map<(d0, d1) -> (0, 0)>
module attributes {stable_mosaic.version = 14 : i64} {
  func.func @_pass1_body(%arg0: i32, %arg1: i32, %arg2: memref<100000x16xf32, #tpu.memory_space<hbm>>, %arg3: memref<12500x128xi32, #tpu.memory_space<hbm>>, %arg4: memref<12500x128xi32, #tpu.memory_space<hbm>>, %arg5: memref<1600000x16xf32, #tpu.memory_space<hbm>>, %arg6: memref<1600000x16xf32, #tpu.memory_space<hbm>>, %arg7: memref<1600000x16xf32, #tpu.memory_space<hbm>>, %arg8: memref<200000x16xf32, #tpu.memory_space<hbm>>, %arg9: memref<4x128xi32, #tpu.memory_space<vmem>>, %arg10: memref<4x128xi32, #tpu.memory_space<vmem>>, %arg11: memref<512x16xf32, #tpu.memory_space<vmem>>, %arg12: memref<512x16xf32, #tpu.memory_space<vmem>>, %arg13: memref<512x16xf32, #tpu.memory_space<vmem>>, %arg14: memref<100000x16xf32, #tpu.memory_space<vmem_shared>>, %arg15: memref<!tpu.dma_semaphore, #tpu.memory_space<semaphore_mem>>, %arg16: memref<!tpu.dma_semaphore, #tpu.memory_space<semaphore_mem>>, %arg17: memref<!tpu.dma_semaphore, #tpu.memory_space<semaphore_mem>>) attributes {dimension_semantics = [#tpu.dimension_semantics<core_parallel>, #tpu.dimension_semantics<subcore_parallel>], iteration_bounds = array<i64: 2, 16>, scalar_prefetch = 0 : i64, scratch_operands = 9 : i64, tpu.core_type = #tpu.core_type<sc_vector_subcore>, window_params = [{transform_indices = #map}, {transform_indices = #map}, {transform_indices = #map}, {transform_indices = #map}, {transform_indices = #map}, {transform_indices = #map}, {transform_indices = #map}]} {
    %mul3A = arith.constant 16 : i32
    %mul3A_0 = arith.muli %arg0, %mul3A : i32
    %add3A = arith.addi %mul3A_0, %arg1 : i32
    %scan3A = arith.constant 0 : i32
    %scan3A_1 = arith.constant 512 : i32
    %scan3A_2 = arith.addi %scan3A, %scan3A_1 : i32
    %scan3A_3 = arith.constant 1 : i32
    scf.for %scan3A_55 = %scan3A to %scan3A_2 step %scan3A_3  : i32 {
      %mul3A_56 = arith.constant 1 : i32
      %mul3A_57 = arith.muli %scan3A_55, %mul3A_56 : i32
      %add3A_58 = arith.constant 0 : i32
      %add3A_59 = arith.addi %add3A_58, %mul3A_57 : i32
      %broadcast_in_dim3A = arith.constant 0.000000e+00 : f32
      %broadcast_in_dim3A_60 = vector.broadcast %broadcast_in_dim3A : f32 to vector<16xf32>
      %swap3A = arith.index_cast %add3A_59 : i32 to index
      %swap3A_61 = arith.constant 0 : index
      %swap3A_62 = tpu.vector_load %arg11[%swap3A, %swap3A_61] {strides = array<i32>} : memref<512x16xf32, #tpu.memory_space<vmem>>, vector<1x16xf32>,
      %swap3A_63 = vector.shape_cast %swap3A_62 : vector<1x16xf32> to vector<16xf32>
      %swap3A_64 = vector.shape_cast %broadcast_in_dim3A_60 : vector<16xf32> to vector<1x16xf32>
      tpu.vector_store %arg11[%swap3A, %swap3A_61], %swap3A_64 {strides = array<i32>} : memref<512x16xf32, #tpu.memory_space<vmem>>, vector<1x16xf32>,
    }
    %scan3A_4 = arith.constant 512 : i32
    %mul3A_5 = arith.constant 6248 : i32
    %mul3A_6 = arith.muli %arg1, %mul3A_5 : i32
    %multiple_of3A = tpu.assume_multiple %mul3A_6, 8 : i32
    %add3A_7 = arith.constant 0 : i32
    %add3A_8 = arith.addi %multiple_of3A, %add3A_7 : i32
    "tpu.region"() ({
      %run_scoped3A = tpu.sem_alloc : memref<!tpu.dma_semaphore, #tpu.memory_space<semaphore_mem>>
      %dma_start3A = arith.constant 0 : i32
      %dma_start3A_55 = arith.constant 0 : i32
      %dma_start3A_56 = tpu.memref_slice %arg11[%dma_start3A, %dma_start3A_55] : memref<512x16xf32, #tpu.memory_space<vmem>> -> memref<512x16xf32, #tpu.memory_space<vmem>>
      %dma_start3A_57 = arith.constant 0 : i32
      %dma_start3A_58 = tpu.memref_slice %arg14[%add3A_8, %dma_start3A_57] : memref<100000x16xf32, #tpu.memory_space<vmem_shared>> -> memref<512x16xf32, #tpu.memory_space<vmem_shared>>
      %dma_start3A_59 = arith.constant 0 : i32
      %dma_start3A_60 = tpu.memref_slice %arg14[%add3A_8, %dma_start3A_59] : memref<100000x16xf32, #tpu.memory_space<vmem_shared>> -> memref<512x16xf32, #tpu.memory_space<vmem_shared>>
      %dma_start3A_61 = arith.constant 0 : i32
      %dma_start3A_62 = arith.constant 0 : i32
      %dma_start3A_63 = tpu.memref_slice %arg11[%dma_start3A_61, %dma_start3A_62] : memref<512x16xf32, #tpu.memory_space<vmem>> -> memref<512x16xf32, #tpu.memory_space<vmem>>
      tpu.enqueue_dma source(%dma_start3A_63 : memref<512x16xf32, #tpu.memory_space<vmem>>) target(%dma_start3A_60 : memref<512x16xf32, #tpu.memory_space<vmem_shared>>) target_semaphore(%run_scoped3A : memref<!tpu.dma_semaphore, #tpu.memory_space<semaphore_mem>>)
      %dma_wait3A = arith.constant 0 : i32
      %dma_wait3A_64 = arith.constant 0 : i32
      %dma_wait3A_65 = tpu.memref_slice %arg11[%dma_wait3A, %dma_wait3A_64] : memref<512x16xf32, #tpu.memory_space<vmem>> -> memref<512x16xf32, #tpu.memory_space<vmem>>
      %dma_wait3A_66 = arith.constant 0 : i32
      %dma_wait3A_67 = tpu.memref_slice %arg14[%add3A_8, %dma_wait3A_66] : memref<100000x16xf32, #tpu.memory_space<vmem_shared>> -> memref<512x16xf32, #tpu.memory_space<vmem_shared>>
      %dma_wait3A_68 = arith.constant 0 : i32
      %dma_wait3A_69 = tpu.memref_slice %arg14[%add3A_8, %dma_wait3A_68] : memref<100000x16xf32, #tpu.memory_space<vmem_shared>> -> memref<512x16xf32, #tpu.memory_space<vmem_shared>>
      %dma_wait3A_70 = arith.constant 0 : i32
      %dma_wait3A_71 = arith.constant 0 : i32
      %dma_wait3A_72 = tpu.memref_slice %arg11[%dma_wait3A_70, %dma_wait3A_71] : memref<512x16xf32, #tpu.memory_space<vmem>> -> memref<512x16xf32, #tpu.memory_space<vmem>>
      tpu.wait_dma2 semaphore(%run_scoped3A : memref<!tpu.dma_semaphore, #tpu.memory_space<semaphore_mem>>) src(%dma_wait3A_72 : memref<512x16xf32, #tpu.memory_space<vmem>>) dst(%dma_wait3A_69 : memref<512x16xf32, #tpu.memory_space<vmem_shared>>)
      tpu.yield
    }) : () -> ()
    %add3A_9 = arith.constant 512 : i32
    %add3A_10 = arith.addi %multiple_of3A, %add3A_9 : i32
    "tpu.region"() ({
      %run_scoped3A = tpu.sem_alloc : memref<!tpu.dma_semaphore, #tpu.memory_space<semaphore_mem>>
      %dma_start3A = arith.constant 0 : i32
      %dma_start3A_55 = arith.constant 0 : i32
      %dma_start3A_56 = tpu.memref_slice %arg11[%dma_start3A, %dma_start3A_55] : memref<512x16xf32, #tpu.memory_space<vmem>> -> memref<512x16xf32, #tpu.memory_space<vmem>>
      %dma_start3A_57 = arith.constant 0 : i32
      %dma_start3A_58 = tpu.memref_slice %arg14[%add3A_10, %dma_start3A_57] : memref<100000x16xf32, #tpu.memory_space<vmem_shared>> -> memref<512x16xf32, #tpu.memory_space<vmem_shared>>
      %dma_start3A_59 = arith.constant 0 : i32
      %dma_start3A_60 = tpu.memref_slice %arg14[%add3A_10, %dma_start3A_59] : memref<100000x16xf32, #tpu.memory_space<vmem_shared>> -> memref<512x16xf32, #tpu.memory_space<vmem_shared>>
      %dma_start3A_61 = arith.constant 0 : i32
      %dma_start3A_62 = arith.constant 0 : i32
      %dma_start3A_63 = tpu.memref_slice %arg11[%dma_start3A_61, %dma_start3A_62] : memref<512x16xf32, #tpu.memory_space<vmem>> -> memref<512x16xf32, #tpu.memory_space<vmem>>
      tpu.enqueue_dma source(%dma_start3A_63 : memref<512x16xf32, #tpu.memory_space<vmem>>) target(%dma_start3A_60 : memref<512x16xf32, #tpu.memory_space<vmem_shared>>) target_semaphore(%run_scoped3A : memref<!tpu.dma_semaphore, #tpu.memory_space<semaphore_mem>>)
      %dma_wait3A = arith.constant 0 : i32
      %dma_wait3A_64 = arith.constant 0 : i32
      %dma_wait3A_65 = tpu.memref_slice %arg11[%dma_wait3A, %dma_wait3A_64] : memref<512x16xf32, #tpu.memory_space<vmem>> -> memref<512x16xf32, #tpu.memory_space<vmem>>
      %dma_wait3A_66 = arith.constant 0 : i32
      %dma_wait3A_67 = tpu.memref_slice %arg14[%add3A_10, %dma_wait3A_66] : memref<100000x16xf32, #tpu.memory_space<vmem_shared>> -> memref<512x16xf32, #tpu.memory_space<vmem_shared>>
      %dma_wait3A_68 = arith.constant 0 : i32
      %dma_wait3A_69 = tpu.memref_slice %arg14[%add3A_10, %dma_wait3A_68] : memref<100000x16xf32, #tpu.memory_space<vmem_shared>> -> memref<512x16xf32, #tpu.memory_space<vmem_shared>>
      %dma_wait3A_70 = arith.constant 0 : i32
      %dma_wait3A_71 = arith.constant 0 : i32
      %dma_wait3A_72 = tpu.memref_slice %arg11[%dma_wait3A_70, %dma_wait3A_71] : memref<512x16xf32, #tpu.memory_space<vmem>> -> memref<512x16xf32, #tpu.memory_space<vmem>>
      tpu.wait_dma2 semaphore(%run_scoped3A : memref<!tpu.dma_semaphore, #tpu.memory_space<semaphore_mem>>) src(%dma_wait3A_72 : memref<512x16xf32, #tpu.memory_space<vmem>>) dst(%dma_wait3A_69 : memref<512x16xf32, #tpu.memory_space<vmem_shared>>)
      tpu.yield
    }) : () -> ()
    %add3A_11 = arith.constant 1024 : i32
    %add3A_12 = arith.addi %multiple_of3A, %add3A_11 : i32
    "tpu.region"() ({
      %run_scoped3A = tpu.sem_alloc : memref<!tpu.dma_semaphore, #tpu.memory_space<semaphore_mem>>
      %dma_start3A = arith.constant 0 : i32
      %dma_start3A_55 = arith.constant 0 : i32
      %dma_start3A_56 = tpu.memref_slice %arg11[%dma_start3A, %dma_start3A_55] : memref<512x16xf32, #tpu.memory_space<vmem>> -> memref<512x16xf32, #tpu.memory_space<vmem>>
      %dma_start3A_57 = arith.constant 0 : i32
      %dma_start3A_58 = tpu.memref_slice %arg14[%add3A_12, %dma_start3A_57] : memref<100000x16xf32, #tpu.memory_space<vmem_shared>> -> memref<512x16xf32, #tpu.memory_space<vmem_shared>>
      %dma_start3A_59 = arith.constant 0 : i32
      %dma_start3A_60 = tpu.memref_slice %arg14[%add3A_12, %dma_start3A_59] : memref<100000x16xf32, #tpu.memory_space<vmem_shared>> -> memref<512x16xf32, #tpu.memory_space<vmem_shared>>
      %dma_start3A_61 = arith.constant 0 : i32
      %dma_start3A_62 = arith.constant 0 : i32
      %dma_start3A_63 = tpu.memref_slice %arg11[%dma_start3A_61, %dma_start3A_62] : memref<512x16xf32, #tpu.memory_space<vmem>> -> memref<512x16xf32, #tpu.memory_space<vmem>>
      tpu.enqueue_dma source(%dma_start3A_63 : memref<512x16xf32, #tpu.memory_space<vmem>>) target(%dma_start3A_60 : memref<512x16xf32, #tpu.memory_space<vmem_shared>>) target_semaphore(%run_scoped3A : memref<!tpu.dma_semaphore, #tpu.memory_space<semaphore_mem>>)
      %dma_wait3A = arith.constant 0 : i32
      %dma_wait3A_64 = arith.constant 0 : i32
      %dma_wait3A_65 = tpu.memref_slice %arg11[%dma_wait3A, %dma_wait3A_64] : memref<512x16xf32, #tpu.memory_space<vmem>> -> memref<512x16xf32, #tpu.memory_space<vmem>>
      %dma_wait3A_66 = arith.constant 0 : i32
      %dma_wait3A_67 = tpu.memref_slice %arg14[%add3A_12, %dma_wait3A_66] : memref<100000x16xf32, #tpu.memory_space<vmem_shared>> -> memref<512x16xf32, #tpu.memory_space<vmem_shared>>
      %dma_wait3A_68 = arith.constant 0 : i32
      %dma_wait3A_69 = tpu.memref_slice %arg14[%add3A_12, %dma_wait3A_68] : memref<100000x16xf32, #tpu.memory_space<vmem_shared>> -> memref<512x16xf32, #tpu.memory_space<vmem_shared>>
      %dma_wait3A_70 = arith.constant 0 : i32
      %dma_wait3A_71 = arith.constant 0 : i32
      %dma_wait3A_72 = tpu.memref_slice %arg11[%dma_wait3A_70, %dma_wait3A_71] : memref<512x16xf32, #tpu.memory_space<vmem>> -> memref<512x16xf32, #tpu.memory_space<vmem>>
      tpu.wait_dma2 semaphore(%run_scoped3A : memref<!tpu.dma_semaphore, #tpu.memory_space<semaphore_mem>>) src(%dma_wait3A_72 : memref<512x16xf32, #tpu.memory_space<vmem>>) dst(%dma_wait3A_69 : memref<512x16xf32, #tpu.memory_space<vmem_shared>>)
      tpu.yield
    }) : () -> ()
    %add3A_13 = arith.constant 1536 : i32
    %add3A_14 = arith.addi %multiple_of3A, %add3A_13 : i32
    "tpu.region"() ({
      %run_scoped3A = tpu.sem_alloc : memref<!tpu.dma_semaphore, #tpu.memory_space<semaphore_mem>>
      %dma_start3A = arith.constant 0 : i32
      %dma_start3A_55 = arith.constant 0 : i32
      %dma_start3A_56 = tpu.memref_slice %arg11[%dma_start3A, %dma_start3A_55] : memref<512x16xf32, #tpu.memory_space<vmem>> -> memref<512x16xf32, #tpu.memory_space<vmem>>
      %dma_start3A_57 = arith.constant 0 : i32
      %dma_start3A_58 = tpu.memref_slice %arg14[%add3A_14, %dma_start3A_57] : memref<100000x16xf32, #tpu.memory_space<vmem_shared>> -> memref<512x16xf32, #tpu.memory_space<vmem_shared>>
      %dma_start3A_59 = arith.constant 0 : i32
      %dma_start3A_60 = tpu.memref_slice %arg14[%add3A_14, %dma_start3A_59] : memref<100000x16xf32, #tpu.memory_space<vmem_shared>> -> memref<512x16xf32, #tpu.memory_space<vmem_shared>>
      %dma_start3A_61 = arith.constant 0 : i32
      %dma_start3A_62 = arith.constant 0 : i32
      %dma_start3A_63 = tpu.memref_slice %arg11[%dma_start3A_61, %dma_start3A_62] : memref<512x16xf32, #tpu.memory_space<vmem>> -> memref<512x16xf32, #tpu.memory_space<vmem>>
      tpu.enqueue_dma source(%dma_start3A_63 : memref<512x16xf32, #tpu.memory_space<vmem>>) target(%dma_start3A_60 : memref<512x16xf32, #tpu.memory_space<vmem_shared>>) target_semaphore(%run_scoped3A : memref<!tpu.dma_semaphore, #tpu.memory_space<semaphore_mem>>)
      %dma_wait3A = arith.constant 0 : i32
      %dma_wait3A_64 = arith.constant 0 : i32
      %dma_wait3A_65 = tpu.memref_slice %arg11[%dma_wait3A, %dma_wait3A_64] : memref<512x16xf32, #tpu.memory_space<vmem>> -> memref<512x16xf32, #tpu.memory_space<vmem>>
      %dma_wait3A_66 = arith.constant 0 : i32
      %dma_wait3A_67 = tpu.memref_slice %arg14[%add3A_14, %dma_wait3A_66] : memref<100000x16xf32, #tpu.memory_space<vmem_shared>> -> memref<512x16xf32, #tpu.memory_space<vmem_shared>>
      %dma_wait3A_68 = arith.constant 0 : i32
      %dma_wait3A_69 = tpu.memref_slice %arg14[%add3A_14, %dma_wait3A_68] : memref<100000x16xf32, #tpu.memory_space<vmem_shared>> -> memref<512x16xf32, #tpu.memory_space<vmem_shared>>
      %dma_wait3A_70 = arith.constant 0 : i32
      %dma_wait3A_71 = arith.constant 0 : i32
      %dma_wait3A_72 = tpu.memref_slice %arg11[%dma_wait3A_70, %dma_wait3A_71] : memref<512x16xf32, #tpu.memory_space<vmem>> -> memref<512x16xf32, #tpu.memory_space<vmem>>
      tpu.wait_dma2 semaphore(%run_scoped3A : memref<!tpu.dma_semaphore, #tpu.memory_space<semaphore_mem>>) src(%dma_wait3A_72 : memref<512x16xf32, #tpu.memory_space<vmem>>) dst(%dma_wait3A_69 : memref<512x16xf32, #tpu.memory_space<vmem_shared>>)
      tpu.yield
    }) : () -> ()
    %add3A_15 = arith.constant 2048 : i32
    %add3A_16 = arith.addi %multiple_of3A, %add3A_15 : i32
    "tpu.region"() ({
      %run_scoped3A = tpu.sem_alloc : memref<!tpu.dma_semaphore, #tpu.memory_space<semaphore_mem>>
      %dma_start3A = arith.constant 0 : i32
      %dma_start3A_55 = arith.constant 0 : i32
      %dma_start3A_56 = tpu.memref_slice %arg11[%dma_start3A, %dma_start3A_55] : memref<512x16xf32, #tpu.memory_space<vmem>> -> memref<512x16xf32, #tpu.memory_space<vmem>>
      %dma_start3A_57 = arith.constant 0 : i32
      %dma_start3A_58 = tpu.memref_slice %arg14[%add3A_16, %dma_start3A_57] : memref<100000x16xf32, #tpu.memory_space<vmem_shared>> -> memref<512x16xf32, #tpu.memory_space<vmem_shared>>
      %dma_start3A_59 = arith.constant 0 : i32
      %dma_start3A_60 = tpu.memref_slice %arg14[%add3A_16, %dma_start3A_59] : memref<100000x16xf32, #tpu.memory_space<vmem_shared>> -> memref<512x16xf32, #tpu.memory_space<vmem_shared>>
      %dma_start3A_61 = arith.constant 0 : i32
      %dma_start3A_62 = arith.constant 0 : i32
      %dma_start3A_63 = tpu.memref_slice %arg11[%dma_start3A_61, %dma_start3A_62] : memref<512x16xf32, #tpu.memory_space<vmem>> -> memref<512x16xf32, #tpu.memory_space<vmem>>
      tpu.enqueue_dma source(%dma_start3A_63 : memref<512x16xf32, #tpu.memory_space<vmem>>) target(%dma_start3A_60 : memref<512x16xf32, #tpu.memory_space<vmem_shared>>) target_semaphore(%run_scoped3A : memref<!tpu.dma_semaphore, #tpu.memory_space<semaphore_mem>>)
      %dma_wait3A = arith.constant 0 : i32
      %dma_wait3A_64 = arith.constant 0 : i32
      %dma_wait3A_65 = tpu.memref_slice %arg11[%dma_wait3A, %dma_wait3A_64] : memref<512x16xf32, #tpu.memory_space<vmem>> -> memref<512x16xf32, #tpu.memory_space<vmem>>
      %dma_wait3A_66 = arith.constant 0 : i32
      %dma_wait3A_67 = tpu.memref_slice %arg14[%add3A_16, %dma_wait3A_66] : memref<100000x16xf32, #tpu.memory_space<vmem_shared>> -> memref<512x16xf32, #tpu.memory_space<vmem_shared>>
      %dma_wait3A_68 = arith.constant 0 : i32
      %dma_wait3A_69 = tpu.memref_slice %arg14[%add3A_16, %dma_wait3A_68] : memref<100000x16xf32, #tpu.memory_space<vmem_shared>> -> memref<512x16xf32, #tpu.memory_space<vmem_shared>>
      %dma_wait3A_70 = arith.constant 0 : i32
      %dma_wait3A_71 = arith.constant 0 : i32
      %dma_wait3A_72 = tpu.memref_slice %arg11[%dma_wait3A_70, %dma_wait3A_71] : memref<512x16xf32, #tpu.memory_space<vmem>> -> memref<512x16xf32, #tpu.memory_space<vmem>>
      tpu.wait_dma2 semaphore(%run_scoped3A : memref<!tpu.dma_semaphore, #tpu.memory_space<semaphore_mem>>) src(%dma_wait3A_72 : memref<512x16xf32, #tpu.memory_space<vmem>>) dst(%dma_wait3A_69 : memref<512x16xf32, #tpu.memory_space<vmem_shared>>)
      tpu.yield
    }) : () -> ()
    %add3A_17 = arith.constant 2560 : i32
    %add3A_18 = arith.addi %multiple_of3A, %add3A_17 : i32
    "tpu.region"() ({
      %run_scoped3A = tpu.sem_alloc : memref<!tpu.dma_semaphore, #tpu.memory_space<semaphore_mem>>
      %dma_start3A = arith.constant 0 : i32
      %dma_start3A_55 = arith.constant 0 : i32
      %dma_start3A_56 = tpu.memref_slice %arg11[%dma_start3A, %dma_start3A_55] : memref<512x16xf32, #tpu.memory_space<vmem>> -> memref<512x16xf32, #tpu.memory_space<vmem>>
      %dma_start3A_57 = arith.constant 0 : i32
      %dma_start3A_58 = tpu.memref_slice %arg14[%add3A_18, %dma_start3A_57] : memref<100000x16xf32, #tpu.memory_space<vmem_shared>> -> memref<512x16xf32, #tpu.memory_space<vmem_shared>>
      %dma_start3A_59 = arith.constant 0 : i32
      %dma_start3A_60 = tpu.memref_slice %arg14[%add3A_18, %dma_start3A_59] : memref<100000x16xf32, #tpu.memory_space<vmem_shared>> -> memref<512x16xf32, #tpu.memory_space<vmem_shared>>
      %dma_start3A_61 = arith.constant 0 : i32
      %dma_start3A_62 = arith.constant 0 : i32
      %dma_start3A_63 = tpu.memref_slice %arg11[%dma_start3A_61, %dma_start3A_62] : memref<512x16xf32, #tpu.memory_space<vmem>> -> memref<512x16xf32, #tpu.memory_space<vmem>>
      tpu.enqueue_dma source(%dma_start3A_63 : memref<512x16xf32, #tpu.memory_space<vmem>>) target(%dma_start3A_60 : memref<512x16xf32, #tpu.memory_space<vmem_shared>>) target_semaphore(%run_scoped3A : memref<!tpu.dma_semaphore, #tpu.memory_space<semaphore_mem>>)
      %dma_wait3A = arith.constant 0 : i32
      %dma_wait3A_64 = arith.constant 0 : i32
      %dma_wait3A_65 = tpu.memref_slice %arg11[%dma_wait3A, %dma_wait3A_64] : memref<512x16xf32, #tpu.memory_space<vmem>> -> memref<512x16xf32, #tpu.memory_space<vmem>>
      %dma_wait3A_66 = arith.constant 0 : i32
      %dma_wait3A_67 = tpu.memref_slice %arg14[%add3A_18, %dma_wait3A_66] : memref<100000x16xf32, #tpu.memory_space<vmem_shared>> -> memref<512x16xf32, #tpu.memory_space<vmem_shared>>
      %dma_wait3A_68 = arith.constant 0 : i32
      %dma_wait3A_69 = tpu.memref_slice %arg14[%add3A_18, %dma_wait3A_68] : memref<100000x16xf32, #tpu.memory_space<vmem_shared>> -> memref<512x16xf32, #tpu.memory_space<vmem_shared>>
      %dma_wait3A_70 = arith.constant 0 : i32
      %dma_wait3A_71 = arith.constant 0 : i32
      %dma_wait3A_72 = tpu.memref_slice %arg11[%dma_wait3A_70, %dma_wait3A_71] : memref<512x16xf32, #tpu.memory_space<vmem>> -> memref<512x16xf32, #tpu.memory_space<vmem>>
      tpu.wait_dma2 semaphore(%run_scoped3A : memref<!tpu.dma_semaphore, #tpu.memory_space<semaphore_mem>>) src(%dma_wait3A_72 : memref<512x16xf32, #tpu.memory_space<vmem>>) dst(%dma_wait3A_69 : memref<512x16xf32, #tpu.memory_space<vmem_shared>>)
      tpu.yield
    }) : () -> ()
    %add3A_19 = arith.constant 3072 : i32
    %add3A_20 = arith.addi %multiple_of3A, %add3A_19 : i32
    "tpu.region"() ({
      %run_scoped3A = tpu.sem_alloc : memref<!tpu.dma_semaphore, #tpu.memory_space<semaphore_mem>>
      %dma_start3A = arith.constant 0 : i32
      %dma_start3A_55 = arith.constant 0 : i32
      %dma_start3A_56 = tpu.memref_slice %arg11[%dma_start3A, %dma_start3A_55] : memref<512x16xf32, #tpu.memory_space<vmem>> -> memref<512x16xf32, #tpu.memory_space<vmem>>
      %dma_start3A_57 = arith.constant 0 : i32
      %dma_start3A_58 = tpu.memref_slice %arg14[%add3A_20, %dma_start3A_57] : memref<100000x16xf32, #tpu.memory_space<vmem_shared>> -> memref<512x16xf32, #tpu.memory_space<vmem_shared>>
      %dma_start3A_59 = arith.constant 0 : i32
      %dma_start3A_60 = tpu.memref_slice %arg14[%add3A_20, %dma_start3A_59] : memref<100000x16xf32, #tpu.memory_space<vmem_shared>> -> memref<512x16xf32, #tpu.memory_space<vmem_shared>>
      %dma_start3A_61 = arith.constant 0 : i32
      %dma_start3A_62 = arith.constant 0 : i32
      %dma_start3A_63 = tpu.memref_slice %arg11[%dma_start3A_61, %dma_start3A_62] : memref<512x16xf32, #tpu.memory_space<vmem>> -> memref<512x16xf32, #tpu.memory_space<vmem>>
      tpu.enqueue_dma source(%dma_start3A_63 : memref<512x16xf32, #tpu.memory_space<vmem>>) target(%dma_start3A_60 : memref<512x16xf32, #tpu.memory_space<vmem_shared>>) target_semaphore(%run_scoped3A : memref<!tpu.dma_semaphore, #tpu.memory_space<semaphore_mem>>)
      %dma_wait3A = arith.constant 0 : i32
      %dma_wait3A_64 = arith.constant 0 : i32
      %dma_wait3A_65 = tpu.memref_slice %arg11[%dma_wait3A, %dma_wait3A_64] : memref<512x16xf32, #tpu.memory_space<vmem>> -> memref<512x16xf32, #tpu.memory_space<vmem>>
      %dma_wait3A_66 = arith.constant 0 : i32
      %dma_wait3A_67 = tpu.memref_slice %arg14[%add3A_20, %dma_wait3A_66] : memref<100000x16xf32, #tpu.memory_space<vmem_shared>> -> memref<512x16xf32, #tpu.memory_space<vmem_shared>>
      %dma_wait3A_68 = arith.constant 0 : i32
      %dma_wait3A_69 = tpu.memref_slice %arg14[%add3A_20, %dma_wait3A_68] : memref<100000x16xf32, #tpu.memory_space<vmem_shared>> -> memref<512x16xf32, #tpu.memory_space<vmem_shared>>
      %dma_wait3A_70 = arith.constant 0 : i32
      %dma_wait3A_71 = arith.constant 0 : i32
      %dma_wait3A_72 = tpu.memref_slice %arg11[%dma_wait3A_70, %dma_wait3A_71] : memref<512x16xf32, #tpu.memory_space<vmem>> -> memref<512x16xf32, #tpu.memory_space<vmem>>
      tpu.wait_dma2 semaphore(%run_scoped3A : memref<!tpu.dma_semaphore, #tpu.memory_space<semaphore_mem>>) src(%dma_wait3A_72 : memref<512x16xf32, #tpu.memory_space<vmem>>) dst(%dma_wait3A_69 : memref<512x16xf32, #tpu.memory_space<vmem_shared>>)
      tpu.yield
    }) : () -> ()
    %add3A_21 = arith.constant 3584 : i32
    %add3A_22 = arith.addi %multiple_of3A, %add3A_21 : i32
    "tpu.region"() ({
      %run_scoped3A = tpu.sem_alloc : memref<!tpu.dma_semaphore, #tpu.memory_space<semaphore_mem>>
      %dma_start3A = arith.constant 0 : i32
      %dma_start3A_55 = arith.constant 0 : i32
      %dma_start3A_56 = tpu.memref_slice %arg11[%dma_start3A, %dma_start3A_55] : memref<512x16xf32, #tpu.memory_space<vmem>> -> memref<512x16xf32, #tpu.memory_space<vmem>>
      %dma_start3A_57 = arith.constant 0 : i32
      %dma_start3A_58 = tpu.memref_slice %arg14[%add3A_22, %dma_start3A_57] : memref<100000x16xf32, #tpu.memory_space<vmem_shared>> -> memref<512x16xf32, #tpu.memory_space<vmem_shared>>
      %dma_start3A_59 = arith.constant 0 : i32
      %dma_start3A_60 = tpu.memref_slice %arg14[%add3A_22, %dma_start3A_59] : memref<100000x16xf32, #tpu.memory_space<vmem_shared>> -> memref<512x16xf32, #tpu.memory_space<vmem_shared>>
      %dma_start3A_61 = arith.constant 0 : i32
      %dma_start3A_62 = arith.constant 0 : i32
      %dma_start3A_63 = tpu.memref_slice %arg11[%dma_start3A_61, %dma_start3A_62] : memref<512x16xf32, #tpu.memory_space<vmem>> -> memref<512x16xf32, #tpu.memory_space<vmem>>
      tpu.enqueue_dma source(%dma_start3A_63 : memref<512x16xf32, #tpu.memory_space<vmem>>) target(%dma_start3A_60 : memref<512x16xf32, #tpu.memory_space<vmem_shared>>) target_semaphore(%run_scoped3A : memref<!tpu.dma_semaphore, #tpu.memory_space<semaphore_mem>>)
      %dma_wait3A = arith.constant 0 : i32
      %dma_wait3A_64 = arith.constant 0 : i32
      %dma_wait3A_65 = tpu.memref_slice %arg11[%dma_wait3A, %dma_wait3A_64] : memref<512x16xf32, #tpu.memory_space<vmem>> -> memref<512x16xf32, #tpu.memory_space<vmem>>
      %dma_wait3A_66 = arith.constant 0 : i32
      %dma_wait3A_67 = tpu.memref_slice %arg14[%add3A_22, %dma_wait3A_66] : memref<100000x16xf32, #tpu.memory_space<vmem_shared>> -> memref<512x16xf32, #tpu.memory_space<vmem_shared>>
      %dma_wait3A_68 = arith.constant 0 : i32
      %dma_wait3A_69 = tpu.memref_slice %arg14[%add3A_22, %dma_wait3A_68] : memref<100000x16xf32, #tpu.memory_space<vmem_shared>> -> memref<512x16xf32, #tpu.memory_space<vmem_shared>>
      %dma_wait3A_70 = arith.constant 0 : i32
      %dma_wait3A_71 = arith.constant 0 : i32
      %dma_wait3A_72 = tpu.memref_slice %arg11[%dma_wait3A_70, %dma_wait3A_71] : memref<512x16xf32, #tpu.memory_space<vmem>> -> memref<512x16xf32, #tpu.memory_space<vmem>>
      tpu.wait_dma2 semaphore(%run_scoped3A : memref<!tpu.dma_semaphore, #tpu.memory_space<semaphore_mem>>) src(%dma_wait3A_72 : memref<512x16xf32, #tpu.memory_space<vmem>>) dst(%dma_wait3A_69 : memref<512x16xf32, #tpu.memory_space<vmem_shared>>)
      tpu.yield
    }) : () -> ()
    %add3A_23 = arith.constant 4096 : i32
    %add3A_24 = arith.addi %multiple_of3A, %add3A_23 : i32
    "tpu.region"() ({
      %run_scoped3A = tpu.sem_alloc : memref<!tpu.dma_semaphore, #tpu.memory_space<semaphore_mem>>
      %dma_start3A = arith.constant 0 : i32
      %dma_start3A_55 = arith.constant 0 : i32
      %dma_start3A_56 = tpu.memref_slice %arg11[%dma_start3A, %dma_start3A_55] : memref<512x16xf32, #tpu.memory_space<vmem>> -> memref<512x16xf32, #tpu.memory_space<vmem>>
      %dma_start3A_57 = arith.constant 0 : i32
      %dma_start3A_58 = tpu.memref_slice %arg14[%add3A_24, %dma_start3A_57] : memref<100000x16xf32, #tpu.memory_space<vmem_shared>> -> memref<512x16xf32, #tpu.memory_space<vmem_shared>>
      %dma_start3A_59 = arith.constant 0 : i32
      %dma_start3A_60 = tpu.memref_slice %arg14[%add3A_24, %dma_start3A_59] : memref<100000x16xf32, #tpu.memory_space<vmem_shared>> -> memref<512x16xf32, #tpu.memory_space<vmem_shared>>
      %dma_start3A_61 = arith.constant 0 : i32
      %dma_start3A_62 = arith.constant 0 : i32
      %dma_start3A_63 = tpu.memref_slice %arg11[%dma_start3A_61, %dma_start3A_62] : memref<512x16xf32, #tpu.memory_space<vmem>> -> memref<512x16xf32, #tpu.memory_space<vmem>>
      tpu.enqueue_dma source(%dma_start3A_63 : memref<512x16xf32, #tpu.memory_space<vmem>>) target(%dma_start3A_60 : memref<512x16xf32, #tpu.memory_space<vmem_shared>>) target_semaphore(%run_scoped3A : memref<!tpu.dma_semaphore, #tpu.memory_space<semaphore_mem>>)
      %dma_wait3A = arith.constant 0 : i32
      %dma_wait3A_64 = arith.constant 0 : i32
      %dma_wait3A_65 = tpu.memref_slice %arg11[%dma_wait3A, %dma_wait3A_64] : memref<512x16xf32, #tpu.memory_space<vmem>> -> memref<512x16xf32, #tpu.memory_space<vmem>>
      %dma_wait3A_66 = arith.constant 0 : i32
      %dma_wait3A_67 = tpu.memref_slice %arg14[%add3A_24, %dma_wait3A_66] : memref<100000x16xf32, #tpu.memory_space<vmem_shared>> -> memref<512x16xf32, #tpu.memory_space<vmem_shared>>
      %dma_wait3A_68 = arith.constant 0 : i32
      %dma_wait3A_69 = tpu.memref_slice %arg14[%add3A_24, %dma_wait3A_68] : memref<100000x16xf32, #tpu.memory_space<vmem_shared>> -> memref<512x16xf32, #tpu.memory_space<vmem_shared>>
      %dma_wait3A_70 = arith.constant 0 : i32
      %dma_wait3A_71 = arith.constant 0 : i32
      %dma_wait3A_72 = tpu.memref_slice %arg11[%dma_wait3A_70, %dma_wait3A_71] : memref<512x16xf32, #tpu.memory_space<vmem>> -> memref<512x16xf32, #tpu.memory_space<vmem>>
      tpu.wait_dma2 semaphore(%run_scoped3A : memref<!tpu.dma_semaphore, #tpu.memory_space<semaphore_mem>>) src(%dma_wait3A_72 : memref<512x16xf32, #tpu.memory_space<vmem>>) dst(%dma_wait3A_69 : memref<512x16xf32, #tpu.memory_space<vmem_shared>>)
      tpu.yield
    }) : () -> ()
    %add3A_25 = arith.constant 4608 : i32
    %add3A_26 = arith.addi %multiple_of3A, %add3A_25 : i32
    "tpu.region"() ({
      %run_scoped3A = tpu.sem_alloc : memref<!tpu.dma_semaphore, #tpu.memory_space<semaphore_mem>>
      %dma_start3A = arith.constant 0 : i32
      %dma_start3A_55 = arith.constant 0 : i32
      %dma_start3A_56 = tpu.memref_slice %arg11[%dma_start3A, %dma_start3A_55] : memref<512x16xf32, #tpu.memory_space<vmem>> -> memref<512x16xf32, #tpu.memory_space<vmem>>
      %dma_start3A_57 = arith.constant 0 : i32
      %dma_start3A_58 = tpu.memref_slice %arg14[%add3A_26, %dma_start3A_57] : memref<100000x16xf32, #tpu.memory_space<vmem_shared>> -> memref<512x16xf32, #tpu.memory_space<vmem_shared>>
      %dma_start3A_59 = arith.constant 0 : i32
      %dma_start3A_60 = tpu.memref_slice %arg14[%add3A_26, %dma_start3A_59] : memref<100000x16xf32, #tpu.memory_space<vmem_shared>> -> memref<512x16xf32, #tpu.memory_space<vmem_shared>>
      %dma_start3A_61 = arith.constant 0 : i32
      %dma_start3A_62 = arith.constant 0 : i32
      %dma_start3A_63 = tpu.memref_slice %arg11[%dma_start3A_61, %dma_start3A_62] : memref<512x16xf32, #tpu.memory_space<vmem>> -> memref<512x16xf32, #tpu.memory_space<vmem>>
      tpu.enqueue_dma source(%dma_start3A_63 : memref<512x16xf32, #tpu.memory_space<vmem>>) target(%dma_start3A_60 : memref<512x16xf32, #tpu.memory_space<vmem_shared>>) target_semaphore(%run_scoped3A : memref<!tpu.dma_semaphore, #tpu.memory_space<semaphore_mem>>)
      %dma_wait3A = arith.constant 0 : i32
      %dma_wait3A_64 = arith.constant 0 : i32
      %dma_wait3A_65 = tpu.memref_slice %arg11[%dma_wait3A, %dma_wait3A_64] : memref<512x16xf32, #tpu.memory_space<vmem>> -> memref<512x16xf32, #tpu.memory_space<vmem>>
      %dma_wait3A_66 = arith.constant 0 : i32
      %dma_wait3A_67 = tpu.memref_slice %arg14[%add3A_26, %dma_wait3A_66] : memref<100000x16xf32, #tpu.memory_space<vmem_shared>> -> memref<512x16xf32, #tpu.memory_space<vmem_shared>>
      %dma_wait3A_68 = arith.constant 0 : i32
      %dma_wait3A_69 = tpu.memref_slice %arg14[%add3A_26, %dma_wait3A_68] : memref<100000x16xf32, #tpu.memory_space<vmem_shared>> -> memref<512x16xf32, #tpu.memory_space<vmem_shared>>
      %dma_wait3A_70 = arith.constant 0 : i32
      %dma_wait3A_71 = arith.constant 0 : i32
      %dma_wait3A_72 = tpu.memref_slice %arg11[%dma_wait3A_70, %dma_wait3A_71] : memref<512x16xf32, #tpu.memory_space<vmem>> -> memref<512x16xf32, #tpu.memory_space<vmem>>
      tpu.wait_dma2 semaphore(%run_scoped3A : memref<!tpu.dma_semaphore, #tpu.memory_space<semaphore_mem>>) src(%dma_wait3A_72 : memref<512x16xf32, #tpu.memory_space<vmem>>) dst(%dma_wait3A_69 : memref<512x16xf32, #tpu.memory_space<vmem_shared>>)
      tpu.yield
    }) : () -> ()
    %add3A_27 = arith.constant 5120 : i32
    %add3A_28 = arith.addi %multiple_of3A, %add3A_27 : i32
    "tpu.region"() ({
      %run_scoped3A = tpu.sem_alloc : memref<!tpu.dma_semaphore, #tpu.memory_space<semaphore_mem>>
      %dma_start3A = arith.constant 0 : i32
      %dma_start3A_55 = arith.constant 0 : i32
      %dma_start3A_56 = tpu.memref_slice %arg11[%dma_start3A, %dma_start3A_55] : memref<512x16xf32, #tpu.memory_space<vmem>> -> memref<512x16xf32, #tpu.memory_space<vmem>>
      %dma_start3A_57 = arith.constant 0 : i32
      %dma_start3A_58 = tpu.memref_slice %arg14[%add3A_28, %dma_start3A_57] : memref<100000x16xf32, #tpu.memory_space<vmem_shared>> -> memref<512x16xf32, #tpu.memory_space<vmem_shared>>
      %dma_start3A_59 = arith.constant 0 : i32
      %dma_start3A_60 = tpu.memref_slice %arg14[%add3A_28, %dma_start3A_59] : memref<100000x16xf32, #tpu.memory_space<vmem_shared>> -> memref<512x16xf32, #tpu.memory_space<vmem_shared>>
      %dma_start3A_61 = arith.constant 0 : i32
      %dma_start3A_62 = arith.constant 0 : i32
      %dma_start3A_63 = tpu.memref_slice %arg11[%dma_start3A_61, %dma_start3A_62] : memref<512x16xf32, #tpu.memory_space<vmem>> -> memref<512x16xf32, #tpu.memory_space<vmem>>
      tpu.enqueue_dma source(%dma_start3A_63 : memref<512x16xf32, #tpu.memory_space<vmem>>) target(%dma_start3A_60 : memref<512x16xf32, #tpu.memory_space<vmem_shared>>) target_semaphore(%run_scoped3A : memref<!tpu.dma_semaphore, #tpu.memory_space<semaphore_mem>>)
      %dma_wait3A = arith.constant 0 : i32
      %dma_wait3A_64 = arith.constant 0 : i32
      %dma_wait3A_65 = tpu.memref_slice %arg11[%dma_wait3A, %dma_wait3A_64] : memref<512x16xf32, #tpu.memory_space<vmem>> -> memref<512x16xf32, #tpu.memory_space<vmem>>
      %dma_wait3A_66 = arith.constant 0 : i32
      %dma_wait3A_67 = tpu.memref_slice %arg14[%add3A_28, %dma_wait3A_66] : memref<100000x16xf32, #tpu.memory_space<vmem_shared>> -> memref<512x16xf32, #tpu.memory_space<vmem_shared>>
      %dma_wait3A_68 = arith.constant 0 : i32
      %dma_wait3A_69 = tpu.memref_slice %arg14[%add3A_28, %dma_wait3A_68] : memref<100000x16xf32, #tpu.memory_space<vmem_shared>> -> memref<512x16xf32, #tpu.memory_space<vmem_shared>>
      %dma_wait3A_70 = arith.constant 0 : i32
      %dma_wait3A_71 = arith.constant 0 : i32
      %dma_wait3A_72 = tpu.memref_slice %arg11[%dma_wait3A_70, %dma_wait3A_71] : memref<512x16xf32, #tpu.memory_space<vmem>> -> memref<512x16xf32, #tpu.memory_space<vmem>>
      tpu.wait_dma2 semaphore(%run_scoped3A : memref<!tpu.dma_semaphore, #tpu.memory_space<semaphore_mem>>) src(%dma_wait3A_72 : memref<512x16xf32, #tpu.memory_space<vmem>>) dst(%dma_wait3A_69 : memref<512x16xf32, #tpu.memory_space<vmem_shared>>)
      tpu.yield
    }) : () -> ()
    %add3A_29 = arith.constant 5632 : i32
    %add3A_30 = arith.addi %multiple_of3A, %add3A_29 : i32
    "tpu.region"() ({
      %run_scoped3A = tpu.sem_alloc : memref<!tpu.dma_semaphore, #tpu.memory_space<semaphore_mem>>
      %dma_start3A = arith.constant 0 : i32
      %dma_start3A_55 = arith.constant 0 : i32
      %dma_start3A_56 = tpu.memref_slice %arg11[%dma_start3A, %dma_start3A_55] : memref<512x16xf32, #tpu.memory_space<vmem>> -> memref<512x16xf32, #tpu.memory_space<vmem>>
      %dma_start3A_57 = arith.constant 0 : i32
      %dma_start3A_58 = tpu.memref_slice %arg14[%add3A_30, %dma_start3A_57] : memref<100000x16xf32, #tpu.memory_space<vmem_shared>> -> memref<512x16xf32, #tpu.memory_space<vmem_shared>>
      %dma_start3A_59 = arith.constant 0 : i32
      %dma_start3A_60 = tpu.memref_slice %arg14[%add3A_30, %dma_start3A_59] : memref<100000x16xf32, #tpu.memory_space<vmem_shared>> -> memref<512x16xf32, #tpu.memory_space<vmem_shared>>
      %dma_start3A_61 = arith.constant 0 : i32
      %dma_start3A_62 = arith.constant 0 : i32
      %dma_start3A_63 = tpu.memref_slice %arg11[%dma_start3A_61, %dma_start3A_62] : memref<512x16xf32, #tpu.memory_space<vmem>> -> memref<512x16xf32, #tpu.memory_space<vmem>>
      tpu.enqueue_dma source(%dma_start3A_63 : memref<512x16xf32, #tpu.memory_space<vmem>>) target(%dma_start3A_60 : memref<512x16xf32, #tpu.memory_space<vmem_shared>>) target_semaphore(%run_scoped3A : memref<!tpu.dma_semaphore, #tpu.memory_space<semaphore_mem>>)
      %dma_wait3A = arith.constant 0 : i32
      %dma_wait3A_64 = arith.constant 0 : i32
      %dma_wait3A_65 = tpu.memref_slice %arg11[%dma_wait3A, %dma_wait3A_64] : memref<512x16xf32, #tpu.memory_space<vmem>> -> memref<512x16xf32, #tpu.memory_space<vmem>>
      %dma_wait3A_66 = arith.constant 0 : i32
      %dma_wait3A_67 = tpu.memref_slice %arg14[%add3A_30, %dma_wait3A_66] : memref<100000x16xf32, #tpu.memory_space<vmem_shared>> -> memref<512x16xf32, #tpu.memory_space<vmem_shared>>
      %dma_wait3A_68 = arith.constant 0 : i32
      %dma_wait3A_69 = tpu.memref_slice %arg14[%add3A_30, %dma_wait3A_68] : memref<100000x16xf32, #tpu.memory_space<vmem_shared>> -> memref<512x16xf32, #tpu.memory_space<vmem_shared>>
      %dma_wait3A_70 = arith.constant 0 : i32
      %dma_wait3A_71 = arith.constant 0 : i32
      %dma_wait3A_72 = tpu.memref_slice %arg11[%dma_wait3A_70, %dma_wait3A_71] : memref<512x16xf32, #tpu.memory_space<vmem>> -> memref<512x16xf32, #tpu.memory_space<vmem>>
      tpu.wait_dma2 semaphore(%run_scoped3A : memref<!tpu.dma_semaphore, #tpu.memory_space<semaphore_mem>>) src(%dma_wait3A_72 : memref<512x16xf32, #tpu.memory_space<vmem>>) dst(%dma_wait3A_69 : memref<512x16xf32, #tpu.memory_space<vmem_shared>>)
      tpu.yield
    }) : () -> ()
    %add3A_31 = arith.constant 6144 : i32
    %add3A_32 = arith.addi %multiple_of3A, %add3A_31 : i32
    "tpu.region"() ({
      %run_scoped3A = tpu.sem_alloc : memref<!tpu.dma_semaphore, #tpu.memory_space<semaphore_mem>>
      %dma_start3A = arith.constant 0 : i32
      %dma_start3A_55 = arith.constant 0 : i32
      %dma_start3A_56 = tpu.memref_slice %arg11[%dma_start3A, %dma_start3A_55] : memref<512x16xf32, #tpu.memory_space<vmem>> -> memref<104x16xf32, #tpu.memory_space<vmem>>
      %dma_start3A_57 = arith.constant 0 : i32
      %dma_start3A_58 = tpu.memref_slice %arg14[%add3A_32, %dma_start3A_57] : memref<100000x16xf32, #tpu.memory_space<vmem_shared>> -> memref<104x16xf32, #tpu.memory_space<vmem_shared>>
      %dma_start3A_59 = arith.constant 0 : i32
      %dma_start3A_60 = tpu.memref_slice %arg14[%add3A_32, %dma_start3A_59] : memref<100000x16xf32, #tpu.memory_space<vmem_shared>> -> memref<104x16xf32, #tpu.memory_space<vmem_shared>>
      %dma_start3A_61 = arith.constant 0 : i32
      %dma_start3A_62 = arith.constant 0 : i32
      %dma_start3A_63 = tpu.memref_slice %arg11[%dma_start3A_61, %dma_start3A_62] : memref<512x16xf32, #tpu.memory_space<vmem>> -> memref<104x16xf32, #tpu.memory_space<vmem>>
      tpu.enqueue_dma source(%dma_start3A_63 : memref<104x16xf32, #tpu.memory_space<vmem>>) target(%dma_start3A_60 : memref<104x16xf32, #tpu.memory_space<vmem_shared>>) target_semaphore(%run_scoped3A : memref<!tpu.dma_semaphore, #tpu.memory_space<semaphore_mem>>)
      %dma_wait3A = arith.constant 0 : i32
      %dma_wait3A_64 = arith.constant 0 : i32
      %dma_wait3A_65 = tpu.memref_slice %arg11[%dma_wait3A, %dma_wait3A_64] : memref<512x16xf32, #tpu.memory_space<vmem>> -> memref<104x16xf32, #tpu.memory_space<vmem>>
      %dma_wait3A_66 = arith.constant 0 : i32
      %dma_wait3A_67 = tpu.memref_slice %arg14[%add3A_32, %dma_wait3A_66] : memref<100000x16xf32, #tpu.memory_space<vmem_shared>> -> memref<104x16xf32, #tpu.memory_space<vmem_shared>>
      %dma_wait3A_68 = arith.constant 0 : i32
      %dma_wait3A_69 = tpu.memref_slice %arg14[%add3A_32, %dma_wait3A_68] : memref<100000x16xf32, #tpu.memory_space<vmem_shared>> -> memref<104x16xf32, #tpu.memory_space<vmem_shared>>
      %dma_wait3A_70 = arith.constant 0 : i32
      %dma_wait3A_71 = arith.constant 0 : i32
      %dma_wait3A_72 = tpu.memref_slice %arg11[%dma_wait3A_70, %dma_wait3A_71] : memref<512x16xf32, #tpu.memory_space<vmem>> -> memref<104x16xf32, #tpu.memory_space<vmem>>
      tpu.wait_dma2 semaphore(%run_scoped3A : memref<!tpu.dma_semaphore, #tpu.memory_space<semaphore_mem>>) src(%dma_wait3A_72 : memref<104x16xf32, #tpu.memory_space<vmem>>) dst(%dma_wait3A_69 : memref<104x16xf32, #tpu.memory_space<vmem_shared>>)
      tpu.yield
    }) : () -> ()
    %eq3A = arith.constant 15 : i32
    %eq3A_33 = arith.cmpi eq, %arg1, %eq3A : i32
    %convert_element_type3A = arith.extui %eq3A_33 : i1 to i32
    %cond3A = arith.constant 0 : i32
    %cond3A_34 = arith.cmpi ne, %convert_element_type3A, %cond3A : i32
    scf.if %cond3A_34 {
      "tpu.region"() ({
        %run_scoped3A = tpu.sem_alloc : memref<!tpu.dma_semaphore, #tpu.memory_space<semaphore_mem>>
        %dma_start3A = arith.constant 0 : i32
        %dma_start3A_55 = arith.constant 0 : i32
        %dma_start3A_56 = tpu.memref_slice %arg11[%dma_start3A, %dma_start3A_55] : memref<512x16xf32, #tpu.memory_space<vmem>> -> memref<32x16xf32, #tpu.memory_space<vmem>>
        %dma_start3A_57 = arith.constant 99968 : i32
        %dma_start3A_58 = arith.constant 0 : i32
        %dma_start3A_59 = tpu.memref_slice %arg14[%dma_start3A_57, %dma_start3A_58] : memref<100000x16xf32, #tpu.memory_space<vmem_shared>> -> memref<32x16xf32, #tpu.memory_space<vmem_shared>>
        %dma_start3A_60 = arith.constant 99968 : i32
        %dma_start3A_61 = arith.constant 0 : i32
        %dma_start3A_62 = tpu.memref_slice %arg14[%dma_start3A_60, %dma_start3A_61] : memref<100000x16xf32, #tpu.memory_space<vmem_shared>> -> memref<32x16xf32, #tpu.memory_space<vmem_shared>>
        %dma_start3A_63 = arith.constant 0 : i32
        %dma_start3A_64 = arith.constant 0 : i32
        %dma_start3A_65 = tpu.memref_slice %arg11[%dma_start3A_63, %dma_start3A_64] : memref<512x16xf32, #tpu.memory_space<vmem>> -> memref<32x16xf32, #tpu.memory_space<vmem>>
        tpu.enqueue_dma source(%dma_start3A_65 : memref<32x16xf32, #tpu.memory_space<vmem>>) target(%dma_start3A_62 : memref<32x16xf32, #tpu.memory_space<vmem_shared>>) target_semaphore(%run_scoped3A : memref<!tpu.dma_semaphore, #tpu.memory_space<semaphore_mem>>)
        %dma_wait3A = arith.constant 0 : i32
        %dma_wait3A_66 = arith.constant 0 : i32
        %dma_wait3A_67 = tpu.memref_slice %arg11[%dma_wait3A, %dma_wait3A_66] : memref<512x16xf32, #tpu.memory_space<vmem>> -> memref<32x16xf32, #tpu.memory_space<vmem>>
        %dma_wait3A_68 = arith.constant 99968 : i32
        %dma_wait3A_69 = arith.constant 0 : i32
        %dma_wait3A_70 = tpu.memref_slice %arg14[%dma_wait3A_68, %dma_wait3A_69] : memref<100000x16xf32, #tpu.memory_space<vmem_shared>> -> memref<32x16xf32, #tpu.memory_space<vmem_shared>>
        %dma_wait3A_71 = arith.constant 99968 : i32
        %dma_wait3A_72 = arith.constant 0 : i32
        %dma_wait3A_73 = tpu.memref_slice %arg14[%dma_wait3A_71, %dma_wait3A_72] : memref<100000x16xf32, #tpu.memory_space<vmem_shared>> -> memref<32x16xf32, #tpu.memory_space<vmem_shared>>
        %dma_wait3A_74 = arith.constant 0 : i32
        %dma_wait3A_75 = arith.constant 0 : i32
        %dma_wait3A_76 = tpu.memref_slice %arg11[%dma_wait3A_74, %dma_wait3A_75] : memref<512x16xf32, #tpu.memory_space<vmem>> -> memref<32x16xf32, #tpu.memory_space<vmem>>
        tpu.wait_dma2 semaphore(%run_scoped3A : memref<!tpu.dma_semaphore, #tpu.memory_space<semaphore_mem>>) src(%dma_wait3A_76 : memref<32x16xf32, #tpu.memory_space<vmem>>) dst(%dma_wait3A_73 : memref<32x16xf32, #tpu.memory_space<vmem_shared>>)
        tpu.yield
      }) : () -> ()
    } else {
    }
    %barrier3A = arith.constant 0 : index
    tpu.barrier barrier_id(%barrier3A)
    %scan3A_35 = arith.constant 0 : i32
    %scan3A_36 = arith.constant 98 : i32
    %scan3A_37 = arith.addi %scan3A_35, %scan3A_36 : i32
    %scan3A_38 = arith.constant 1 : i32
    scf.for %scan3A_55 = %scan3A_35 to %scan3A_37 step %scan3A_38  : i32 {
      %mul3A_56 = arith.constant 1 : i32
      %mul3A_57 = arith.muli %scan3A_55, %mul3A_56 : i32
      %add3A_58 = arith.constant 0 : i32
      %add3A_59 = arith.addi %add3A_58, %mul3A_57 : i32
      %mul3A_60 = arith.constant 32 : i32
      %mul3A_61 = arith.muli %add3A_59, %mul3A_60 : i32
      %add3A_62 = arith.addi %mul3A_61, %add3A : i32
      %lt3A = arith.constant 3125 : i32
      %lt3A_63 = arith.cmpi slt, %add3A_62, %lt3A : i32
      %convert_element_type3A_64 = arith.extui %lt3A_63 : i1 to i32
      %cond3A_65 = arith.constant 0 : i32
      %cond3A_66 = arith.cmpi ne, %convert_element_type3A_64, %cond3A_65 : i32
      scf.if %cond3A_66 {
        %mul3A_67 = arith.constant 512 : i32
        %mul3A_68 = arith.muli %add3A_62, %mul3A_67 : i32
        %multiple_of3A_69 = tpu.assume_multiple %mul3A_68, 512 : i32
        %mul3A_70 = arith.constant 4 : i32
        %mul3A_71 = arith.muli %add3A_62, %mul3A_70 : i32
        %multiple_of3A_72 = tpu.assume_multiple %mul3A_71, 4 : i32
        %dma_start3A = arith.constant 0 : i32
        %dma_start3A_73 = tpu.memref_slice %arg3[%multiple_of3A_72, %dma_start3A] : memref<12500x128xi32, #tpu.memory_space<hbm>> -> memref<4x128xi32, #tpu.memory_space<hbm>>
        %dma_start3A_74 = arith.constant 0 : i32
        %dma_start3A_75 = tpu.memref_slice %arg3[%multiple_of3A_72, %dma_start3A_74] : memref<12500x128xi32, #tpu.memory_space<hbm>> -> memref<4x128xi32, #tpu.memory_space<hbm>>
        tpu.enqueue_dma source(%dma_start3A_75 : memref<4x128xi32, #tpu.memory_space<hbm>>) target(%arg9 : memref<4x128xi32, #tpu.memory_space<vmem>>) target_semaphore(%arg15 : memref<!tpu.dma_semaphore, #tpu.memory_space<semaphore_mem>>)
        %dma_start3A_76 = arith.constant 0 : i32
        %dma_start3A_77 = tpu.memref_slice %arg4[%multiple_of3A_72, %dma_start3A_76] : memref<12500x128xi32, #tpu.memory_space<hbm>> -> memref<4x128xi32, #tpu.memory_space<hbm>>
        %dma_start3A_78 = arith.constant 0 : i32
        %dma_start3A_79 = tpu.memref_slice %arg4[%multiple_of3A_72, %dma_start3A_78] : memref<12500x128xi32, #tpu.memory_space<hbm>> -> memref<4x128xi32, #tpu.memory_space<hbm>>
        tpu.enqueue_dma source(%dma_start3A_79 : memref<4x128xi32, #tpu.memory_space<hbm>>) target(%arg10 : memref<4x128xi32, #tpu.memory_space<vmem>>) target_semaphore(%arg15 : memref<!tpu.dma_semaphore, #tpu.memory_space<semaphore_mem>>)
        %dma_start3A_80 = arith.constant 0 : i32
        %dma_start3A_81 = tpu.memref_slice %arg5[%multiple_of3A_69, %dma_start3A_80] : memref<1600000x16xf32, #tpu.memory_space<hbm>> -> memref<512x16xf32, #tpu.memory_space<hbm>>
        %dma_start3A_82 = arith.constant 0 : i32
        %dma_start3A_83 = tpu.memref_slice %arg5[%multiple_of3A_69, %dma_start3A_82] : memref<1600000x16xf32, #tpu.memory_space<hbm>> -> memref<512x16xf32, #tpu.memory_space<hbm>>
        tpu.enqueue_dma source(%dma_start3A_83 : memref<512x16xf32, #tpu.memory_space<hbm>>) target(%arg12 : memref<512x16xf32, #tpu.memory_space<vmem>>) target_semaphore(%arg16 : memref<!tpu.dma_semaphore, #tpu.memory_space<semaphore_mem>>)
        %dma_start3A_84 = arith.constant 0 : i32
        %dma_start3A_85 = tpu.memref_slice %arg6[%multiple_of3A_69, %dma_start3A_84] : memref<1600000x16xf32, #tpu.memory_space<hbm>> -> memref<512x16xf32, #tpu.memory_space<hbm>>
        %dma_start3A_86 = arith.constant 0 : i32
        %dma_start3A_87 = tpu.memref_slice %arg6[%multiple_of3A_69, %dma_start3A_86] : memref<1600000x16xf32, #tpu.memory_space<hbm>> -> memref<512x16xf32, #tpu.memory_space<hbm>>
        tpu.enqueue_dma source(%dma_start3A_87 : memref<512x16xf32, #tpu.memory_space<hbm>>) target(%arg13 : memref<512x16xf32, #tpu.memory_space<vmem>>) target_semaphore(%arg16 : memref<!tpu.dma_semaphore, #tpu.memory_space<semaphore_mem>>)
        %dma_wait3A = arith.constant 0 : i32
        %dma_wait3A_88 = tpu.memref_slice %arg3[%multiple_of3A_72, %dma_wait3A] : memref<12500x128xi32, #tpu.memory_space<hbm>> -> memref<4x128xi32, #tpu.memory_space<hbm>>
        %dma_wait3A_89 = arith.constant 0 : i32
        %dma_wait3A_90 = tpu.memref_slice %arg3[%multiple_of3A_72, %dma_wait3A_89] : memref<12500x128xi32, #tpu.memory_space<hbm>> -> memref<4x128xi32, #tpu.memory_space<hbm>>
        tpu.wait_dma2 semaphore(%arg15 : memref<!tpu.dma_semaphore, #tpu.memory_space<semaphore_mem>>) src(%dma_wait3A_90 : memref<4x128xi32, #tpu.memory_space<hbm>>) dst(%arg9 : memref<4x128xi32, #tpu.memory_space<vmem>>)
        %dma_wait3A_91 = arith.constant 0 : i32
        %dma_wait3A_92 = tpu.memref_slice %arg4[%multiple_of3A_72, %dma_wait3A_91] : memref<12500x128xi32, #tpu.memory_space<hbm>> -> memref<4x128xi32, #tpu.memory_space<hbm>>
        %dma_wait3A_93 = arith.constant 0 : i32
        %dma_wait3A_94 = tpu.memref_slice %arg4[%multiple_of3A_72, %dma_wait3A_93] : memref<12500x128xi32, #tpu.memory_space<hbm>> -> memref<4x128xi32, #tpu.memory_space<hbm>>
        tpu.wait_dma2 semaphore(%arg15 : memref<!tpu.dma_semaphore, #tpu.memory_space<semaphore_mem>>) src(%dma_wait3A_94 : memref<4x128xi32, #tpu.memory_space<hbm>>) dst(%arg10 : memref<4x128xi32, #tpu.memory_space<vmem>>)
        %dma_start3A_95 = arith.constant 0 : i32
        %dma_start3A_96 = arith.constant 0 : i32
        %dma_start3A_97 = arith.constant 0 : i32
        %dma_start3A_98 = tpu.memref_slice %arg11[%dma_start3A_96, %dma_start3A_97] : memref<512x16xf32, #tpu.memory_space<vmem>> -> memref<128x16xf32, #tpu.memory_space<vmem>>
        %dma_start3A_99 = arith.constant 0 : i32
        %dma_start3A_100 = tpu.memref_slice %arg9[%dma_start3A_95, %dma_start3A_99] : memref<4x128xi32, #tpu.memory_space<vmem>> -> memref<1x128xi32, #tpu.memory_space<vmem>>
        %dma_start3A_101 = tpu.memref_squeeze %dma_start3A_100 : memref<1x128xi32, #tpu.memory_space<vmem>> -> memref<128xi32, #tpu.memory_space<vmem>>
        %dma_start3A_102 = arith.constant 0 : i32
        %dma_start3A_103 = arith.constant 0 : i32
        %dma_start3A_104 = tpu.memref_slice %arg2[%dma_start3A_102, %dma_start3A_103] : memref<100000x16xf32, #tpu.memory_space<hbm>> -> memref<100000x16xf32, #tpu.memory_space<hbm>>
        tpu.enqueue_indirect_dma source(%dma_start3A_104 : memref<100000x16xf32, #tpu.memory_space<hbm>>) target(%dma_start3A_98 : memref<128x16xf32, #tpu.memory_space<vmem>>) offsets(%dma_start3A_101 : memref<128xi32, #tpu.memory_space<vmem>>) semaphore(%arg17 : memref<!tpu.dma_semaphore, #tpu.memory_space<semaphore_mem>>)
        %dma_start3A_105 = arith.constant 1 : i32
        %dma_start3A_106 = arith.constant 128 : i32
        %dma_start3A_107 = arith.constant 0 : i32
        %dma_start3A_108 = tpu.memref_slice %arg11[%dma_start3A_106, %dma_start3A_107] : memref<512x16xf32, #tpu.memory_space<vmem>> -> memref<128x16xf32, #tpu.memory_space<vmem>>
        %dma_start3A_109 = arith.constant 0 : i32
        %dma_start3A_110 = tpu.memref_slice %arg9[%dma_start3A_105, %dma_start3A_109] : memref<4x128xi32, #tpu.memory_space<vmem>> -> memref<1x128xi32, #tpu.memory_space<vmem>>
        %dma_start3A_111 = tpu.memref_squeeze %dma_start3A_110 : memref<1x128xi32, #tpu.memory_space<vmem>> -> memref<128xi32, #tpu.memory_space<vmem>>
        %dma_start3A_112 = arith.constant 0 : i32
        %dma_start3A_113 = arith.constant 0 : i32
        %dma_start3A_114 = tpu.memref_slice %arg2[%dma_start3A_112, %dma_start3A_113] : memref<100000x16xf32, #tpu.memory_space<hbm>> -> memref<100000x16xf32, #tpu.memory_space<hbm>>
        tpu.enqueue_indirect_dma source(%dma_start3A_114 : memref<100000x16xf32, #tpu.memory_space<hbm>>) target(%dma_start3A_108 : memref<128x16xf32, #tpu.memory_space<vmem>>) offsets(%dma_start3A_111 : memref<128xi32, #tpu.memory_space<vmem>>) semaphore(%arg17 : memref<!tpu.dma_semaphore, #tpu.memory_space<semaphore_mem>>)
        %dma_start3A_115 = arith.constant 2 : i32
        %dma_start3A_116 = arith.constant 256 : i32
        %dma_start3A_117 = arith.constant 0 : i32
        %dma_start3A_118 = tpu.memref_slice %arg11[%dma_start3A_116, %dma_start3A_117] : memref<512x16xf32, #tpu.memory_space<vmem>> -> memref<128x16xf32, #tpu.memory_space<vmem>>
        %dma_start3A_119 = arith.constant 0 : i32
        %dma_start3A_120 = tpu.memref_slice %arg9[%dma_start3A_115, %dma_start3A_119] : memref<4x128xi32, #tpu.memory_space<vmem>> -> memref<1x128xi32, #tpu.memory_space<vmem>>
        %dma_start3A_121 = tpu.memref_squeeze %dma_start3A_120 : memref<1x128xi32, #tpu.memory_space<vmem>> -> memref<128xi32, #tpu.memory_space<vmem>>
        %dma_start3A_122 = arith.constant 0 : i32
        %dma_start3A_123 = arith.constant 0 : i32
        %dma_start3A_124 = tpu.memref_slice %arg2[%dma_start3A_122, %dma_start3A_123] : memref<100000x16xf32, #tpu.memory_space<hbm>> -> memref<100000x16xf32, #tpu.memory_space<hbm>>
        tpu.enqueue_indirect_dma source(%dma_start3A_124 : memref<100000x16xf32, #tpu.memory_space<hbm>>) target(%dma_start3A_118 : memref<128x16xf32, #tpu.memory_space<vmem>>) offsets(%dma_start3A_121 : memref<128xi32, #tpu.memory_space<vmem>>) semaphore(%arg17 : memref<!tpu.dma_semaphore, #tpu.memory_space<semaphore_mem>>)
        %dma_start3A_125 = arith.constant 3 : i32
        %dma_start3A_126 = arith.constant 384 : i32
        %dma_start3A_127 = arith.constant 0 : i32
        %dma_start3A_128 = tpu.memref_slice %arg11[%dma_start3A_126, %dma_start3A_127] : memref<512x16xf32, #tpu.memory_space<vmem>> -> memref<128x16xf32, #tpu.memory_space<vmem>>
        %dma_start3A_129 = arith.constant 0 : i32
        %dma_start3A_130 = tpu.memref_slice %arg9[%dma_start3A_125, %dma_start3A_129] : memref<4x128xi32, #tpu.memory_space<vmem>> -> memref<1x128xi32, #tpu.memory_space<vmem>>
        %dma_start3A_131 = tpu.memref_squeeze %dma_start3A_130 : memref<1x128xi32, #tpu.memory_space<vmem>> -> memref<128xi32, #tpu.memory_space<vmem>>
        %dma_start3A_132 = arith.constant 0 : i32
        %dma_start3A_133 = arith.constant 0 : i32
        %dma_start3A_134 = tpu.memref_slice %arg2[%dma_start3A_132, %dma_start3A_133] : memref<100000x16xf32, #tpu.memory_space<hbm>> -> memref<100000x16xf32, #tpu.memory_space<hbm>>
        tpu.enqueue_indirect_dma source(%dma_start3A_134 : memref<100000x16xf32, #tpu.memory_space<hbm>>) target(%dma_start3A_128 : memref<128x16xf32, #tpu.memory_space<vmem>>) offsets(%dma_start3A_131 : memref<128xi32, #tpu.memory_space<vmem>>) semaphore(%arg17 : memref<!tpu.dma_semaphore, #tpu.memory_space<semaphore_mem>>)
        %dma_wait3A_135 = arith.constant 0 : i32
        %dma_wait3A_136 = tpu.memref_slice %arg5[%multiple_of3A_69, %dma_wait3A_135] : memref<1600000x16xf32, #tpu.memory_space<hbm>> -> memref<512x16xf32, #tpu.memory_space<hbm>>
        %dma_wait3A_137 = arith.constant 0 : i32
        %dma_wait3A_138 = tpu.memref_slice %arg5[%multiple_of3A_69, %dma_wait3A_137] : memref<1600000x16xf32, #tpu.memory_space<hbm>> -> memref<512x16xf32, #tpu.memory_space<hbm>>
        tpu.wait_dma2 semaphore(%arg16 : memref<!tpu.dma_semaphore, #tpu.memory_space<semaphore_mem>>) src(%dma_wait3A_138 : memref<512x16xf32, #tpu.memory_space<hbm>>) dst(%arg12 : memref<512x16xf32, #tpu.memory_space<vmem>>)
        %dma_wait3A_139 = arith.constant 0 : i32
        %dma_wait3A_140 = tpu.memref_slice %arg6[%multiple_of3A_69, %dma_wait3A_139] : memref<1600000x16xf32, #tpu.memory_space<hbm>> -> memref<512x16xf32, #tpu.memory_space<hbm>>
        %dma_wait3A_141 = arith.constant 0 : i32
        %dma_wait3A_142 = tpu.memref_slice %arg6[%multiple_of3A_69, %dma_wait3A_141] : memref<1600000x16xf32, #tpu.memory_space<hbm>> -> memref<512x16xf32, #tpu.memory_space<hbm>>
        tpu.wait_dma2 semaphore(%arg16 : memref<!tpu.dma_semaphore, #tpu.memory_space<semaphore_mem>>) src(%dma_wait3A_142 : memref<512x16xf32, #tpu.memory_space<hbm>>) dst(%arg13 : memref<512x16xf32, #tpu.memory_space<vmem>>)
        %dma_wait3A_143 = arith.constant 0 : i32
        %dma_wait3A_144 = arith.constant 0 : i32
        %dma_wait3A_145 = arith.constant 0 : i32
        %dma_wait3A_146 = tpu.memref_slice %arg11[%dma_wait3A_144, %dma_wait3A_145] : memref<512x16xf32, #tpu.memory_space<vmem>> -> memref<128x16xf32, #tpu.memory_space<vmem>>
        %dma_wait3A_147 = arith.constant 0 : i32
        %dma_wait3A_148 = tpu.memref_slice %arg9[%dma_wait3A_143, %dma_wait3A_147] : memref<4x128xi32, #tpu.memory_space<vmem>> -> memref<1x128xi32, #tpu.memory_space<vmem>>
        %dma_wait3A_149 = tpu.memref_squeeze %dma_wait3A_148 : memref<1x128xi32, #tpu.memory_space<vmem>> -> memref<128xi32, #tpu.memory_space<vmem>>
        %dma_wait3A_150 = arith.constant 0 : i32
        %dma_wait3A_151 = arith.constant 0 : i32
        %dma_wait3A_152 = tpu.memref_slice %arg2[%dma_wait3A_150, %dma_wait3A_151] : memref<100000x16xf32, #tpu.memory_space<hbm>> -> memref<100000x16xf32, #tpu.memory_space<hbm>>
        tpu.wait_indirect_dma semaphore(%arg17 : memref<!tpu.dma_semaphore, #tpu.memory_space<semaphore_mem>>) src(%dma_wait3A_152 : memref<100000x16xf32, #tpu.memory_space<hbm>>) dst(%dma_wait3A_146 : memref<128x16xf32, #tpu.memory_space<vmem>>)
        %dma_wait3A_153 = arith.constant 1 : i32
        %dma_wait3A_154 = arith.constant 128 : i32
        %dma_wait3A_155 = arith.constant 0 : i32
        %dma_wait3A_156 = tpu.memref_slice %arg11[%dma_wait3A_154, %dma_wait3A_155] : memref<512x16xf32, #tpu.memory_space<vmem>> -> memref<128x16xf32, #tpu.memory_space<vmem>>
        %dma_wait3A_157 = arith.constant 0 : i32
        %dma_wait3A_158 = tpu.memref_slice %arg9[%dma_wait3A_153, %dma_wait3A_157] : memref<4x128xi32, #tpu.memory_space<vmem>> -> memref<1x128xi32, #tpu.memory_space<vmem>>
        %dma_wait3A_159 = tpu.memref_squeeze %dma_wait3A_158 : memref<1x128xi32, #tpu.memory_space<vmem>> -> memref<128xi32, #tpu.memory_space<vmem>>
        %dma_wait3A_160 = arith.constant 0 : i32
        %dma_wait3A_161 = arith.constant 0 : i32
        %dma_wait3A_162 = tpu.memref_slice %arg2[%dma_wait3A_160, %dma_wait3A_161] : memref<100000x16xf32, #tpu.memory_space<hbm>> -> memref<100000x16xf32, #tpu.memory_space<hbm>>
        tpu.wait_indirect_dma semaphore(%arg17 : memref<!tpu.dma_semaphore, #tpu.memory_space<semaphore_mem>>) src(%dma_wait3A_162 : memref<100000x16xf32, #tpu.memory_space<hbm>>) dst(%dma_wait3A_156 : memref<128x16xf32, #tpu.memory_space<vmem>>)
        %dma_wait3A_163 = arith.constant 2 : i32
        %dma_wait3A_164 = arith.constant 256 : i32
        %dma_wait3A_165 = arith.constant 0 : i32
        %dma_wait3A_166 = tpu.memref_slice %arg11[%dma_wait3A_164, %dma_wait3A_165] : memref<512x16xf32, #tpu.memory_space<vmem>> -> memref<128x16xf32, #tpu.memory_space<vmem>>
        %dma_wait3A_167 = arith.constant 0 : i32
        %dma_wait3A_168 = tpu.memref_slice %arg9[%dma_wait3A_163, %dma_wait3A_167] : memref<4x128xi32, #tpu.memory_space<vmem>> -> memref<1x128xi32, #tpu.memory_space<vmem>>
        %dma_wait3A_169 = tpu.memref_squeeze %dma_wait3A_168 : memref<1x128xi32, #tpu.memory_space<vmem>> -> memref<128xi32, #tpu.memory_space<vmem>>
        %dma_wait3A_170 = arith.constant 0 : i32
        %dma_wait3A_171 = arith.constant 0 : i32
        %dma_wait3A_172 = tpu.memref_slice %arg2[%dma_wait3A_170, %dma_wait3A_171] : memref<100000x16xf32, #tpu.memory_space<hbm>> -> memref<100000x16xf32, #tpu.memory_space<hbm>>
        tpu.wait_indirect_dma semaphore(%arg17 : memref<!tpu.dma_semaphore, #tpu.memory_space<semaphore_mem>>) src(%dma_wait3A_172 : memref<100000x16xf32, #tpu.memory_space<hbm>>) dst(%dma_wait3A_166 : memref<128x16xf32, #tpu.memory_space<vmem>>)
        %dma_wait3A_173 = arith.constant 3 : i32
        %dma_wait3A_174 = arith.constant 384 : i32
        %dma_wait3A_175 = arith.constant 0 : i32
        %dma_wait3A_176 = tpu.memref_slice %arg11[%dma_wait3A_174, %dma_wait3A_175] : memref<512x16xf32, #tpu.memory_space<vmem>> -> memref<128x16xf32, #tpu.memory_space<vmem>>
        %dma_wait3A_177 = arith.constant 0 : i32
        %dma_wait3A_178 = tpu.memref_slice %arg9[%dma_wait3A_173, %dma_wait3A_177] : memref<4x128xi32, #tpu.memory_space<vmem>> -> memref<1x128xi32, #tpu.memory_space<vmem>>
        %dma_wait3A_179 = tpu.memref_squeeze %dma_wait3A_178 : memref<1x128xi32, #tpu.memory_space<vmem>> -> memref<128xi32, #tpu.memory_space<vmem>>
        %dma_wait3A_180 = arith.constant 0 : i32
        %dma_wait3A_181 = arith.constant 0 : i32
        %dma_wait3A_182 = tpu.memref_slice %arg2[%dma_wait3A_180, %dma_wait3A_181] : memref<100000x16xf32, #tpu.memory_space<hbm>> -> memref<100000x16xf32, #tpu.memory_space<hbm>>
        tpu.wait_indirect_dma semaphore(%arg17 : memref<!tpu.dma_semaphore, #tpu.memory_space<semaphore_mem>>) src(%dma_wait3A_182 : memref<100000x16xf32, #tpu.memory_space<hbm>>) dst(%dma_wait3A_176 : memref<128x16xf32, #tpu.memory_space<vmem>>)
        %scan3A_183 = arith.constant 0 : i32
        %scan3A_184 = arith.constant 512 : i32
        %scan3A_185 = arith.addi %scan3A_183, %scan3A_184 : i32
        %scan3A_186 = arith.constant 8 : i32
        scf.for %scan3A_276 = %scan3A_183 to %scan3A_185 step %scan3A_186  : i32 {
          %mul3A_277 = arith.constant 1 : i32
          %mul3A_278 = arith.muli %scan3A_276, %mul3A_277 : i32
          %add3A_279 = arith.constant 0 : i32
          %add3A_280 = arith.addi %add3A_279, %mul3A_278 : i32
          %get3A = arith.index_cast %add3A_280 : i32 to index
          %get3A_281 = arith.constant 0 : index
          %get3A_282 = tpu.vector_load %arg11[%get3A, %get3A_281] {strides = array<i32>} : memref<512x16xf32, #tpu.memory_space<vmem>>, vector<1x16xf32>,
          %get3A_283 = vector.shape_cast %get3A_282 : vector<1x16xf32> to vector<16xf32>
          %get3A_284 = arith.index_cast %add3A_280 : i32 to index
          %get3A_285 = arith.constant 0 : index
          %get3A_286 = tpu.vector_load %arg12[%get3A_284, %get3A_285] {strides = array<i32>} : memref<512x16xf32, #tpu.memory_space<vmem>>, vector<1x16xf32>,
          %get3A_287 = vector.shape_cast %get3A_286 : vector<1x16xf32> to vector<16xf32>
          %sub3A = arith.subf %get3A_283, %get3A_287 : vector<16xf32>
          %get3A_288 = arith.index_cast %add3A_280 : i32 to index
          %get3A_289 = arith.constant 0 : index
          %get3A_290 = tpu.vector_load %arg13[%get3A_288, %get3A_289] {strides = array<i32>} : memref<512x16xf32, #tpu.memory_space<vmem>>, vector<1x16xf32>,
          %get3A_291 = vector.shape_cast %get3A_290 : vector<1x16xf32> to vector<16xf32>
          %add3A_292 = arith.addf %sub3A, %get3A_291 : vector<16xf32>
          %mul3A_293 = arith.constant 5.000000e-01 : f32
          %mul3A_294 = vector.broadcast %mul3A_293 : f32 to vector<16xf32>
          %mul3A_295 = arith.mulf %add3A_292, %mul3A_294 : vector<16xf32>
          %swap3A = arith.index_cast %add3A_280 : i32 to index
          %swap3A_296 = arith.constant 0 : index
          %swap3A_297 = tpu.vector_load %arg11[%swap3A, %swap3A_296] {strides = array<i32>} : memref<512x16xf32, #tpu.memory_space<vmem>>, vector<1x16xf32>,
          %swap3A_298 = vector.shape_cast %swap3A_297 : vector<1x16xf32> to vector<16xf32>
          %swap3A_299 = vector.shape_cast %mul3A_295 : vector<16xf32> to vector<1x16xf32>
          tpu.vector_store %arg11[%swap3A, %swap3A_296], %swap3A_299 {strides = array<i32>} : memref<512x16xf32, #tpu.memory_space<vmem>>, vector<1x16xf32>,
          %scan3A_300 = arith.constant 1 : i32
          %scan3A_301 = arith.addi %scan3A_276, %scan3A_300 : i32
          %mul3A_302 = arith.constant 1 : i32
          %mul3A_303 = arith.muli %scan3A_301, %mul3A_302 : i32
          %add3A_304 = arith.constant 0 : i32
          %add3A_305 = arith.addi %add3A_304, %mul3A_303 : i32
          %get3A_306 = arith.index_cast %add3A_305 : i32 to index
          %get3A_307 = arith.constant 0 : index
          %get3A_308 = tpu.vector_load %arg11[%get3A_306, %get3A_307] {strides = array<i32>} : memref<512x16xf32, #tpu.memory_space<vmem>>, vector<1x16xf32>,
          %get3A_309 = vector.shape_cast %get3A_308 : vector<1x16xf32> to vector<16xf32>
          %get3A_310 = arith.index_cast %add3A_305 : i32 to index
          %get3A_311 = arith.constant 0 : index
          %get3A_312 = tpu.vector_load %arg12[%get3A_310, %get3A_311] {strides = array<i32>} : memref<512x16xf32, #tpu.memory_space<vmem>>, vector<1x16xf32>,
          %get3A_313 = vector.shape_cast %get3A_312 : vector<1x16xf32> to vector<16xf32>
          %sub3A_314 = arith.subf %get3A_309, %get3A_313 : vector<16xf32>
          %get3A_315 = arith.index_cast %add3A_305 : i32 to index
          %get3A_316 = arith.constant 0 : index
          %get3A_317 = tpu.vector_load %arg13[%get3A_315, %get3A_316] {strides = array<i32>} : memref<512x16xf32, #tpu.memory_space<vmem>>, vector<1x16xf32>,
          %get3A_318 = vector.shape_cast %get3A_317 : vector<1x16xf32> to vector<16xf32>
          %add3A_319 = arith.addf %sub3A_314, %get3A_318 : vector<16xf32>
          %mul3A_320 = arith.constant 5.000000e-01 : f32
          %mul3A_321 = vector.broadcast %mul3A_320 : f32 to vector<16xf32>
          %mul3A_322 = arith.mulf %add3A_319, %mul3A_321 : vector<16xf32>
          %swap3A_323 = arith.index_cast %add3A_305 : i32 to index
          %swap3A_324 = arith.constant 0 : index
          %swap3A_325 = tpu.vector_load %arg11[%swap3A_323, %swap3A_324] {strides = array<i32>} : memref<512x16xf32, #tpu.memory_space<vmem>>, vector<1x16xf32>,
          %swap3A_326 = vector.shape_cast %swap3A_325 : vector<1x16xf32> to vector<16xf32>
          %swap3A_327 = vector.shape_cast %mul3A_322 : vector<16xf32> to vector<1x16xf32>
          tpu.vector_store %arg11[%swap3A_323, %swap3A_324], %swap3A_327 {strides = array<i32>} : memref<512x16xf32, #tpu.memory_space<vmem>>, vector<1x16xf32>,
          %scan3A_328 = arith.constant 2 : i32
          %scan3A_329 = arith.addi %scan3A_276, %scan3A_328 : i32
          %mul3A_330 = arith.constant 1 : i32
          %mul3A_331 = arith.muli %scan3A_329, %mul3A_330 : i32
          %add3A_332 = arith.constant 0 : i32
          %add3A_333 = arith.addi %add3A_332, %mul3A_331 : i32
          %get3A_334 = arith.index_cast %add3A_333 : i32 to index
          %get3A_335 = arith.constant 0 : index
          %get3A_336 = tpu.vector_load %arg11[%get3A_334, %get3A_335] {strides = array<i32>} : memref<512x16xf32, #tpu.memory_space<vmem>>, vector<1x16xf32>,
          %get3A_337 = vector.shape_cast %get3A_336 : vector<1x16xf32> to vector<16xf32>
          %get3A_338 = arith.index_cast %add3A_333 : i32 to index
          %get3A_339 = arith.constant 0 : index
          %get3A_340 = tpu.vector_load %arg12[%get3A_338, %get3A_339] {strides = array<i32>} : memref<512x16xf32, #tpu.memory_space<vmem>>, vector<1x16xf32>,
          %get3A_341 = vector.shape_cast %get3A_340 : vector<1x16xf32> to vector<16xf32>
          %sub3A_342 = arith.subf %get3A_337, %get3A_341 : vector<16xf32>
          %get3A_343 = arith.index_cast %add3A_333 : i32 to index
          %get3A_344 = arith.constant 0 : index
          %get3A_345 = tpu.vector_load %arg13[%get3A_343, %get3A_344] {strides = array<i32>} : memref<512x16xf32, #tpu.memory_space<vmem>>, vector<1x16xf32>,
          %get3A_346 = vector.shape_cast %get3A_345 : vector<1x16xf32> to vector<16xf32>
          %add3A_347 = arith.addf %sub3A_342, %get3A_346 : vector<16xf32>
          %mul3A_348 = arith.constant 5.000000e-01 : f32
          %mul3A_349 = vector.broadcast %mul3A_348 : f32 to vector<16xf32>
          %mul3A_350 = arith.mulf %add3A_347, %mul3A_349 : vector<16xf32>
          %swap3A_351 = arith.index_cast %add3A_333 : i32 to index
          %swap3A_352 = arith.constant 0 : index
          %swap3A_353 = tpu.vector_load %arg11[%swap3A_351, %swap3A_352] {strides = array<i32>} : memref<512x16xf32, #tpu.memory_space<vmem>>, vector<1x16xf32>,
          %swap3A_354 = vector.shape_cast %swap3A_353 : vector<1x16xf32> to vector<16xf32>
          %swap3A_355 = vector.shape_cast %mul3A_350 : vector<16xf32> to vector<1x16xf32>
          tpu.vector_store %arg11[%swap3A_351, %swap3A_352], %swap3A_355 {strides = array<i32>} : memref<512x16xf32, #tpu.memory_space<vmem>>, vector<1x16xf32>,
          %scan3A_356 = arith.constant 3 : i32
          %scan3A_357 = arith.addi %scan3A_276, %scan3A_356 : i32
          %mul3A_358 = arith.constant 1 : i32
          %mul3A_359 = arith.muli %scan3A_357, %mul3A_358 : i32
          %add3A_360 = arith.constant 0 : i32
          %add3A_361 = arith.addi %add3A_360, %mul3A_359 : i32
          %get3A_362 = arith.index_cast %add3A_361 : i32 to index
          %get3A_363 = arith.constant 0 : index
          %get3A_364 = tpu.vector_load %arg11[%get3A_362, %get3A_363] {strides = array<i32>} : memref<512x16xf32, #tpu.memory_space<vmem>>, vector<1x16xf32>,
          %get3A_365 = vector.shape_cast %get3A_364 : vector<1x16xf32> to vector<16xf32>
          %get3A_366 = arith.index_cast %add3A_361 : i32 to index
          %get3A_367 = arith.constant 0 : index
          %get3A_368 = tpu.vector_load %arg12[%get3A_366, %get3A_367] {strides = array<i32>} : memref<512x16xf32, #tpu.memory_space<vmem>>, vector<1x16xf32>,
          %get3A_369 = vector.shape_cast %get3A_368 : vector<1x16xf32> to vector<16xf32>
          %sub3A_370 = arith.subf %get3A_365, %get3A_369 : vector<16xf32>
          %get3A_371 = arith.index_cast %add3A_361 : i32 to index
          %get3A_372 = arith.constant 0 : index
          %get3A_373 = tpu.vector_load %arg13[%get3A_371, %get3A_372] {strides = array<i32>} : memref<512x16xf32, #tpu.memory_space<vmem>>, vector<1x16xf32>,
          %get3A_374 = vector.shape_cast %get3A_373 : vector<1x16xf32> to vector<16xf32>
          %add3A_375 = arith.addf %sub3A_370, %get3A_374 : vector<16xf32>
          %mul3A_376 = arith.constant 5.000000e-01 : f32
          %mul3A_377 = vector.broadcast %mul3A_376 : f32 to vector<16xf32>
          %mul3A_378 = arith.mulf %add3A_375, %mul3A_377 : vector<16xf32>
          %swap3A_379 = arith.index_cast %add3A_361 : i32 to index
          %swap3A_380 = arith.constant 0 : index
          %swap3A_381 = tpu.vector_load %arg11[%swap3A_379, %swap3A_380] {strides = array<i32>} : memref<512x16xf32, #tpu.memory_space<vmem>>, vector<1x16xf32>,
          %swap3A_382 = vector.shape_cast %swap3A_381 : vector<1x16xf32> to vector<16xf32>
          %swap3A_383 = vector.shape_cast %mul3A_378 : vector<16xf32> to vector<1x16xf32>
          tpu.vector_store %arg11[%swap3A_379, %swap3A_380], %swap3A_383 {strides = array<i32>} : memref<512x16xf32, #tpu.memory_space<vmem>>, vector<1x16xf32>,
          %scan3A_384 = arith.constant 4 : i32
          %scan3A_385 = arith.addi %scan3A_276, %scan3A_384 : i32
          %mul3A_386 = arith.constant 1 : i32
          %mul3A_387 = arith.muli %scan3A_385, %mul3A_386 : i32
          %add3A_388 = arith.constant 0 : i32
          %add3A_389 = arith.addi %add3A_388, %mul3A_387 : i32
          %get3A_390 = arith.index_cast %add3A_389 : i32 to index
          %get3A_391 = arith.constant 0 : index
          %get3A_392 = tpu.vector_load %arg11[%get3A_390, %get3A_391] {strides = array<i32>} : memref<512x16xf32, #tpu.memory_space<vmem>>, vector<1x16xf32>,
          %get3A_393 = vector.shape_cast %get3A_392 : vector<1x16xf32> to vector<16xf32>
          %get3A_394 = arith.index_cast %add3A_389 : i32 to index
          %get3A_395 = arith.constant 0 : index
          %get3A_396 = tpu.vector_load %arg12[%get3A_394, %get3A_395] {strides = array<i32>} : memref<512x16xf32, #tpu.memory_space<vmem>>, vector<1x16xf32>,
          %get3A_397 = vector.shape_cast %get3A_396 : vector<1x16xf32> to vector<16xf32>
          %sub3A_398 = arith.subf %get3A_393, %get3A_397 : vector<16xf32>
          %get3A_399 = arith.index_cast %add3A_389 : i32 to index
          %get3A_400 = arith.constant 0 : index
          %get3A_401 = tpu.vector_load %arg13[%get3A_399, %get3A_400] {strides = array<i32>} : memref<512x16xf32, #tpu.memory_space<vmem>>, vector<1x16xf32>,
          %get3A_402 = vector.shape_cast %get3A_401 : vector<1x16xf32> to vector<16xf32>
          %add3A_403 = arith.addf %sub3A_398, %get3A_402 : vector<16xf32>
          %mul3A_404 = arith.constant 5.000000e-01 : f32
          %mul3A_405 = vector.broadcast %mul3A_404 : f32 to vector<16xf32>
          %mul3A_406 = arith.mulf %add3A_403, %mul3A_405 : vector<16xf32>
          %swap3A_407 = arith.index_cast %add3A_389 : i32 to index
          %swap3A_408 = arith.constant 0 : index
          %swap3A_409 = tpu.vector_load %arg11[%swap3A_407, %swap3A_408] {strides = array<i32>} : memref<512x16xf32, #tpu.memory_space<vmem>>, vector<1x16xf32>,
          %swap3A_410 = vector.shape_cast %swap3A_409 : vector<1x16xf32> to vector<16xf32>
          %swap3A_411 = vector.shape_cast %mul3A_406 : vector<16xf32> to vector<1x16xf32>
          tpu.vector_store %arg11[%swap3A_407, %swap3A_408], %swap3A_411 {strides = array<i32>} : memref<512x16xf32, #tpu.memory_space<vmem>>, vector<1x16xf32>,
          %scan3A_412 = arith.constant 5 : i32
          %scan3A_413 = arith.addi %scan3A_276, %scan3A_412 : i32
          %mul3A_414 = arith.constant 1 : i32
          %mul3A_415 = arith.muli %scan3A_413, %mul3A_414 : i32
          %add3A_416 = arith.constant 0 : i32
          %add3A_417 = arith.addi %add3A_416, %mul3A_415 : i32
          %get3A_418 = arith.index_cast %add3A_417 : i32 to index
          %get3A_419 = arith.constant 0 : index
          %get3A_420 = tpu.vector_load %arg11[%get3A_418, %get3A_419] {strides = array<i32>} : memref<512x16xf32, #tpu.memory_space<vmem>>, vector<1x16xf32>,
          %get3A_421 = vector.shape_cast %get3A_420 : vector<1x16xf32> to vector<16xf32>
          %get3A_422 = arith.index_cast %add3A_417 : i32 to index
          %get3A_423 = arith.constant 0 : index
          %get3A_424 = tpu.vector_load %arg12[%get3A_422, %get3A_423] {strides = array<i32>} : memref<512x16xf32, #tpu.memory_space<vmem>>, vector<1x16xf32>,
          %get3A_425 = vector.shape_cast %get3A_424 : vector<1x16xf32> to vector<16xf32>
          %sub3A_426 = arith.subf %get3A_421, %get3A_425 : vector<16xf32>
          %get3A_427 = arith.index_cast %add3A_417 : i32 to index
          %get3A_428 = arith.constant 0 : index
          %get3A_429 = tpu.vector_load %arg13[%get3A_427, %get3A_428] {strides = array<i32>} : memref<512x16xf32, #tpu.memory_space<vmem>>, vector<1x16xf32>,
          %get3A_430 = vector.shape_cast %get3A_429 : vector<1x16xf32> to vector<16xf32>
          %add3A_431 = arith.addf %sub3A_426, %get3A_430 : vector<16xf32>
          %mul3A_432 = arith.constant 5.000000e-01 : f32
          %mul3A_433 = vector.broadcast %mul3A_432 : f32 to vector<16xf32>
          %mul3A_434 = arith.mulf %add3A_431, %mul3A_433 : vector<16xf32>
          %swap3A_435 = arith.index_cast %add3A_417 : i32 to index
          %swap3A_436 = arith.constant 0 : index
          %swap3A_437 = tpu.vector_load %arg11[%swap3A_435, %swap3A_436] {strides = array<i32>} : memref<512x16xf32, #tpu.memory_space<vmem>>, vector<1x16xf32>,
          %swap3A_438 = vector.shape_cast %swap3A_437 : vector<1x16xf32> to vector<16xf32>
          %swap3A_439 = vector.shape_cast %mul3A_434 : vector<16xf32> to vector<1x16xf32>
          tpu.vector_store %arg11[%swap3A_435, %swap3A_436], %swap3A_439 {strides = array<i32>} : memref<512x16xf32, #tpu.memory_space<vmem>>, vector<1x16xf32>,
          %scan3A_440 = arith.constant 6 : i32
          %scan3A_441 = arith.addi %scan3A_276, %scan3A_440 : i32
          %mul3A_442 = arith.constant 1 : i32
          %mul3A_443 = arith.muli %scan3A_441, %mul3A_442 : i32
          %add3A_444 = arith.constant 0 : i32
          %add3A_445 = arith.addi %add3A_444, %mul3A_443 : i32
          %get3A_446 = arith.index_cast %add3A_445 : i32 to index
          %get3A_447 = arith.constant 0 : index
          %get3A_448 = tpu.vector_load %arg11[%get3A_446, %get3A_447] {strides = array<i32>} : memref<512x16xf32, #tpu.memory_space<vmem>>, vector<1x16xf32>,
          %get3A_449 = vector.shape_cast %get3A_448 : vector<1x16xf32> to vector<16xf32>
          %get3A_450 = arith.index_cast %add3A_445 : i32 to index
          %get3A_451 = arith.constant 0 : index
          %get3A_452 = tpu.vector_load %arg12[%get3A_450, %get3A_451] {strides = array<i32>} : memref<512x16xf32, #tpu.memory_space<vmem>>, vector<1x16xf32>,
          %get3A_453 = vector.shape_cast %get3A_452 : vector<1x16xf32> to vector<16xf32>
          %sub3A_454 = arith.subf %get3A_449, %get3A_453 : vector<16xf32>
          %get3A_455 = arith.index_cast %add3A_445 : i32 to index
          %get3A_456 = arith.constant 0 : index
          %get3A_457 = tpu.vector_load %arg13[%get3A_455, %get3A_456] {strides = array<i32>} : memref<512x16xf32, #tpu.memory_space<vmem>>, vector<1x16xf32>,
          %get3A_458 = vector.shape_cast %get3A_457 : vector<1x16xf32> to vector<16xf32>
          %add3A_459 = arith.addf %sub3A_454, %get3A_458 : vector<16xf32>
          %mul3A_460 = arith.constant 5.000000e-01 : f32
          %mul3A_461 = vector.broadcast %mul3A_460 : f32 to vector<16xf32>
          %mul3A_462 = arith.mulf %add3A_459, %mul3A_461 : vector<16xf32>
          %swap3A_463 = arith.index_cast %add3A_445 : i32 to index
          %swap3A_464 = arith.constant 0 : index
          %swap3A_465 = tpu.vector_load %arg11[%swap3A_463, %swap3A_464] {strides = array<i32>} : memref<512x16xf32, #tpu.memory_space<vmem>>, vector<1x16xf32>,
          %swap3A_466 = vector.shape_cast %swap3A_465 : vector<1x16xf32> to vector<16xf32>
          %swap3A_467 = vector.shape_cast %mul3A_462 : vector<16xf32> to vector<1x16xf32>
          tpu.vector_store %arg11[%swap3A_463, %swap3A_464], %swap3A_467 {strides = array<i32>} : memref<512x16xf32, #tpu.memory_space<vmem>>, vector<1x16xf32>,
          %scan3A_468 = arith.constant 7 : i32
          %scan3A_469 = arith.addi %scan3A_276, %scan3A_468 : i32
          %mul3A_470 = arith.constant 1 : i32
          %mul3A_471 = arith.muli %scan3A_469, %mul3A_470 : i32
          %add3A_472 = arith.constant 0 : i32
          %add3A_473 = arith.addi %add3A_472, %mul3A_471 : i32
          %get3A_474 = arith.index_cast %add3A_473 : i32 to index
          %get3A_475 = arith.constant 0 : index
          %get3A_476 = tpu.vector_load %arg11[%get3A_474, %get3A_475] {strides = array<i32>} : memref<512x16xf32, #tpu.memory_space<vmem>>, vector<1x16xf32>,
          %get3A_477 = vector.shape_cast %get3A_476 : vector<1x16xf32> to vector<16xf32>
          %get3A_478 = arith.index_cast %add3A_473 : i32 to index
          %get3A_479 = arith.constant 0 : index
          %get3A_480 = tpu.vector_load %arg12[%get3A_478, %get3A_479] {strides = array<i32>} : memref<512x16xf32, #tpu.memory_space<vmem>>, vector<1x16xf32>,
          %get3A_481 = vector.shape_cast %get3A_480 : vector<1x16xf32> to vector<16xf32>
          %sub3A_482 = arith.subf %get3A_477, %get3A_481 : vector<16xf32>
          %get3A_483 = arith.index_cast %add3A_473 : i32 to index
          %get3A_484 = arith.constant 0 : index
          %get3A_485 = tpu.vector_load %arg13[%get3A_483, %get3A_484] {strides = array<i32>} : memref<512x16xf32, #tpu.memory_space<vmem>>, vector<1x16xf32>,
          %get3A_486 = vector.shape_cast %get3A_485 : vector<1x16xf32> to vector<16xf32>
          %add3A_487 = arith.addf %sub3A_482, %get3A_486 : vector<16xf32>
          %mul3A_488 = arith.constant 5.000000e-01 : f32
          %mul3A_489 = vector.broadcast %mul3A_488 : f32 to vector<16xf32>
          %mul3A_490 = arith.mulf %add3A_487, %mul3A_489 : vector<16xf32>
          %swap3A_491 = arith.index_cast %add3A_473 : i32 to index
          %swap3A_492 = arith.constant 0 : index
          %swap3A_493 = tpu.vector_load %arg11[%swap3A_491, %swap3A_492] {strides = array<i32>} : memref<512x16xf32, #tpu.memory_space<vmem>>, vector<1x16xf32>,
          %swap3A_494 = vector.shape_cast %swap3A_493 : vector<1x16xf32> to vector<16xf32>
          %swap3A_495 = vector.shape_cast %mul3A_490 : vector<16xf32> to vector<1x16xf32>
          tpu.vector_store %arg11[%swap3A_491, %swap3A_492], %swap3A_495 {strides = array<i32>} : memref<512x16xf32, #tpu.memory_space<vmem>>, vector<1x16xf32>,
        }
        %scan3A_187 = arith.constant 512 : i32
        %dma_start3A_188 = arith.constant 0 : i32
        %dma_start3A_189 = tpu.memref_slice %arg7[%multiple_of3A_69, %dma_start3A_188] : memref<1600000x16xf32, #tpu.memory_space<hbm>> -> memref<512x16xf32, #tpu.memory_space<hbm>>
        %dma_start3A_190 = arith.constant 0 : i32
        %dma_start3A_191 = tpu.memref_slice %arg7[%multiple_of3A_69, %dma_start3A_190] : memref<1600000x16xf32, #tpu.memory_space<hbm>> -> memref<512x16xf32, #tpu.memory_space<hbm>>
        tpu.enqueue_dma source(%arg11 : memref<512x16xf32, #tpu.memory_space<vmem>>) target(%dma_start3A_191 : memref<512x16xf32, #tpu.memory_space<hbm>>) target_semaphore(%arg16 : memref<!tpu.dma_semaphore, #tpu.memory_space<semaphore_mem>>)
        %dma_start3A_192 = arith.constant 0 : i32
        %dma_start3A_193 = arith.constant 0 : i32
        %dma_start3A_194 = arith.constant 0 : i32
        %dma_start3A_195 = tpu.memref_slice %arg11[%dma_start3A_193, %dma_start3A_194] : memref<512x16xf32, #tpu.memory_space<vmem>> -> memref<128x16xf32, #tpu.memory_space<vmem>>
        %dma_start3A_196 = arith.constant 0 : i32
        %dma_start3A_197 = tpu.memref_slice %arg10[%dma_start3A_192, %dma_start3A_196] : memref<4x128xi32, #tpu.memory_space<vmem>> -> memref<1x128xi32, #tpu.memory_space<vmem>>
        %dma_start3A_198 = tpu.memref_squeeze %dma_start3A_197 : memref<1x128xi32, #tpu.memory_space<vmem>> -> memref<128xi32, #tpu.memory_space<vmem>>
        %dma_start3A_199 = arith.constant 0 : i32
        %dma_start3A_200 = arith.constant 0 : i32
        %dma_start3A_201 = tpu.memref_slice %arg14[%dma_start3A_199, %dma_start3A_200] : memref<100000x16xf32, #tpu.memory_space<vmem_shared>> -> memref<100000x16xf32, #tpu.memory_space<vmem_shared>>
        tpu.enqueue_indirect_dma source(%dma_start3A_195 : memref<128x16xf32, #tpu.memory_space<vmem>>) target(%dma_start3A_201 : memref<100000x16xf32, #tpu.memory_space<vmem_shared>>) offsets(%dma_start3A_198 : memref<128xi32, #tpu.memory_space<vmem>>) semaphore(%arg17 : memref<!tpu.dma_semaphore, #tpu.memory_space<semaphore_mem>>) {add = true}
        %dma_start3A_202 = arith.constant 1 : i32
        %dma_start3A_203 = arith.constant 128 : i32
        %dma_start3A_204 = arith.constant 0 : i32
        %dma_start3A_205 = tpu.memref_slice %arg11[%dma_start3A_203, %dma_start3A_204] : memref<512x16xf32, #tpu.memory_space<vmem>> -> memref<128x16xf32, #tpu.memory_space<vmem>>
        %dma_start3A_206 = arith.constant 0 : i32
        %dma_start3A_207 = tpu.memref_slice %arg10[%dma_start3A_202, %dma_start3A_206] : memref<4x128xi32, #tpu.memory_space<vmem>> -> memref<1x128xi32, #tpu.memory_space<vmem>>
        %dma_start3A_208 = tpu.memref_squeeze %dma_start3A_207 : memref<1x128xi32, #tpu.memory_space<vmem>> -> memref<128xi32, #tpu.memory_space<vmem>>
        %dma_start3A_209 = arith.constant 0 : i32
        %dma_start3A_210 = arith.constant 0 : i32
        %dma_start3A_211 = tpu.memref_slice %arg14[%dma_start3A_209, %dma_start3A_210] : memref<100000x16xf32, #tpu.memory_space<vmem_shared>> -> memref<100000x16xf32, #tpu.memory_space<vmem_shared>>
        tpu.enqueue_indirect_dma source(%dma_start3A_205 : memref<128x16xf32, #tpu.memory_space<vmem>>) target(%dma_start3A_211 : memref<100000x16xf32, #tpu.memory_space<vmem_shared>>) offsets(%dma_start3A_208 : memref<128xi32, #tpu.memory_space<vmem>>) semaphore(%arg17 : memref<!tpu.dma_semaphore, #tpu.memory_space<semaphore_mem>>) {add = true}
        %dma_start3A_212 = arith.constant 2 : i32
        %dma_start3A_213 = arith.constant 256 : i32
        %dma_start3A_214 = arith.constant 0 : i32
        %dma_start3A_215 = tpu.memref_slice %arg11[%dma_start3A_213, %dma_start3A_214] : memref<512x16xf32, #tpu.memory_space<vmem>> -> memref<128x16xf32, #tpu.memory_space<vmem>>
        %dma_start3A_216 = arith.constant 0 : i32
        %dma_start3A_217 = tpu.memref_slice %arg10[%dma_start3A_212, %dma_start3A_216] : memref<4x128xi32, #tpu.memory_space<vmem>> -> memref<1x128xi32, #tpu.memory_space<vmem>>
        %dma_start3A_218 = tpu.memref_squeeze %dma_start3A_217 : memref<1x128xi32, #tpu.memory_space<vmem>> -> memref<128xi32, #tpu.memory_space<vmem>>
        %dma_start3A_219 = arith.constant 0 : i32
        %dma_start3A_220 = arith.constant 0 : i32
        %dma_start3A_221 = tpu.memref_slice %arg14[%dma_start3A_219, %dma_start3A_220] : memref<100000x16xf32, #tpu.memory_space<vmem_shared>> -> memref<100000x16xf32, #tpu.memory_space<vmem_shared>>
        tpu.enqueue_indirect_dma source(%dma_start3A_215 : memref<128x16xf32, #tpu.memory_space<vmem>>) target(%dma_start3A_221 : memref<100000x16xf32, #tpu.memory_space<vmem_shared>>) offsets(%dma_start3A_218 : memref<128xi32, #tpu.memory_space<vmem>>) semaphore(%arg17 : memref<!tpu.dma_semaphore, #tpu.memory_space<semaphore_mem>>) {add = true}
        %dma_start3A_222 = arith.constant 3 : i32
        %dma_start3A_223 = arith.constant 384 : i32
        %dma_start3A_224 = arith.constant 0 : i32
        %dma_start3A_225 = tpu.memref_slice %arg11[%dma_start3A_223, %dma_start3A_224] : memref<512x16xf32, #tpu.memory_space<vmem>> -> memref<128x16xf32, #tpu.memory_space<vmem>>
        %dma_start3A_226 = arith.constant 0 : i32
        %dma_start3A_227 = tpu.memref_slice %arg10[%dma_start3A_222, %dma_start3A_226] : memref<4x128xi32, #tpu.memory_space<vmem>> -> memref<1x128xi32, #tpu.memory_space<vmem>>
        %dma_start3A_228 = tpu.memref_squeeze %dma_start3A_227 : memref<1x128xi32, #tpu.memory_space<vmem>> -> memref<128xi32, #tpu.memory_space<vmem>>
        %dma_start3A_229 = arith.constant 0 : i32
        %dma_start3A_230 = arith.constant 0 : i32
        %dma_start3A_231 = tpu.memref_slice %arg14[%dma_start3A_229, %dma_start3A_230] : memref<100000x16xf32, #tpu.memory_space<vmem_shared>> -> memref<100000x16xf32, #tpu.memory_space<vmem_shared>>
        tpu.enqueue_indirect_dma source(%dma_start3A_225 : memref<128x16xf32, #tpu.memory_space<vmem>>) target(%dma_start3A_231 : memref<100000x16xf32, #tpu.memory_space<vmem_shared>>) offsets(%dma_start3A_228 : memref<128xi32, #tpu.memory_space<vmem>>) semaphore(%arg17 : memref<!tpu.dma_semaphore, #tpu.memory_space<semaphore_mem>>) {add = true}
        %dma_wait3A_232 = arith.constant 0 : i32
        %dma_wait3A_233 = tpu.memref_slice %arg7[%multiple_of3A_69, %dma_wait3A_232] : memref<1600000x16xf32, #tpu.memory_space<hbm>> -> memref<512x16xf32, #tpu.memory_space<hbm>>
        %dma_wait3A_234 = arith.constant 0 : i32
        %dma_wait3A_235 = tpu.memref_slice %arg7[%multiple_of3A_69, %dma_wait3A_234] : memref<1600000x16xf32, #tpu.memory_space<hbm>> -> memref<512x16xf32, #tpu.memory_space<hbm>>
        tpu.wait_dma2 semaphore(%arg16 : memref<!tpu.dma_semaphore, #tpu.memory_space<semaphore_mem>>) src(%arg11 : memref<512x16xf32, #tpu.memory_space<vmem>>) dst(%dma_wait3A_235 : memref<512x16xf32, #tpu.memory_space<hbm>>)
        %dma_wait3A_236 = arith.constant 0 : i32
        %dma_wait3A_237 = arith.constant 0 : i32
        %dma_wait3A_238 = arith.constant 0 : i32
        %dma_wait3A_239 = tpu.memref_slice %arg11[%dma_wait3A_237, %dma_wait3A_238] : memref<512x16xf32, #tpu.memory_space<vmem>> -> memref<128x16xf32, #tpu.memory_space<vmem>>
        %dma_wait3A_240 = arith.constant 0 : i32
        %dma_wait3A_241 = tpu.memref_slice %arg10[%dma_wait3A_236, %dma_wait3A_240] : memref<4x128xi32, #tpu.memory_space<vmem>> -> memref<1x128xi32, #tpu.memory_space<vmem>>
        %dma_wait3A_242 = tpu.memref_squeeze %dma_wait3A_241 : memref<1x128xi32, #tpu.memory_space<vmem>> -> memref<128xi32, #tpu.memory_space<vmem>>
        %dma_wait3A_243 = arith.constant 0 : i32
        %dma_wait3A_244 = arith.constant 0 : i32
        %dma_wait3A_245 = tpu.memref_slice %arg14[%dma_wait3A_243, %dma_wait3A_244] : memref<100000x16xf32, #tpu.memory_space<vmem_shared>> -> memref<100000x16xf32, #tpu.memory_space<vmem_shared>>
        tpu.wait_indirect_dma semaphore(%arg17 : memref<!tpu.dma_semaphore, #tpu.memory_space<semaphore_mem>>) src(%dma_wait3A_239 : memref<128x16xf32, #tpu.memory_space<vmem>>) dst(%dma_wait3A_245 : memref<100000x16xf32, #tpu.memory_space<vmem_shared>>)
        %dma_wait3A_246 = arith.constant 1 : i32
        %dma_wait3A_247 = arith.constant 128 : i32
        %dma_wait3A_248 = arith.constant 0 : i32
        %dma_wait3A_249 = tpu.memref_slice %arg11[%dma_wait3A_247, %dma_wait3A_248] : memref<512x16xf32, #tpu.memory_space<vmem>> -> memref<128x16xf32, #tpu.memory_space<vmem>>
        %dma_wait3A_250 = arith.constant 0 : i32
        %dma_wait3A_251 = tpu.memref_slice %arg10[%dma_wait3A_246, %dma_wait3A_250] : memref<4x128xi32, #tpu.memory_space<vmem>> -> memref<1x128xi32, #tpu.memory_space<vmem>>
        %dma_wait3A_252 = tpu.memref_squeeze %dma_wait3A_251 : memref<1x128xi32, #tpu.memory_space<vmem>> -> memref<128xi32, #tpu.memory_space<vmem>>
        %dma_wait3A_253 = arith.constant 0 : i32
        %dma_wait3A_254 = arith.constant 0 : i32
        %dma_wait3A_255 = tpu.memref_slice %arg14[%dma_wait3A_253, %dma_wait3A_254] : memref<100000x16xf32, #tpu.memory_space<vmem_shared>> -> memref<100000x16xf32, #tpu.memory_space<vmem_shared>>
        tpu.wait_indirect_dma semaphore(%arg17 : memref<!tpu.dma_semaphore, #tpu.memory_space<semaphore_mem>>) src(%dma_wait3A_249 : memref<128x16xf32, #tpu.memory_space<vmem>>) dst(%dma_wait3A_255 : memref<100000x16xf32, #tpu.memory_space<vmem_shared>>)
        %dma_wait3A_256 = arith.constant 2 : i32
        %dma_wait3A_257 = arith.constant 256 : i32
        %dma_wait3A_258 = arith.constant 0 : i32
        %dma_wait3A_259 = tpu.memref_slice %arg11[%dma_wait3A_257, %dma_wait3A_258] : memref<512x16xf32, #tpu.memory_space<vmem>> -> memref<128x16xf32, #tpu.memory_space<vmem>>
        %dma_wait3A_260 = arith.constant 0 : i32
        %dma_wait3A_261 = tpu.memref_slice %arg10[%dma_wait3A_256, %dma_wait3A_260] : memref<4x128xi32, #tpu.memory_space<vmem>> -> memref<1x128xi32, #tpu.memory_space<vmem>>
        %dma_wait3A_262 = tpu.memref_squeeze %dma_wait3A_261 : memref<1x128xi32, #tpu.memory_space<vmem>> -> memref<128xi32, #tpu.memory_space<vmem>>
        %dma_wait3A_263 = arith.constant 0 : i32
        %dma_wait3A_264 = arith.constant 0 : i32
        %dma_wait3A_265 = tpu.memref_slice %arg14[%dma_wait3A_263, %dma_wait3A_264] : memref<100000x16xf32, #tpu.memory_space<vmem_shared>> -> memref<100000x16xf32, #tpu.memory_space<vmem_shared>>
        tpu.wait_indirect_dma semaphore(%arg17 : memref<!tpu.dma_semaphore, #tpu.memory_space<semaphore_mem>>) src(%dma_wait3A_259 : memref<128x16xf32, #tpu.memory_space<vmem>>) dst(%dma_wait3A_265 : memref<100000x16xf32, #tpu.memory_space<vmem_shared>>)
        %dma_wait3A_266 = arith.constant 3 : i32
        %dma_wait3A_267 = arith.constant 384 : i32
        %dma_wait3A_268 = arith.constant 0 : i32
        %dma_wait3A_269 = tpu.memref_slice %arg11[%dma_wait3A_267, %dma_wait3A_268] : memref<512x16xf32, #tpu.memory_space<vmem>> -> memref<128x16xf32, #tpu.memory_space<vmem>>
        %dma_wait3A_270 = arith.constant 0 : i32
        %dma_wait3A_271 = tpu.memref_slice %arg10[%dma_wait3A_266, %dma_wait3A_270] : memref<4x128xi32, #tpu.memory_space<vmem>> -> memref<1x128xi32, #tpu.memory_space<vmem>>
        %dma_wait3A_272 = tpu.memref_squeeze %dma_wait3A_271 : memref<1x128xi32, #tpu.memory_space<vmem>> -> memref<128xi32, #tpu.memory_space<vmem>>
        %dma_wait3A_273 = arith.constant 0 : i32
        %dma_wait3A_274 = arith.constant 0 : i32
        %dma_wait3A_275 = tpu.memref_slice %arg14[%dma_wait3A_273, %dma_wait3A_274] : memref<100000x16xf32, #tpu.memory_space<vmem_shared>> -> memref<100000x16xf32, #tpu.memory_space<vmem_shared>>
        tpu.wait_indirect_dma semaphore(%arg17 : memref<!tpu.dma_semaphore, #tpu.memory_space<semaphore_mem>>) src(%dma_wait3A_269 : memref<128x16xf32, #tpu.memory_space<vmem>>) dst(%dma_wait3A_275 : memref<100000x16xf32, #tpu.memory_space<vmem_shared>>)
      } else {
      }
    }
    %scan3A_39 = arith.constant 98 : i32
    %barrier3A_40 = arith.constant 0 : index
    tpu.barrier barrier_id(%barrier3A_40)
    %mul3A_41 = arith.constant 100000 : i32
    %mul3A_42 = arith.muli %arg0, %mul3A_41 : i32
    %mul3A_43 = arith.constant 6248 : i32
    %mul3A_44 = arith.muli %arg1, %mul3A_43 : i32
    %add3A_45 = arith.addi %mul3A_42, %mul3A_44 : i32
    %multiple_of3A_46 = tpu.assume_multiple %add3A_45, 8 : i32
    %mul3A_47 = arith.constant 6248 : i32
    %mul3A_48 = arith.muli %arg1, %mul3A_47 : i32
    %multiple_of3A_49 = tpu.assume_multiple %mul3A_48, 8 : i32
    "tpu.region"() ({
      %run_scoped3A = tpu.sem_alloc : memref<!tpu.dma_semaphore, #tpu.memory_space<semaphore_mem>>
      %dma_start3A = arith.constant 0 : i32
      %dma_start3A_55 = tpu.memref_slice %arg8[%multiple_of3A_46, %dma_start3A] : memref<200000x16xf32, #tpu.memory_space<hbm>> -> memref<6248x16xf32, #tpu.memory_space<hbm>>
      %dma_start3A_56 = arith.constant 0 : i32
      %dma_start3A_57 = tpu.memref_slice %arg14[%multiple_of3A_49, %dma_start3A_56] : memref<100000x16xf32, #tpu.memory_space<vmem_shared>> -> memref<6248x16xf32, #tpu.memory_space<vmem_shared>>
      tpu.enqueue_dma source(%dma_start3A_57 : memref<6248x16xf32, #tpu.memory_space<vmem_shared>>) target(%dma_start3A_55 : memref<6248x16xf32, #tpu.memory_space<hbm>>) target_semaphore(%run_scoped3A : memref<!tpu.dma_semaphore, #tpu.memory_space<semaphore_mem>>)
      %dma_wait3A = arith.constant 0 : i32
      %dma_wait3A_58 = tpu.memref_slice %arg8[%multiple_of3A_46, %dma_wait3A] : memref<200000x16xf32, #tpu.memory_space<hbm>> -> memref<6248x16xf32, #tpu.memory_space<hbm>>
      %dma_wait3A_59 = arith.constant 0 : i32
      %dma_wait3A_60 = tpu.memref_slice %arg14[%multiple_of3A_49, %dma_wait3A_59] : memref<100000x16xf32, #tpu.memory_space<vmem_shared>> -> memref<6248x16xf32, #tpu.memory_space<vmem_shared>>
      tpu.wait_dma2 semaphore(%run_scoped3A : memref<!tpu.dma_semaphore, #tpu.memory_space<semaphore_mem>>) src(%dma_wait3A_60 : memref<6248x16xf32, #tpu.memory_space<vmem_shared>>) dst(%dma_wait3A_58 : memref<6248x16xf32, #tpu.memory_space<hbm>>)
      tpu.yield
    }) : () -> ()
    %eq3A_50 = arith.constant 15 : i32
    %eq3A_51 = arith.cmpi eq, %arg1, %eq3A_50 : i32
    %convert_element_type3A_52 = arith.extui %eq3A_51 : i1 to i32
    %cond3A_53 = arith.constant 0 : i32
    %cond3A_54 = arith.cmpi ne, %convert_element_type3A_52, %cond3A_53 : i32
    scf.if %cond3A_54 {
      %mul3A_55 = arith.constant 100000 : i32
      %mul3A_56 = arith.muli %arg0, %mul3A_55 : i32
      %add3A_57 = arith.constant 99968 : i32
      %add3A_58 = arith.addi %mul3A_56, %add3A_57 : i32
      %multiple_of3A_59 = tpu.assume_multiple %add3A_58, 8 : i32
      "tpu.region"() ({
        %run_scoped3A = tpu.sem_alloc : memref<!tpu.dma_semaphore, #tpu.memory_space<semaphore_mem>>
        %dma_start3A = arith.constant 0 : i32
        %dma_start3A_60 = tpu.memref_slice %arg8[%multiple_of3A_59, %dma_start3A] : memref<200000x16xf32, #tpu.memory_space<hbm>> -> memref<32x16xf32, #tpu.memory_space<hbm>>
        %dma_start3A_61 = arith.constant 99968 : i32
        %dma_start3A_62 = arith.constant 0 : i32
        %dma_start3A_63 = tpu.memref_slice %arg14[%dma_start3A_61, %dma_start3A_62] : memref<100000x16xf32, #tpu.memory_space<vmem_shared>> -> memref<32x16xf32, #tpu.memory_space<vmem_shared>>
        tpu.enqueue_dma source(%dma_start3A_63 : memref<32x16xf32, #tpu.memory_space<vmem_shared>>) target(%dma_start3A_60 : memref<32x16xf32, #tpu.memory_space<hbm>>) target_semaphore(%run_scoped3A : memref<!tpu.dma_semaphore, #tpu.memory_space<semaphore_mem>>)
        %dma_wait3A = arith.constant 0 : i32
        %dma_wait3A_64 = tpu.memref_slice %arg8[%multiple_of3A_59, %dma_wait3A] : memref<200000x16xf32, #tpu.memory_space<hbm>> -> memref<32x16xf32, #tpu.memory_space<hbm>>
        %dma_wait3A_65 = arith.constant 99968 : i32
        %dma_wait3A_66 = arith.constant 0 : i32
        %dma_wait3A_67 = tpu.memref_slice %arg14[%dma_wait3A_65, %dma_wait3A_66] : memref<100000x16xf32, #tpu.memory_space<vmem_shared>> -> memref<32x16xf32, #tpu.memory_space<vmem_shared>>
        tpu.wait_dma2 semaphore(%run_scoped3A : memref<!tpu.dma_semaphore, #tpu.memory_space<semaphore_mem>>) src(%dma_wait3A_67 : memref<32x16xf32, #tpu.memory_space<vmem_shared>>) dst(%dma_wait3A_64 : memref<32x16xf32, #tpu.memory_space<hbm>>)
        tpu.yield
      }) : () -> ()
    } else {
    }
    return
  }
}

#map = affine_map<(d0, d1) -> (0, 0)>
module attributes {stable_mosaic.version = 14 : i64} {
  func.func @_pass2_body(%arg0: i32, %arg1: i32, %arg2: memref<100000x16xf32, #tpu.memory_space<hbm>>, %arg3: memref<12500x128xi32, #tpu.memory_space<hbm>>, %arg4: memref<12500x128xi32, #tpu.memory_space<hbm>>, %arg5: memref<1600000x16xf32, #tpu.memory_space<hbm>>, %arg6: memref<1600000x16xf32, #tpu.memory_space<hbm>>, %arg7: memref<200000x16xf32, #tpu.memory_space<hbm>>, %arg8: memref<4x128xi32, #tpu.memory_space<vmem>>, %arg9: memref<4x128xi32, #tpu.memory_space<vmem>>, %arg10: memref<512x16xf32, #tpu.memory_space<vmem>>, %arg11: memref<512x16xf32, #tpu.memory_space<vmem>>, %arg12: memref<100000x16xf32, #tpu.memory_space<vmem_shared>>, %arg13: memref<!tpu.dma_semaphore, #tpu.memory_space<semaphore_mem>>, %arg14: memref<!tpu.dma_semaphore, #tpu.memory_space<semaphore_mem>>, %arg15: memref<!tpu.dma_semaphore, #tpu.memory_space<semaphore_mem>>) attributes {dimension_semantics = [#tpu.dimension_semantics<core_parallel>, #tpu.dimension_semantics<subcore_parallel>], iteration_bounds = array<i64: 2, 16>, scalar_prefetch = 0 : i64, scratch_operands = 8 : i64, tpu.core_type = #tpu.core_type<sc_vector_subcore>, window_params = [{transform_indices = #map}, {transform_indices = #map}, {transform_indices = #map}, {transform_indices = #map}, {transform_indices = #map}, {transform_indices = #map}]} {
    %mul3A = arith.constant 16 : i32
    %mul3A_0 = arith.muli %arg0, %mul3A : i32
    %add3A = arith.addi %mul3A_0, %arg1 : i32
    %scan3A = arith.constant 0 : i32
    %scan3A_1 = arith.constant 512 : i32
    %scan3A_2 = arith.addi %scan3A, %scan3A_1 : i32
    %scan3A_3 = arith.constant 1 : i32
    scf.for %scan3A_55 = %scan3A to %scan3A_2 step %scan3A_3  : i32 {
      %mul3A_56 = arith.constant 1 : i32
      %mul3A_57 = arith.muli %scan3A_55, %mul3A_56 : i32
      %add3A_58 = arith.constant 0 : i32
      %add3A_59 = arith.addi %add3A_58, %mul3A_57 : i32
      %broadcast_in_dim3A = arith.constant 0.000000e+00 : f32
      %broadcast_in_dim3A_60 = vector.broadcast %broadcast_in_dim3A : f32 to vector<16xf32>
      %swap3A = arith.index_cast %add3A_59 : i32 to index
      %swap3A_61 = arith.constant 0 : index
      %swap3A_62 = tpu.vector_load %arg10[%swap3A, %swap3A_61] {strides = array<i32>} : memref<512x16xf32, #tpu.memory_space<vmem>>, vector<1x16xf32>,
      %swap3A_63 = vector.shape_cast %swap3A_62 : vector<1x16xf32> to vector<16xf32>
      %swap3A_64 = vector.shape_cast %broadcast_in_dim3A_60 : vector<16xf32> to vector<1x16xf32>
      tpu.vector_store %arg10[%swap3A, %swap3A_61], %swap3A_64 {strides = array<i32>} : memref<512x16xf32, #tpu.memory_space<vmem>>, vector<1x16xf32>,
    }
    %scan3A_4 = arith.constant 512 : i32
    %mul3A_5 = arith.constant 6248 : i32
    %mul3A_6 = arith.muli %arg1, %mul3A_5 : i32
    %multiple_of3A = tpu.assume_multiple %mul3A_6, 8 : i32
    %add3A_7 = arith.constant 0 : i32
    %add3A_8 = arith.addi %multiple_of3A, %add3A_7 : i32
    "tpu.region"() ({
      %run_scoped3A = tpu.sem_alloc : memref<!tpu.dma_semaphore, #tpu.memory_space<semaphore_mem>>
      %dma_start3A = arith.constant 0 : i32
      %dma_start3A_55 = arith.constant 0 : i32
      %dma_start3A_56 = tpu.memref_slice %arg10[%dma_start3A, %dma_start3A_55] : memref<512x16xf32, #tpu.memory_space<vmem>> -> memref<512x16xf32, #tpu.memory_space<vmem>>
      %dma_start3A_57 = arith.constant 0 : i32
      %dma_start3A_58 = tpu.memref_slice %arg12[%add3A_8, %dma_start3A_57] : memref<100000x16xf32, #tpu.memory_space<vmem_shared>> -> memref<512x16xf32, #tpu.memory_space<vmem_shared>>
      %dma_start3A_59 = arith.constant 0 : i32
      %dma_start3A_60 = tpu.memref_slice %arg12[%add3A_8, %dma_start3A_59] : memref<100000x16xf32, #tpu.memory_space<vmem_shared>> -> memref<512x16xf32, #tpu.memory_space<vmem_shared>>
      %dma_start3A_61 = arith.constant 0 : i32
      %dma_start3A_62 = arith.constant 0 : i32
      %dma_start3A_63 = tpu.memref_slice %arg10[%dma_start3A_61, %dma_start3A_62] : memref<512x16xf32, #tpu.memory_space<vmem>> -> memref<512x16xf32, #tpu.memory_space<vmem>>
      tpu.enqueue_dma source(%dma_start3A_63 : memref<512x16xf32, #tpu.memory_space<vmem>>) target(%dma_start3A_60 : memref<512x16xf32, #tpu.memory_space<vmem_shared>>) target_semaphore(%run_scoped3A : memref<!tpu.dma_semaphore, #tpu.memory_space<semaphore_mem>>)
      %dma_wait3A = arith.constant 0 : i32
      %dma_wait3A_64 = arith.constant 0 : i32
      %dma_wait3A_65 = tpu.memref_slice %arg10[%dma_wait3A, %dma_wait3A_64] : memref<512x16xf32, #tpu.memory_space<vmem>> -> memref<512x16xf32, #tpu.memory_space<vmem>>
      %dma_wait3A_66 = arith.constant 0 : i32
      %dma_wait3A_67 = tpu.memref_slice %arg12[%add3A_8, %dma_wait3A_66] : memref<100000x16xf32, #tpu.memory_space<vmem_shared>> -> memref<512x16xf32, #tpu.memory_space<vmem_shared>>
      %dma_wait3A_68 = arith.constant 0 : i32
      %dma_wait3A_69 = tpu.memref_slice %arg12[%add3A_8, %dma_wait3A_68] : memref<100000x16xf32, #tpu.memory_space<vmem_shared>> -> memref<512x16xf32, #tpu.memory_space<vmem_shared>>
      %dma_wait3A_70 = arith.constant 0 : i32
      %dma_wait3A_71 = arith.constant 0 : i32
      %dma_wait3A_72 = tpu.memref_slice %arg10[%dma_wait3A_70, %dma_wait3A_71] : memref<512x16xf32, #tpu.memory_space<vmem>> -> memref<512x16xf32, #tpu.memory_space<vmem>>
      tpu.wait_dma2 semaphore(%run_scoped3A : memref<!tpu.dma_semaphore, #tpu.memory_space<semaphore_mem>>) src(%dma_wait3A_72 : memref<512x16xf32, #tpu.memory_space<vmem>>) dst(%dma_wait3A_69 : memref<512x16xf32, #tpu.memory_space<vmem_shared>>)
      tpu.yield
    }) : () -> ()
    %add3A_9 = arith.constant 512 : i32
    %add3A_10 = arith.addi %multiple_of3A, %add3A_9 : i32
    "tpu.region"() ({
      %run_scoped3A = tpu.sem_alloc : memref<!tpu.dma_semaphore, #tpu.memory_space<semaphore_mem>>
      %dma_start3A = arith.constant 0 : i32
      %dma_start3A_55 = arith.constant 0 : i32
      %dma_start3A_56 = tpu.memref_slice %arg10[%dma_start3A, %dma_start3A_55] : memref<512x16xf32, #tpu.memory_space<vmem>> -> memref<512x16xf32, #tpu.memory_space<vmem>>
      %dma_start3A_57 = arith.constant 0 : i32
      %dma_start3A_58 = tpu.memref_slice %arg12[%add3A_10, %dma_start3A_57] : memref<100000x16xf32, #tpu.memory_space<vmem_shared>> -> memref<512x16xf32, #tpu.memory_space<vmem_shared>>
      %dma_start3A_59 = arith.constant 0 : i32
      %dma_start3A_60 = tpu.memref_slice %arg12[%add3A_10, %dma_start3A_59] : memref<100000x16xf32, #tpu.memory_space<vmem_shared>> -> memref<512x16xf32, #tpu.memory_space<vmem_shared>>
      %dma_start3A_61 = arith.constant 0 : i32
      %dma_start3A_62 = arith.constant 0 : i32
      %dma_start3A_63 = tpu.memref_slice %arg10[%dma_start3A_61, %dma_start3A_62] : memref<512x16xf32, #tpu.memory_space<vmem>> -> memref<512x16xf32, #tpu.memory_space<vmem>>
      tpu.enqueue_dma source(%dma_start3A_63 : memref<512x16xf32, #tpu.memory_space<vmem>>) target(%dma_start3A_60 : memref<512x16xf32, #tpu.memory_space<vmem_shared>>) target_semaphore(%run_scoped3A : memref<!tpu.dma_semaphore, #tpu.memory_space<semaphore_mem>>)
      %dma_wait3A = arith.constant 0 : i32
      %dma_wait3A_64 = arith.constant 0 : i32
      %dma_wait3A_65 = tpu.memref_slice %arg10[%dma_wait3A, %dma_wait3A_64] : memref<512x16xf32, #tpu.memory_space<vmem>> -> memref<512x16xf32, #tpu.memory_space<vmem>>
      %dma_wait3A_66 = arith.constant 0 : i32
      %dma_wait3A_67 = tpu.memref_slice %arg12[%add3A_10, %dma_wait3A_66] : memref<100000x16xf32, #tpu.memory_space<vmem_shared>> -> memref<512x16xf32, #tpu.memory_space<vmem_shared>>
      %dma_wait3A_68 = arith.constant 0 : i32
      %dma_wait3A_69 = tpu.memref_slice %arg12[%add3A_10, %dma_wait3A_68] : memref<100000x16xf32, #tpu.memory_space<vmem_shared>> -> memref<512x16xf32, #tpu.memory_space<vmem_shared>>
      %dma_wait3A_70 = arith.constant 0 : i32
      %dma_wait3A_71 = arith.constant 0 : i32
      %dma_wait3A_72 = tpu.memref_slice %arg10[%dma_wait3A_70, %dma_wait3A_71] : memref<512x16xf32, #tpu.memory_space<vmem>> -> memref<512x16xf32, #tpu.memory_space<vmem>>
      tpu.wait_dma2 semaphore(%run_scoped3A : memref<!tpu.dma_semaphore, #tpu.memory_space<semaphore_mem>>) src(%dma_wait3A_72 : memref<512x16xf32, #tpu.memory_space<vmem>>) dst(%dma_wait3A_69 : memref<512x16xf32, #tpu.memory_space<vmem_shared>>)
      tpu.yield
    }) : () -> ()
    %add3A_11 = arith.constant 1024 : i32
    %add3A_12 = arith.addi %multiple_of3A, %add3A_11 : i32
    "tpu.region"() ({
      %run_scoped3A = tpu.sem_alloc : memref<!tpu.dma_semaphore, #tpu.memory_space<semaphore_mem>>
      %dma_start3A = arith.constant 0 : i32
      %dma_start3A_55 = arith.constant 0 : i32
      %dma_start3A_56 = tpu.memref_slice %arg10[%dma_start3A, %dma_start3A_55] : memref<512x16xf32, #tpu.memory_space<vmem>> -> memref<512x16xf32, #tpu.memory_space<vmem>>
      %dma_start3A_57 = arith.constant 0 : i32
      %dma_start3A_58 = tpu.memref_slice %arg12[%add3A_12, %dma_start3A_57] : memref<100000x16xf32, #tpu.memory_space<vmem_shared>> -> memref<512x16xf32, #tpu.memory_space<vmem_shared>>
      %dma_start3A_59 = arith.constant 0 : i32
      %dma_start3A_60 = tpu.memref_slice %arg12[%add3A_12, %dma_start3A_59] : memref<100000x16xf32, #tpu.memory_space<vmem_shared>> -> memref<512x16xf32, #tpu.memory_space<vmem_shared>>
      %dma_start3A_61 = arith.constant 0 : i32
      %dma_start3A_62 = arith.constant 0 : i32
      %dma_start3A_63 = tpu.memref_slice %arg10[%dma_start3A_61, %dma_start3A_62] : memref<512x16xf32, #tpu.memory_space<vmem>> -> memref<512x16xf32, #tpu.memory_space<vmem>>
      tpu.enqueue_dma source(%dma_start3A_63 : memref<512x16xf32, #tpu.memory_space<vmem>>) target(%dma_start3A_60 : memref<512x16xf32, #tpu.memory_space<vmem_shared>>) target_semaphore(%run_scoped3A : memref<!tpu.dma_semaphore, #tpu.memory_space<semaphore_mem>>)
      %dma_wait3A = arith.constant 0 : i32
      %dma_wait3A_64 = arith.constant 0 : i32
      %dma_wait3A_65 = tpu.memref_slice %arg10[%dma_wait3A, %dma_wait3A_64] : memref<512x16xf32, #tpu.memory_space<vmem>> -> memref<512x16xf32, #tpu.memory_space<vmem>>
      %dma_wait3A_66 = arith.constant 0 : i32
      %dma_wait3A_67 = tpu.memref_slice %arg12[%add3A_12, %dma_wait3A_66] : memref<100000x16xf32, #tpu.memory_space<vmem_shared>> -> memref<512x16xf32, #tpu.memory_space<vmem_shared>>
      %dma_wait3A_68 = arith.constant 0 : i32
      %dma_wait3A_69 = tpu.memref_slice %arg12[%add3A_12, %dma_wait3A_68] : memref<100000x16xf32, #tpu.memory_space<vmem_shared>> -> memref<512x16xf32, #tpu.memory_space<vmem_shared>>
      %dma_wait3A_70 = arith.constant 0 : i32
      %dma_wait3A_71 = arith.constant 0 : i32
      %dma_wait3A_72 = tpu.memref_slice %arg10[%dma_wait3A_70, %dma_wait3A_71] : memref<512x16xf32, #tpu.memory_space<vmem>> -> memref<512x16xf32, #tpu.memory_space<vmem>>
      tpu.wait_dma2 semaphore(%run_scoped3A : memref<!tpu.dma_semaphore, #tpu.memory_space<semaphore_mem>>) src(%dma_wait3A_72 : memref<512x16xf32, #tpu.memory_space<vmem>>) dst(%dma_wait3A_69 : memref<512x16xf32, #tpu.memory_space<vmem_shared>>)
      tpu.yield
    }) : () -> ()
    %add3A_13 = arith.constant 1536 : i32
    %add3A_14 = arith.addi %multiple_of3A, %add3A_13 : i32
    "tpu.region"() ({
      %run_scoped3A = tpu.sem_alloc : memref<!tpu.dma_semaphore, #tpu.memory_space<semaphore_mem>>
      %dma_start3A = arith.constant 0 : i32
      %dma_start3A_55 = arith.constant 0 : i32
      %dma_start3A_56 = tpu.memref_slice %arg10[%dma_start3A, %dma_start3A_55] : memref<512x16xf32, #tpu.memory_space<vmem>> -> memref<512x16xf32, #tpu.memory_space<vmem>>
      %dma_start3A_57 = arith.constant 0 : i32
      %dma_start3A_58 = tpu.memref_slice %arg12[%add3A_14, %dma_start3A_57] : memref<100000x16xf32, #tpu.memory_space<vmem_shared>> -> memref<512x16xf32, #tpu.memory_space<vmem_shared>>
      %dma_start3A_59 = arith.constant 0 : i32
      %dma_start3A_60 = tpu.memref_slice %arg12[%add3A_14, %dma_start3A_59] : memref<100000x16xf32, #tpu.memory_space<vmem_shared>> -> memref<512x16xf32, #tpu.memory_space<vmem_shared>>
      %dma_start3A_61 = arith.constant 0 : i32
      %dma_start3A_62 = arith.constant 0 : i32
      %dma_start3A_63 = tpu.memref_slice %arg10[%dma_start3A_61, %dma_start3A_62] : memref<512x16xf32, #tpu.memory_space<vmem>> -> memref<512x16xf32, #tpu.memory_space<vmem>>
      tpu.enqueue_dma source(%dma_start3A_63 : memref<512x16xf32, #tpu.memory_space<vmem>>) target(%dma_start3A_60 : memref<512x16xf32, #tpu.memory_space<vmem_shared>>) target_semaphore(%run_scoped3A : memref<!tpu.dma_semaphore, #tpu.memory_space<semaphore_mem>>)
      %dma_wait3A = arith.constant 0 : i32
      %dma_wait3A_64 = arith.constant 0 : i32
      %dma_wait3A_65 = tpu.memref_slice %arg10[%dma_wait3A, %dma_wait3A_64] : memref<512x16xf32, #tpu.memory_space<vmem>> -> memref<512x16xf32, #tpu.memory_space<vmem>>
      %dma_wait3A_66 = arith.constant 0 : i32
      %dma_wait3A_67 = tpu.memref_slice %arg12[%add3A_14, %dma_wait3A_66] : memref<100000x16xf32, #tpu.memory_space<vmem_shared>> -> memref<512x16xf32, #tpu.memory_space<vmem_shared>>
      %dma_wait3A_68 = arith.constant 0 : i32
      %dma_wait3A_69 = tpu.memref_slice %arg12[%add3A_14, %dma_wait3A_68] : memref<100000x16xf32, #tpu.memory_space<vmem_shared>> -> memref<512x16xf32, #tpu.memory_space<vmem_shared>>
      %dma_wait3A_70 = arith.constant 0 : i32
      %dma_wait3A_71 = arith.constant 0 : i32
      %dma_wait3A_72 = tpu.memref_slice %arg10[%dma_wait3A_70, %dma_wait3A_71] : memref<512x16xf32, #tpu.memory_space<vmem>> -> memref<512x16xf32, #tpu.memory_space<vmem>>
      tpu.wait_dma2 semaphore(%run_scoped3A : memref<!tpu.dma_semaphore, #tpu.memory_space<semaphore_mem>>) src(%dma_wait3A_72 : memref<512x16xf32, #tpu.memory_space<vmem>>) dst(%dma_wait3A_69 : memref<512x16xf32, #tpu.memory_space<vmem_shared>>)
      tpu.yield
    }) : () -> ()
    %add3A_15 = arith.constant 2048 : i32
    %add3A_16 = arith.addi %multiple_of3A, %add3A_15 : i32
    "tpu.region"() ({
      %run_scoped3A = tpu.sem_alloc : memref<!tpu.dma_semaphore, #tpu.memory_space<semaphore_mem>>
      %dma_start3A = arith.constant 0 : i32
      %dma_start3A_55 = arith.constant 0 : i32
      %dma_start3A_56 = tpu.memref_slice %arg10[%dma_start3A, %dma_start3A_55] : memref<512x16xf32, #tpu.memory_space<vmem>> -> memref<512x16xf32, #tpu.memory_space<vmem>>
      %dma_start3A_57 = arith.constant 0 : i32
      %dma_start3A_58 = tpu.memref_slice %arg12[%add3A_16, %dma_start3A_57] : memref<100000x16xf32, #tpu.memory_space<vmem_shared>> -> memref<512x16xf32, #tpu.memory_space<vmem_shared>>
      %dma_start3A_59 = arith.constant 0 : i32
      %dma_start3A_60 = tpu.memref_slice %arg12[%add3A_16, %dma_start3A_59] : memref<100000x16xf32, #tpu.memory_space<vmem_shared>> -> memref<512x16xf32, #tpu.memory_space<vmem_shared>>
      %dma_start3A_61 = arith.constant 0 : i32
      %dma_start3A_62 = arith.constant 0 : i32
      %dma_start3A_63 = tpu.memref_slice %arg10[%dma_start3A_61, %dma_start3A_62] : memref<512x16xf32, #tpu.memory_space<vmem>> -> memref<512x16xf32, #tpu.memory_space<vmem>>
      tpu.enqueue_dma source(%dma_start3A_63 : memref<512x16xf32, #tpu.memory_space<vmem>>) target(%dma_start3A_60 : memref<512x16xf32, #tpu.memory_space<vmem_shared>>) target_semaphore(%run_scoped3A : memref<!tpu.dma_semaphore, #tpu.memory_space<semaphore_mem>>)
      %dma_wait3A = arith.constant 0 : i32
      %dma_wait3A_64 = arith.constant 0 : i32
      %dma_wait3A_65 = tpu.memref_slice %arg10[%dma_wait3A, %dma_wait3A_64] : memref<512x16xf32, #tpu.memory_space<vmem>> -> memref<512x16xf32, #tpu.memory_space<vmem>>
      %dma_wait3A_66 = arith.constant 0 : i32
      %dma_wait3A_67 = tpu.memref_slice %arg12[%add3A_16, %dma_wait3A_66] : memref<100000x16xf32, #tpu.memory_space<vmem_shared>> -> memref<512x16xf32, #tpu.memory_space<vmem_shared>>
      %dma_wait3A_68 = arith.constant 0 : i32
      %dma_wait3A_69 = tpu.memref_slice %arg12[%add3A_16, %dma_wait3A_68] : memref<100000x16xf32, #tpu.memory_space<vmem_shared>> -> memref<512x16xf32, #tpu.memory_space<vmem_shared>>
      %dma_wait3A_70 = arith.constant 0 : i32
      %dma_wait3A_71 = arith.constant 0 : i32
      %dma_wait3A_72 = tpu.memref_slice %arg10[%dma_wait3A_70, %dma_wait3A_71] : memref<512x16xf32, #tpu.memory_space<vmem>> -> memref<512x16xf32, #tpu.memory_space<vmem>>
      tpu.wait_dma2 semaphore(%run_scoped3A : memref<!tpu.dma_semaphore, #tpu.memory_space<semaphore_mem>>) src(%dma_wait3A_72 : memref<512x16xf32, #tpu.memory_space<vmem>>) dst(%dma_wait3A_69 : memref<512x16xf32, #tpu.memory_space<vmem_shared>>)
      tpu.yield
    }) : () -> ()
    %add3A_17 = arith.constant 2560 : i32
    %add3A_18 = arith.addi %multiple_of3A, %add3A_17 : i32
    "tpu.region"() ({
      %run_scoped3A = tpu.sem_alloc : memref<!tpu.dma_semaphore, #tpu.memory_space<semaphore_mem>>
      %dma_start3A = arith.constant 0 : i32
      %dma_start3A_55 = arith.constant 0 : i32
      %dma_start3A_56 = tpu.memref_slice %arg10[%dma_start3A, %dma_start3A_55] : memref<512x16xf32, #tpu.memory_space<vmem>> -> memref<512x16xf32, #tpu.memory_space<vmem>>
      %dma_start3A_57 = arith.constant 0 : i32
      %dma_start3A_58 = tpu.memref_slice %arg12[%add3A_18, %dma_start3A_57] : memref<100000x16xf32, #tpu.memory_space<vmem_shared>> -> memref<512x16xf32, #tpu.memory_space<vmem_shared>>
      %dma_start3A_59 = arith.constant 0 : i32
      %dma_start3A_60 = tpu.memref_slice %arg12[%add3A_18, %dma_start3A_59] : memref<100000x16xf32, #tpu.memory_space<vmem_shared>> -> memref<512x16xf32, #tpu.memory_space<vmem_shared>>
      %dma_start3A_61 = arith.constant 0 : i32
      %dma_start3A_62 = arith.constant 0 : i32
      %dma_start3A_63 = tpu.memref_slice %arg10[%dma_start3A_61, %dma_start3A_62] : memref<512x16xf32, #tpu.memory_space<vmem>> -> memref<512x16xf32, #tpu.memory_space<vmem>>
      tpu.enqueue_dma source(%dma_start3A_63 : memref<512x16xf32, #tpu.memory_space<vmem>>) target(%dma_start3A_60 : memref<512x16xf32, #tpu.memory_space<vmem_shared>>) target_semaphore(%run_scoped3A : memref<!tpu.dma_semaphore, #tpu.memory_space<semaphore_mem>>)
      %dma_wait3A = arith.constant 0 : i32
      %dma_wait3A_64 = arith.constant 0 : i32
      %dma_wait3A_65 = tpu.memref_slice %arg10[%dma_wait3A, %dma_wait3A_64] : memref<512x16xf32, #tpu.memory_space<vmem>> -> memref<512x16xf32, #tpu.memory_space<vmem>>
      %dma_wait3A_66 = arith.constant 0 : i32
      %dma_wait3A_67 = tpu.memref_slice %arg12[%add3A_18, %dma_wait3A_66] : memref<100000x16xf32, #tpu.memory_space<vmem_shared>> -> memref<512x16xf32, #tpu.memory_space<vmem_shared>>
      %dma_wait3A_68 = arith.constant 0 : i32
      %dma_wait3A_69 = tpu.memref_slice %arg12[%add3A_18, %dma_wait3A_68] : memref<100000x16xf32, #tpu.memory_space<vmem_shared>> -> memref<512x16xf32, #tpu.memory_space<vmem_shared>>
      %dma_wait3A_70 = arith.constant 0 : i32
      %dma_wait3A_71 = arith.constant 0 : i32
      %dma_wait3A_72 = tpu.memref_slice %arg10[%dma_wait3A_70, %dma_wait3A_71] : memref<512x16xf32, #tpu.memory_space<vmem>> -> memref<512x16xf32, #tpu.memory_space<vmem>>
      tpu.wait_dma2 semaphore(%run_scoped3A : memref<!tpu.dma_semaphore, #tpu.memory_space<semaphore_mem>>) src(%dma_wait3A_72 : memref<512x16xf32, #tpu.memory_space<vmem>>) dst(%dma_wait3A_69 : memref<512x16xf32, #tpu.memory_space<vmem_shared>>)
      tpu.yield
    }) : () -> ()
    %add3A_19 = arith.constant 3072 : i32
    %add3A_20 = arith.addi %multiple_of3A, %add3A_19 : i32
    "tpu.region"() ({
      %run_scoped3A = tpu.sem_alloc : memref<!tpu.dma_semaphore, #tpu.memory_space<semaphore_mem>>
      %dma_start3A = arith.constant 0 : i32
      %dma_start3A_55 = arith.constant 0 : i32
      %dma_start3A_56 = tpu.memref_slice %arg10[%dma_start3A, %dma_start3A_55] : memref<512x16xf32, #tpu.memory_space<vmem>> -> memref<512x16xf32, #tpu.memory_space<vmem>>
      %dma_start3A_57 = arith.constant 0 : i32
      %dma_start3A_58 = tpu.memref_slice %arg12[%add3A_20, %dma_start3A_57] : memref<100000x16xf32, #tpu.memory_space<vmem_shared>> -> memref<512x16xf32, #tpu.memory_space<vmem_shared>>
      %dma_start3A_59 = arith.constant 0 : i32
      %dma_start3A_60 = tpu.memref_slice %arg12[%add3A_20, %dma_start3A_59] : memref<100000x16xf32, #tpu.memory_space<vmem_shared>> -> memref<512x16xf32, #tpu.memory_space<vmem_shared>>
      %dma_start3A_61 = arith.constant 0 : i32
      %dma_start3A_62 = arith.constant 0 : i32
      %dma_start3A_63 = tpu.memref_slice %arg10[%dma_start3A_61, %dma_start3A_62] : memref<512x16xf32, #tpu.memory_space<vmem>> -> memref<512x16xf32, #tpu.memory_space<vmem>>
      tpu.enqueue_dma source(%dma_start3A_63 : memref<512x16xf32, #tpu.memory_space<vmem>>) target(%dma_start3A_60 : memref<512x16xf32, #tpu.memory_space<vmem_shared>>) target_semaphore(%run_scoped3A : memref<!tpu.dma_semaphore, #tpu.memory_space<semaphore_mem>>)
      %dma_wait3A = arith.constant 0 : i32
      %dma_wait3A_64 = arith.constant 0 : i32
      %dma_wait3A_65 = tpu.memref_slice %arg10[%dma_wait3A, %dma_wait3A_64] : memref<512x16xf32, #tpu.memory_space<vmem>> -> memref<512x16xf32, #tpu.memory_space<vmem>>
      %dma_wait3A_66 = arith.constant 0 : i32
      %dma_wait3A_67 = tpu.memref_slice %arg12[%add3A_20, %dma_wait3A_66] : memref<100000x16xf32, #tpu.memory_space<vmem_shared>> -> memref<512x16xf32, #tpu.memory_space<vmem_shared>>
      %dma_wait3A_68 = arith.constant 0 : i32
      %dma_wait3A_69 = tpu.memref_slice %arg12[%add3A_20, %dma_wait3A_68] : memref<100000x16xf32, #tpu.memory_space<vmem_shared>> -> memref<512x16xf32, #tpu.memory_space<vmem_shared>>
      %dma_wait3A_70 = arith.constant 0 : i32
      %dma_wait3A_71 = arith.constant 0 : i32
      %dma_wait3A_72 = tpu.memref_slice %arg10[%dma_wait3A_70, %dma_wait3A_71] : memref<512x16xf32, #tpu.memory_space<vmem>> -> memref<512x16xf32, #tpu.memory_space<vmem>>
      tpu.wait_dma2 semaphore(%run_scoped3A : memref<!tpu.dma_semaphore, #tpu.memory_space<semaphore_mem>>) src(%dma_wait3A_72 : memref<512x16xf32, #tpu.memory_space<vmem>>) dst(%dma_wait3A_69 : memref<512x16xf32, #tpu.memory_space<vmem_shared>>)
      tpu.yield
    }) : () -> ()
    %add3A_21 = arith.constant 3584 : i32
    %add3A_22 = arith.addi %multiple_of3A, %add3A_21 : i32
    "tpu.region"() ({
      %run_scoped3A = tpu.sem_alloc : memref<!tpu.dma_semaphore, #tpu.memory_space<semaphore_mem>>
      %dma_start3A = arith.constant 0 : i32
      %dma_start3A_55 = arith.constant 0 : i32
      %dma_start3A_56 = tpu.memref_slice %arg10[%dma_start3A, %dma_start3A_55] : memref<512x16xf32, #tpu.memory_space<vmem>> -> memref<512x16xf32, #tpu.memory_space<vmem>>
      %dma_start3A_57 = arith.constant 0 : i32
      %dma_start3A_58 = tpu.memref_slice %arg12[%add3A_22, %dma_start3A_57] : memref<100000x16xf32, #tpu.memory_space<vmem_shared>> -> memref<512x16xf32, #tpu.memory_space<vmem_shared>>
      %dma_start3A_59 = arith.constant 0 : i32
      %dma_start3A_60 = tpu.memref_slice %arg12[%add3A_22, %dma_start3A_59] : memref<100000x16xf32, #tpu.memory_space<vmem_shared>> -> memref<512x16xf32, #tpu.memory_space<vmem_shared>>
      %dma_start3A_61 = arith.constant 0 : i32
      %dma_start3A_62 = arith.constant 0 : i32
      %dma_start3A_63 = tpu.memref_slice %arg10[%dma_start3A_61, %dma_start3A_62] : memref<512x16xf32, #tpu.memory_space<vmem>> -> memref<512x16xf32, #tpu.memory_space<vmem>>
      tpu.enqueue_dma source(%dma_start3A_63 : memref<512x16xf32, #tpu.memory_space<vmem>>) target(%dma_start3A_60 : memref<512x16xf32, #tpu.memory_space<vmem_shared>>) target_semaphore(%run_scoped3A : memref<!tpu.dma_semaphore, #tpu.memory_space<semaphore_mem>>)
      %dma_wait3A = arith.constant 0 : i32
      %dma_wait3A_64 = arith.constant 0 : i32
      %dma_wait3A_65 = tpu.memref_slice %arg10[%dma_wait3A, %dma_wait3A_64] : memref<512x16xf32, #tpu.memory_space<vmem>> -> memref<512x16xf32, #tpu.memory_space<vmem>>
      %dma_wait3A_66 = arith.constant 0 : i32
      %dma_wait3A_67 = tpu.memref_slice %arg12[%add3A_22, %dma_wait3A_66] : memref<100000x16xf32, #tpu.memory_space<vmem_shared>> -> memref<512x16xf32, #tpu.memory_space<vmem_shared>>
      %dma_wait3A_68 = arith.constant 0 : i32
      %dma_wait3A_69 = tpu.memref_slice %arg12[%add3A_22, %dma_wait3A_68] : memref<100000x16xf32, #tpu.memory_space<vmem_shared>> -> memref<512x16xf32, #tpu.memory_space<vmem_shared>>
      %dma_wait3A_70 = arith.constant 0 : i32
      %dma_wait3A_71 = arith.constant 0 : i32
      %dma_wait3A_72 = tpu.memref_slice %arg10[%dma_wait3A_70, %dma_wait3A_71] : memref<512x16xf32, #tpu.memory_space<vmem>> -> memref<512x16xf32, #tpu.memory_space<vmem>>
      tpu.wait_dma2 semaphore(%run_scoped3A : memref<!tpu.dma_semaphore, #tpu.memory_space<semaphore_mem>>) src(%dma_wait3A_72 : memref<512x16xf32, #tpu.memory_space<vmem>>) dst(%dma_wait3A_69 : memref<512x16xf32, #tpu.memory_space<vmem_shared>>)
      tpu.yield
    }) : () -> ()
    %add3A_23 = arith.constant 4096 : i32
    %add3A_24 = arith.addi %multiple_of3A, %add3A_23 : i32
    "tpu.region"() ({
      %run_scoped3A = tpu.sem_alloc : memref<!tpu.dma_semaphore, #tpu.memory_space<semaphore_mem>>
      %dma_start3A = arith.constant 0 : i32
      %dma_start3A_55 = arith.constant 0 : i32
      %dma_start3A_56 = tpu.memref_slice %arg10[%dma_start3A, %dma_start3A_55] : memref<512x16xf32, #tpu.memory_space<vmem>> -> memref<512x16xf32, #tpu.memory_space<vmem>>
      %dma_start3A_57 = arith.constant 0 : i32
      %dma_start3A_58 = tpu.memref_slice %arg12[%add3A_24, %dma_start3A_57] : memref<100000x16xf32, #tpu.memory_space<vmem_shared>> -> memref<512x16xf32, #tpu.memory_space<vmem_shared>>
      %dma_start3A_59 = arith.constant 0 : i32
      %dma_start3A_60 = tpu.memref_slice %arg12[%add3A_24, %dma_start3A_59] : memref<100000x16xf32, #tpu.memory_space<vmem_shared>> -> memref<512x16xf32, #tpu.memory_space<vmem_shared>>
      %dma_start3A_61 = arith.constant 0 : i32
      %dma_start3A_62 = arith.constant 0 : i32
      %dma_start3A_63 = tpu.memref_slice %arg10[%dma_start3A_61, %dma_start3A_62] : memref<512x16xf32, #tpu.memory_space<vmem>> -> memref<512x16xf32, #tpu.memory_space<vmem>>
      tpu.enqueue_dma source(%dma_start3A_63 : memref<512x16xf32, #tpu.memory_space<vmem>>) target(%dma_start3A_60 : memref<512x16xf32, #tpu.memory_space<vmem_shared>>) target_semaphore(%run_scoped3A : memref<!tpu.dma_semaphore, #tpu.memory_space<semaphore_mem>>)
      %dma_wait3A = arith.constant 0 : i32
      %dma_wait3A_64 = arith.constant 0 : i32
      %dma_wait3A_65 = tpu.memref_slice %arg10[%dma_wait3A, %dma_wait3A_64] : memref<512x16xf32, #tpu.memory_space<vmem>> -> memref<512x16xf32, #tpu.memory_space<vmem>>
      %dma_wait3A_66 = arith.constant 0 : i32
      %dma_wait3A_67 = tpu.memref_slice %arg12[%add3A_24, %dma_wait3A_66] : memref<100000x16xf32, #tpu.memory_space<vmem_shared>> -> memref<512x16xf32, #tpu.memory_space<vmem_shared>>
      %dma_wait3A_68 = arith.constant 0 : i32
      %dma_wait3A_69 = tpu.memref_slice %arg12[%add3A_24, %dma_wait3A_68] : memref<100000x16xf32, #tpu.memory_space<vmem_shared>> -> memref<512x16xf32, #tpu.memory_space<vmem_shared>>
      %dma_wait3A_70 = arith.constant 0 : i32
      %dma_wait3A_71 = arith.constant 0 : i32
      %dma_wait3A_72 = tpu.memref_slice %arg10[%dma_wait3A_70, %dma_wait3A_71] : memref<512x16xf32, #tpu.memory_space<vmem>> -> memref<512x16xf32, #tpu.memory_space<vmem>>
      tpu.wait_dma2 semaphore(%run_scoped3A : memref<!tpu.dma_semaphore, #tpu.memory_space<semaphore_mem>>) src(%dma_wait3A_72 : memref<512x16xf32, #tpu.memory_space<vmem>>) dst(%dma_wait3A_69 : memref<512x16xf32, #tpu.memory_space<vmem_shared>>)
      tpu.yield
    }) : () -> ()
    %add3A_25 = arith.constant 4608 : i32
    %add3A_26 = arith.addi %multiple_of3A, %add3A_25 : i32
    "tpu.region"() ({
      %run_scoped3A = tpu.sem_alloc : memref<!tpu.dma_semaphore, #tpu.memory_space<semaphore_mem>>
      %dma_start3A = arith.constant 0 : i32
      %dma_start3A_55 = arith.constant 0 : i32
      %dma_start3A_56 = tpu.memref_slice %arg10[%dma_start3A, %dma_start3A_55] : memref<512x16xf32, #tpu.memory_space<vmem>> -> memref<512x16xf32, #tpu.memory_space<vmem>>
      %dma_start3A_57 = arith.constant 0 : i32
      %dma_start3A_58 = tpu.memref_slice %arg12[%add3A_26, %dma_start3A_57] : memref<100000x16xf32, #tpu.memory_space<vmem_shared>> -> memref<512x16xf32, #tpu.memory_space<vmem_shared>>
      %dma_start3A_59 = arith.constant 0 : i32
      %dma_start3A_60 = tpu.memref_slice %arg12[%add3A_26, %dma_start3A_59] : memref<100000x16xf32, #tpu.memory_space<vmem_shared>> -> memref<512x16xf32, #tpu.memory_space<vmem_shared>>
      %dma_start3A_61 = arith.constant 0 : i32
      %dma_start3A_62 = arith.constant 0 : i32
      %dma_start3A_63 = tpu.memref_slice %arg10[%dma_start3A_61, %dma_start3A_62] : memref<512x16xf32, #tpu.memory_space<vmem>> -> memref<512x16xf32, #tpu.memory_space<vmem>>
      tpu.enqueue_dma source(%dma_start3A_63 : memref<512x16xf32, #tpu.memory_space<vmem>>) target(%dma_start3A_60 : memref<512x16xf32, #tpu.memory_space<vmem_shared>>) target_semaphore(%run_scoped3A : memref<!tpu.dma_semaphore, #tpu.memory_space<semaphore_mem>>)
      %dma_wait3A = arith.constant 0 : i32
      %dma_wait3A_64 = arith.constant 0 : i32
      %dma_wait3A_65 = tpu.memref_slice %arg10[%dma_wait3A, %dma_wait3A_64] : memref<512x16xf32, #tpu.memory_space<vmem>> -> memref<512x16xf32, #tpu.memory_space<vmem>>
      %dma_wait3A_66 = arith.constant 0 : i32
      %dma_wait3A_67 = tpu.memref_slice %arg12[%add3A_26, %dma_wait3A_66] : memref<100000x16xf32, #tpu.memory_space<vmem_shared>> -> memref<512x16xf32, #tpu.memory_space<vmem_shared>>
      %dma_wait3A_68 = arith.constant 0 : i32
      %dma_wait3A_69 = tpu.memref_slice %arg12[%add3A_26, %dma_wait3A_68] : memref<100000x16xf32, #tpu.memory_space<vmem_shared>> -> memref<512x16xf32, #tpu.memory_space<vmem_shared>>
      %dma_wait3A_70 = arith.constant 0 : i32
      %dma_wait3A_71 = arith.constant 0 : i32
      %dma_wait3A_72 = tpu.memref_slice %arg10[%dma_wait3A_70, %dma_wait3A_71] : memref<512x16xf32, #tpu.memory_space<vmem>> -> memref<512x16xf32, #tpu.memory_space<vmem>>
      tpu.wait_dma2 semaphore(%run_scoped3A : memref<!tpu.dma_semaphore, #tpu.memory_space<semaphore_mem>>) src(%dma_wait3A_72 : memref<512x16xf32, #tpu.memory_space<vmem>>) dst(%dma_wait3A_69 : memref<512x16xf32, #tpu.memory_space<vmem_shared>>)
      tpu.yield
    }) : () -> ()
    %add3A_27 = arith.constant 5120 : i32
    %add3A_28 = arith.addi %multiple_of3A, %add3A_27 : i32
    "tpu.region"() ({
      %run_scoped3A = tpu.sem_alloc : memref<!tpu.dma_semaphore, #tpu.memory_space<semaphore_mem>>
      %dma_start3A = arith.constant 0 : i32
      %dma_start3A_55 = arith.constant 0 : i32
      %dma_start3A_56 = tpu.memref_slice %arg10[%dma_start3A, %dma_start3A_55] : memref<512x16xf32, #tpu.memory_space<vmem>> -> memref<512x16xf32, #tpu.memory_space<vmem>>
      %dma_start3A_57 = arith.constant 0 : i32
      %dma_start3A_58 = tpu.memref_slice %arg12[%add3A_28, %dma_start3A_57] : memref<100000x16xf32, #tpu.memory_space<vmem_shared>> -> memref<512x16xf32, #tpu.memory_space<vmem_shared>>
      %dma_start3A_59 = arith.constant 0 : i32
      %dma_start3A_60 = tpu.memref_slice %arg12[%add3A_28, %dma_start3A_59] : memref<100000x16xf32, #tpu.memory_space<vmem_shared>> -> memref<512x16xf32, #tpu.memory_space<vmem_shared>>
      %dma_start3A_61 = arith.constant 0 : i32
      %dma_start3A_62 = arith.constant 0 : i32
      %dma_start3A_63 = tpu.memref_slice %arg10[%dma_start3A_61, %dma_start3A_62] : memref<512x16xf32, #tpu.memory_space<vmem>> -> memref<512x16xf32, #tpu.memory_space<vmem>>
      tpu.enqueue_dma source(%dma_start3A_63 : memref<512x16xf32, #tpu.memory_space<vmem>>) target(%dma_start3A_60 : memref<512x16xf32, #tpu.memory_space<vmem_shared>>) target_semaphore(%run_scoped3A : memref<!tpu.dma_semaphore, #tpu.memory_space<semaphore_mem>>)
      %dma_wait3A = arith.constant 0 : i32
      %dma_wait3A_64 = arith.constant 0 : i32
      %dma_wait3A_65 = tpu.memref_slice %arg10[%dma_wait3A, %dma_wait3A_64] : memref<512x16xf32, #tpu.memory_space<vmem>> -> memref<512x16xf32, #tpu.memory_space<vmem>>
      %dma_wait3A_66 = arith.constant 0 : i32
      %dma_wait3A_67 = tpu.memref_slice %arg12[%add3A_28, %dma_wait3A_66] : memref<100000x16xf32, #tpu.memory_space<vmem_shared>> -> memref<512x16xf32, #tpu.memory_space<vmem_shared>>
      %dma_wait3A_68 = arith.constant 0 : i32
      %dma_wait3A_69 = tpu.memref_slice %arg12[%add3A_28, %dma_wait3A_68] : memref<100000x16xf32, #tpu.memory_space<vmem_shared>> -> memref<512x16xf32, #tpu.memory_space<vmem_shared>>
      %dma_wait3A_70 = arith.constant 0 : i32
      %dma_wait3A_71 = arith.constant 0 : i32
      %dma_wait3A_72 = tpu.memref_slice %arg10[%dma_wait3A_70, %dma_wait3A_71] : memref<512x16xf32, #tpu.memory_space<vmem>> -> memref<512x16xf32, #tpu.memory_space<vmem>>
      tpu.wait_dma2 semaphore(%run_scoped3A : memref<!tpu.dma_semaphore, #tpu.memory_space<semaphore_mem>>) src(%dma_wait3A_72 : memref<512x16xf32, #tpu.memory_space<vmem>>) dst(%dma_wait3A_69 : memref<512x16xf32, #tpu.memory_space<vmem_shared>>)
      tpu.yield
    }) : () -> ()
    %add3A_29 = arith.constant 5632 : i32
    %add3A_30 = arith.addi %multiple_of3A, %add3A_29 : i32
    "tpu.region"() ({
      %run_scoped3A = tpu.sem_alloc : memref<!tpu.dma_semaphore, #tpu.memory_space<semaphore_mem>>
      %dma_start3A = arith.constant 0 : i32
      %dma_start3A_55 = arith.constant 0 : i32
      %dma_start3A_56 = tpu.memref_slice %arg10[%dma_start3A, %dma_start3A_55] : memref<512x16xf32, #tpu.memory_space<vmem>> -> memref<512x16xf32, #tpu.memory_space<vmem>>
      %dma_start3A_57 = arith.constant 0 : i32
      %dma_start3A_58 = tpu.memref_slice %arg12[%add3A_30, %dma_start3A_57] : memref<100000x16xf32, #tpu.memory_space<vmem_shared>> -> memref<512x16xf32, #tpu.memory_space<vmem_shared>>
      %dma_start3A_59 = arith.constant 0 : i32
      %dma_start3A_60 = tpu.memref_slice %arg12[%add3A_30, %dma_start3A_59] : memref<100000x16xf32, #tpu.memory_space<vmem_shared>> -> memref<512x16xf32, #tpu.memory_space<vmem_shared>>
      %dma_start3A_61 = arith.constant 0 : i32
      %dma_start3A_62 = arith.constant 0 : i32
      %dma_start3A_63 = tpu.memref_slice %arg10[%dma_start3A_61, %dma_start3A_62] : memref<512x16xf32, #tpu.memory_space<vmem>> -> memref<512x16xf32, #tpu.memory_space<vmem>>
      tpu.enqueue_dma source(%dma_start3A_63 : memref<512x16xf32, #tpu.memory_space<vmem>>) target(%dma_start3A_60 : memref<512x16xf32, #tpu.memory_space<vmem_shared>>) target_semaphore(%run_scoped3A : memref<!tpu.dma_semaphore, #tpu.memory_space<semaphore_mem>>)
      %dma_wait3A = arith.constant 0 : i32
      %dma_wait3A_64 = arith.constant 0 : i32
      %dma_wait3A_65 = tpu.memref_slice %arg10[%dma_wait3A, %dma_wait3A_64] : memref<512x16xf32, #tpu.memory_space<vmem>> -> memref<512x16xf32, #tpu.memory_space<vmem>>
      %dma_wait3A_66 = arith.constant 0 : i32
      %dma_wait3A_67 = tpu.memref_slice %arg12[%add3A_30, %dma_wait3A_66] : memref<100000x16xf32, #tpu.memory_space<vmem_shared>> -> memref<512x16xf32, #tpu.memory_space<vmem_shared>>
      %dma_wait3A_68 = arith.constant 0 : i32
      %dma_wait3A_69 = tpu.memref_slice %arg12[%add3A_30, %dma_wait3A_68] : memref<100000x16xf32, #tpu.memory_space<vmem_shared>> -> memref<512x16xf32, #tpu.memory_space<vmem_shared>>
      %dma_wait3A_70 = arith.constant 0 : i32
      %dma_wait3A_71 = arith.constant 0 : i32
      %dma_wait3A_72 = tpu.memref_slice %arg10[%dma_wait3A_70, %dma_wait3A_71] : memref<512x16xf32, #tpu.memory_space<vmem>> -> memref<512x16xf32, #tpu.memory_space<vmem>>
      tpu.wait_dma2 semaphore(%run_scoped3A : memref<!tpu.dma_semaphore, #tpu.memory_space<semaphore_mem>>) src(%dma_wait3A_72 : memref<512x16xf32, #tpu.memory_space<vmem>>) dst(%dma_wait3A_69 : memref<512x16xf32, #tpu.memory_space<vmem_shared>>)
      tpu.yield
    }) : () -> ()
    %add3A_31 = arith.constant 6144 : i32
    %add3A_32 = arith.addi %multiple_of3A, %add3A_31 : i32
    "tpu.region"() ({
      %run_scoped3A = tpu.sem_alloc : memref<!tpu.dma_semaphore, #tpu.memory_space<semaphore_mem>>
      %dma_start3A = arith.constant 0 : i32
      %dma_start3A_55 = arith.constant 0 : i32
      %dma_start3A_56 = tpu.memref_slice %arg10[%dma_start3A, %dma_start3A_55] : memref<512x16xf32, #tpu.memory_space<vmem>> -> memref<104x16xf32, #tpu.memory_space<vmem>>
      %dma_start3A_57 = arith.constant 0 : i32
      %dma_start3A_58 = tpu.memref_slice %arg12[%add3A_32, %dma_start3A_57] : memref<100000x16xf32, #tpu.memory_space<vmem_shared>> -> memref<104x16xf32, #tpu.memory_space<vmem_shared>>
      %dma_start3A_59 = arith.constant 0 : i32
      %dma_start3A_60 = tpu.memref_slice %arg12[%add3A_32, %dma_start3A_59] : memref<100000x16xf32, #tpu.memory_space<vmem_shared>> -> memref<104x16xf32, #tpu.memory_space<vmem_shared>>
      %dma_start3A_61 = arith.constant 0 : i32
      %dma_start3A_62 = arith.constant 0 : i32
      %dma_start3A_63 = tpu.memref_slice %arg10[%dma_start3A_61, %dma_start3A_62] : memref<512x16xf32, #tpu.memory_space<vmem>> -> memref<104x16xf32, #tpu.memory_space<vmem>>
      tpu.enqueue_dma source(%dma_start3A_63 : memref<104x16xf32, #tpu.memory_space<vmem>>) target(%dma_start3A_60 : memref<104x16xf32, #tpu.memory_space<vmem_shared>>) target_semaphore(%run_scoped3A : memref<!tpu.dma_semaphore, #tpu.memory_space<semaphore_mem>>)
      %dma_wait3A = arith.constant 0 : i32
      %dma_wait3A_64 = arith.constant 0 : i32
      %dma_wait3A_65 = tpu.memref_slice %arg10[%dma_wait3A, %dma_wait3A_64] : memref<512x16xf32, #tpu.memory_space<vmem>> -> memref<104x16xf32, #tpu.memory_space<vmem>>
      %dma_wait3A_66 = arith.constant 0 : i32
      %dma_wait3A_67 = tpu.memref_slice %arg12[%add3A_32, %dma_wait3A_66] : memref<100000x16xf32, #tpu.memory_space<vmem_shared>> -> memref<104x16xf32, #tpu.memory_space<vmem_shared>>
      %dma_wait3A_68 = arith.constant 0 : i32
      %dma_wait3A_69 = tpu.memref_slice %arg12[%add3A_32, %dma_wait3A_68] : memref<100000x16xf32, #tpu.memory_space<vmem_shared>> -> memref<104x16xf32, #tpu.memory_space<vmem_shared>>
      %dma_wait3A_70 = arith.constant 0 : i32
      %dma_wait3A_71 = arith.constant 0 : i32
      %dma_wait3A_72 = tpu.memref_slice %arg10[%dma_wait3A_70, %dma_wait3A_71] : memref<512x16xf32, #tpu.memory_space<vmem>> -> memref<104x16xf32, #tpu.memory_space<vmem>>
      tpu.wait_dma2 semaphore(%run_scoped3A : memref<!tpu.dma_semaphore, #tpu.memory_space<semaphore_mem>>) src(%dma_wait3A_72 : memref<104x16xf32, #tpu.memory_space<vmem>>) dst(%dma_wait3A_69 : memref<104x16xf32, #tpu.memory_space<vmem_shared>>)
      tpu.yield
    }) : () -> ()
    %eq3A = arith.constant 15 : i32
    %eq3A_33 = arith.cmpi eq, %arg1, %eq3A : i32
    %convert_element_type3A = arith.extui %eq3A_33 : i1 to i32
    %cond3A = arith.constant 0 : i32
    %cond3A_34 = arith.cmpi ne, %convert_element_type3A, %cond3A : i32
    scf.if %cond3A_34 {
      "tpu.region"() ({
        %run_scoped3A = tpu.sem_alloc : memref<!tpu.dma_semaphore, #tpu.memory_space<semaphore_mem>>
        %dma_start3A = arith.constant 0 : i32
        %dma_start3A_55 = arith.constant 0 : i32
        %dma_start3A_56 = tpu.memref_slice %arg10[%dma_start3A, %dma_start3A_55] : memref<512x16xf32, #tpu.memory_space<vmem>> -> memref<32x16xf32, #tpu.memory_space<vmem>>
        %dma_start3A_57 = arith.constant 99968 : i32
        %dma_start3A_58 = arith.constant 0 : i32
        %dma_start3A_59 = tpu.memref_slice %arg12[%dma_start3A_57, %dma_start3A_58] : memref<100000x16xf32, #tpu.memory_space<vmem_shared>> -> memref<32x16xf32, #tpu.memory_space<vmem_shared>>
        %dma_start3A_60 = arith.constant 99968 : i32
        %dma_start3A_61 = arith.constant 0 : i32
        %dma_start3A_62 = tpu.memref_slice %arg12[%dma_start3A_60, %dma_start3A_61] : memref<100000x16xf32, #tpu.memory_space<vmem_shared>> -> memref<32x16xf32, #tpu.memory_space<vmem_shared>>
        %dma_start3A_63 = arith.constant 0 : i32
        %dma_start3A_64 = arith.constant 0 : i32
        %dma_start3A_65 = tpu.memref_slice %arg10[%dma_start3A_63, %dma_start3A_64] : memref<512x16xf32, #tpu.memory_space<vmem>> -> memref<32x16xf32, #tpu.memory_space<vmem>>
        tpu.enqueue_dma source(%dma_start3A_65 : memref<32x16xf32, #tpu.memory_space<vmem>>) target(%dma_start3A_62 : memref<32x16xf32, #tpu.memory_space<vmem_shared>>) target_semaphore(%run_scoped3A : memref<!tpu.dma_semaphore, #tpu.memory_space<semaphore_mem>>)
        %dma_wait3A = arith.constant 0 : i32
        %dma_wait3A_66 = arith.constant 0 : i32
        %dma_wait3A_67 = tpu.memref_slice %arg10[%dma_wait3A, %dma_wait3A_66] : memref<512x16xf32, #tpu.memory_space<vmem>> -> memref<32x16xf32, #tpu.memory_space<vmem>>
        %dma_wait3A_68 = arith.constant 99968 : i32
        %dma_wait3A_69 = arith.constant 0 : i32
        %dma_wait3A_70 = tpu.memref_slice %arg12[%dma_wait3A_68, %dma_wait3A_69] : memref<100000x16xf32, #tpu.memory_space<vmem_shared>> -> memref<32x16xf32, #tpu.memory_space<vmem_shared>>
        %dma_wait3A_71 = arith.constant 99968 : i32
        %dma_wait3A_72 = arith.constant 0 : i32
        %dma_wait3A_73 = tpu.memref_slice %arg12[%dma_wait3A_71, %dma_wait3A_72] : memref<100000x16xf32, #tpu.memory_space<vmem_shared>> -> memref<32x16xf32, #tpu.memory_space<vmem_shared>>
        %dma_wait3A_74 = arith.constant 0 : i32
        %dma_wait3A_75 = arith.constant 0 : i32
        %dma_wait3A_76 = tpu.memref_slice %arg10[%dma_wait3A_74, %dma_wait3A_75] : memref<512x16xf32, #tpu.memory_space<vmem>> -> memref<32x16xf32, #tpu.memory_space<vmem>>
        tpu.wait_dma2 semaphore(%run_scoped3A : memref<!tpu.dma_semaphore, #tpu.memory_space<semaphore_mem>>) src(%dma_wait3A_76 : memref<32x16xf32, #tpu.memory_space<vmem>>) dst(%dma_wait3A_73 : memref<32x16xf32, #tpu.memory_space<vmem_shared>>)
        tpu.yield
      }) : () -> ()
    } else {
    }
    %barrier3A = arith.constant 0 : index
    tpu.barrier barrier_id(%barrier3A)
    %scan3A_35 = arith.constant 0 : i32
    %scan3A_36 = arith.constant 98 : i32
    %scan3A_37 = arith.addi %scan3A_35, %scan3A_36 : i32
    %scan3A_38 = arith.constant 1 : i32
    scf.for %scan3A_55 = %scan3A_35 to %scan3A_37 step %scan3A_38  : i32 {
      %mul3A_56 = arith.constant 1 : i32
      %mul3A_57 = arith.muli %scan3A_55, %mul3A_56 : i32
      %add3A_58 = arith.constant 0 : i32
      %add3A_59 = arith.addi %add3A_58, %mul3A_57 : i32
      %mul3A_60 = arith.constant 32 : i32
      %mul3A_61 = arith.muli %add3A_59, %mul3A_60 : i32
      %add3A_62 = arith.addi %mul3A_61, %add3A : i32
      %lt3A = arith.constant 3125 : i32
      %lt3A_63 = arith.cmpi slt, %add3A_62, %lt3A : i32
      %convert_element_type3A_64 = arith.extui %lt3A_63 : i1 to i32
      %cond3A_65 = arith.constant 0 : i32
      %cond3A_66 = arith.cmpi ne, %convert_element_type3A_64, %cond3A_65 : i32
      scf.if %cond3A_66 {
        %mul3A_67 = arith.constant 512 : i32
        %mul3A_68 = arith.muli %add3A_62, %mul3A_67 : i32
        %multiple_of3A_69 = tpu.assume_multiple %mul3A_68, 512 : i32
        %mul3A_70 = arith.constant 4 : i32
        %mul3A_71 = arith.muli %add3A_62, %mul3A_70 : i32
        %multiple_of3A_72 = tpu.assume_multiple %mul3A_71, 4 : i32
        %dma_start3A = arith.constant 0 : i32
        %dma_start3A_73 = tpu.memref_slice %arg3[%multiple_of3A_72, %dma_start3A] : memref<12500x128xi32, #tpu.memory_space<hbm>> -> memref<4x128xi32, #tpu.memory_space<hbm>>
        %dma_start3A_74 = arith.constant 0 : i32
        %dma_start3A_75 = tpu.memref_slice %arg3[%multiple_of3A_72, %dma_start3A_74] : memref<12500x128xi32, #tpu.memory_space<hbm>> -> memref<4x128xi32, #tpu.memory_space<hbm>>
        tpu.enqueue_dma source(%dma_start3A_75 : memref<4x128xi32, #tpu.memory_space<hbm>>) target(%arg8 : memref<4x128xi32, #tpu.memory_space<vmem>>) target_semaphore(%arg13 : memref<!tpu.dma_semaphore, #tpu.memory_space<semaphore_mem>>)
        %dma_start3A_76 = arith.constant 0 : i32
        %dma_start3A_77 = tpu.memref_slice %arg4[%multiple_of3A_72, %dma_start3A_76] : memref<12500x128xi32, #tpu.memory_space<hbm>> -> memref<4x128xi32, #tpu.memory_space<hbm>>
        %dma_start3A_78 = arith.constant 0 : i32
        %dma_start3A_79 = tpu.memref_slice %arg4[%multiple_of3A_72, %dma_start3A_78] : memref<12500x128xi32, #tpu.memory_space<hbm>> -> memref<4x128xi32, #tpu.memory_space<hbm>>
        tpu.enqueue_dma source(%dma_start3A_79 : memref<4x128xi32, #tpu.memory_space<hbm>>) target(%arg9 : memref<4x128xi32, #tpu.memory_space<vmem>>) target_semaphore(%arg13 : memref<!tpu.dma_semaphore, #tpu.memory_space<semaphore_mem>>)
        %dma_start3A_80 = arith.constant 0 : i32
        %dma_start3A_81 = tpu.memref_slice %arg5[%multiple_of3A_69, %dma_start3A_80] : memref<1600000x16xf32, #tpu.memory_space<hbm>> -> memref<512x16xf32, #tpu.memory_space<hbm>>
        %dma_start3A_82 = arith.constant 0 : i32
        %dma_start3A_83 = tpu.memref_slice %arg5[%multiple_of3A_69, %dma_start3A_82] : memref<1600000x16xf32, #tpu.memory_space<hbm>> -> memref<512x16xf32, #tpu.memory_space<hbm>>
        tpu.enqueue_dma source(%dma_start3A_83 : memref<512x16xf32, #tpu.memory_space<hbm>>) target(%arg11 : memref<512x16xf32, #tpu.memory_space<vmem>>) target_semaphore(%arg14 : memref<!tpu.dma_semaphore, #tpu.memory_space<semaphore_mem>>)
        %dma_wait3A = arith.constant 0 : i32
        %dma_wait3A_84 = tpu.memref_slice %arg3[%multiple_of3A_72, %dma_wait3A] : memref<12500x128xi32, #tpu.memory_space<hbm>> -> memref<4x128xi32, #tpu.memory_space<hbm>>
        %dma_wait3A_85 = arith.constant 0 : i32
        %dma_wait3A_86 = tpu.memref_slice %arg3[%multiple_of3A_72, %dma_wait3A_85] : memref<12500x128xi32, #tpu.memory_space<hbm>> -> memref<4x128xi32, #tpu.memory_space<hbm>>
        tpu.wait_dma2 semaphore(%arg13 : memref<!tpu.dma_semaphore, #tpu.memory_space<semaphore_mem>>) src(%dma_wait3A_86 : memref<4x128xi32, #tpu.memory_space<hbm>>) dst(%arg8 : memref<4x128xi32, #tpu.memory_space<vmem>>)
        %dma_wait3A_87 = arith.constant 0 : i32
        %dma_wait3A_88 = tpu.memref_slice %arg4[%multiple_of3A_72, %dma_wait3A_87] : memref<12500x128xi32, #tpu.memory_space<hbm>> -> memref<4x128xi32, #tpu.memory_space<hbm>>
        %dma_wait3A_89 = arith.constant 0 : i32
        %dma_wait3A_90 = tpu.memref_slice %arg4[%multiple_of3A_72, %dma_wait3A_89] : memref<12500x128xi32, #tpu.memory_space<hbm>> -> memref<4x128xi32, #tpu.memory_space<hbm>>
        tpu.wait_dma2 semaphore(%arg13 : memref<!tpu.dma_semaphore, #tpu.memory_space<semaphore_mem>>) src(%dma_wait3A_90 : memref<4x128xi32, #tpu.memory_space<hbm>>) dst(%arg9 : memref<4x128xi32, #tpu.memory_space<vmem>>)
        %dma_start3A_91 = arith.constant 0 : i32
        %dma_start3A_92 = arith.constant 0 : i32
        %dma_start3A_93 = arith.constant 0 : i32
        %dma_start3A_94 = tpu.memref_slice %arg10[%dma_start3A_92, %dma_start3A_93] : memref<512x16xf32, #tpu.memory_space<vmem>> -> memref<128x16xf32, #tpu.memory_space<vmem>>
        %dma_start3A_95 = arith.constant 0 : i32
        %dma_start3A_96 = tpu.memref_slice %arg8[%dma_start3A_91, %dma_start3A_95] : memref<4x128xi32, #tpu.memory_space<vmem>> -> memref<1x128xi32, #tpu.memory_space<vmem>>
        %dma_start3A_97 = tpu.memref_squeeze %dma_start3A_96 : memref<1x128xi32, #tpu.memory_space<vmem>> -> memref<128xi32, #tpu.memory_space<vmem>>
        %dma_start3A_98 = arith.constant 0 : i32
        %dma_start3A_99 = arith.constant 0 : i32
        %dma_start3A_100 = tpu.memref_slice %arg2[%dma_start3A_98, %dma_start3A_99] : memref<100000x16xf32, #tpu.memory_space<hbm>> -> memref<100000x16xf32, #tpu.memory_space<hbm>>
        tpu.enqueue_indirect_dma source(%dma_start3A_100 : memref<100000x16xf32, #tpu.memory_space<hbm>>) target(%dma_start3A_94 : memref<128x16xf32, #tpu.memory_space<vmem>>) offsets(%dma_start3A_97 : memref<128xi32, #tpu.memory_space<vmem>>) semaphore(%arg15 : memref<!tpu.dma_semaphore, #tpu.memory_space<semaphore_mem>>)
        %dma_start3A_101 = arith.constant 1 : i32
        %dma_start3A_102 = arith.constant 128 : i32
        %dma_start3A_103 = arith.constant 0 : i32
        %dma_start3A_104 = tpu.memref_slice %arg10[%dma_start3A_102, %dma_start3A_103] : memref<512x16xf32, #tpu.memory_space<vmem>> -> memref<128x16xf32, #tpu.memory_space<vmem>>
        %dma_start3A_105 = arith.constant 0 : i32
        %dma_start3A_106 = tpu.memref_slice %arg8[%dma_start3A_101, %dma_start3A_105] : memref<4x128xi32, #tpu.memory_space<vmem>> -> memref<1x128xi32, #tpu.memory_space<vmem>>
        %dma_start3A_107 = tpu.memref_squeeze %dma_start3A_106 : memref<1x128xi32, #tpu.memory_space<vmem>> -> memref<128xi32, #tpu.memory_space<vmem>>
        %dma_start3A_108 = arith.constant 0 : i32
        %dma_start3A_109 = arith.constant 0 : i32
        %dma_start3A_110 = tpu.memref_slice %arg2[%dma_start3A_108, %dma_start3A_109] : memref<100000x16xf32, #tpu.memory_space<hbm>> -> memref<100000x16xf32, #tpu.memory_space<hbm>>
        tpu.enqueue_indirect_dma source(%dma_start3A_110 : memref<100000x16xf32, #tpu.memory_space<hbm>>) target(%dma_start3A_104 : memref<128x16xf32, #tpu.memory_space<vmem>>) offsets(%dma_start3A_107 : memref<128xi32, #tpu.memory_space<vmem>>) semaphore(%arg15 : memref<!tpu.dma_semaphore, #tpu.memory_space<semaphore_mem>>)
        %dma_start3A_111 = arith.constant 2 : i32
        %dma_start3A_112 = arith.constant 256 : i32
        %dma_start3A_113 = arith.constant 0 : i32
        %dma_start3A_114 = tpu.memref_slice %arg10[%dma_start3A_112, %dma_start3A_113] : memref<512x16xf32, #tpu.memory_space<vmem>> -> memref<128x16xf32, #tpu.memory_space<vmem>>
        %dma_start3A_115 = arith.constant 0 : i32
        %dma_start3A_116 = tpu.memref_slice %arg8[%dma_start3A_111, %dma_start3A_115] : memref<4x128xi32, #tpu.memory_space<vmem>> -> memref<1x128xi32, #tpu.memory_space<vmem>>
        %dma_start3A_117 = tpu.memref_squeeze %dma_start3A_116 : memref<1x128xi32, #tpu.memory_space<vmem>> -> memref<128xi32, #tpu.memory_space<vmem>>
        %dma_start3A_118 = arith.constant 0 : i32
        %dma_start3A_119 = arith.constant 0 : i32
        %dma_start3A_120 = tpu.memref_slice %arg2[%dma_start3A_118, %dma_start3A_119] : memref<100000x16xf32, #tpu.memory_space<hbm>> -> memref<100000x16xf32, #tpu.memory_space<hbm>>
        tpu.enqueue_indirect_dma source(%dma_start3A_120 : memref<100000x16xf32, #tpu.memory_space<hbm>>) target(%dma_start3A_114 : memref<128x16xf32, #tpu.memory_space<vmem>>) offsets(%dma_start3A_117 : memref<128xi32, #tpu.memory_space<vmem>>) semaphore(%arg15 : memref<!tpu.dma_semaphore, #tpu.memory_space<semaphore_mem>>)
        %dma_start3A_121 = arith.constant 3 : i32
        %dma_start3A_122 = arith.constant 384 : i32
        %dma_start3A_123 = arith.constant 0 : i32
        %dma_start3A_124 = tpu.memref_slice %arg10[%dma_start3A_122, %dma_start3A_123] : memref<512x16xf32, #tpu.memory_space<vmem>> -> memref<128x16xf32, #tpu.memory_space<vmem>>
        %dma_start3A_125 = arith.constant 0 : i32
        %dma_start3A_126 = tpu.memref_slice %arg8[%dma_start3A_121, %dma_start3A_125] : memref<4x128xi32, #tpu.memory_space<vmem>> -> memref<1x128xi32, #tpu.memory_space<vmem>>
        %dma_start3A_127 = tpu.memref_squeeze %dma_start3A_126 : memref<1x128xi32, #tpu.memory_space<vmem>> -> memref<128xi32, #tpu.memory_space<vmem>>
        %dma_start3A_128 = arith.constant 0 : i32
        %dma_start3A_129 = arith.constant 0 : i32
        %dma_start3A_130 = tpu.memref_slice %arg2[%dma_start3A_128, %dma_start3A_129] : memref<100000x16xf32, #tpu.memory_space<hbm>> -> memref<100000x16xf32, #tpu.memory_space<hbm>>
        tpu.enqueue_indirect_dma source(%dma_start3A_130 : memref<100000x16xf32, #tpu.memory_space<hbm>>) target(%dma_start3A_124 : memref<128x16xf32, #tpu.memory_space<vmem>>) offsets(%dma_start3A_127 : memref<128xi32, #tpu.memory_space<vmem>>) semaphore(%arg15 : memref<!tpu.dma_semaphore, #tpu.memory_space<semaphore_mem>>)
        %dma_wait3A_131 = arith.constant 0 : i32
        %dma_wait3A_132 = tpu.memref_slice %arg5[%multiple_of3A_69, %dma_wait3A_131] : memref<1600000x16xf32, #tpu.memory_space<hbm>> -> memref<512x16xf32, #tpu.memory_space<hbm>>
        %dma_wait3A_133 = arith.constant 0 : i32
        %dma_wait3A_134 = tpu.memref_slice %arg5[%multiple_of3A_69, %dma_wait3A_133] : memref<1600000x16xf32, #tpu.memory_space<hbm>> -> memref<512x16xf32, #tpu.memory_space<hbm>>
        tpu.wait_dma2 semaphore(%arg14 : memref<!tpu.dma_semaphore, #tpu.memory_space<semaphore_mem>>) src(%dma_wait3A_134 : memref<512x16xf32, #tpu.memory_space<hbm>>) dst(%arg11 : memref<512x16xf32, #tpu.memory_space<vmem>>)
        %dma_wait3A_135 = arith.constant 0 : i32
        %dma_wait3A_136 = arith.constant 0 : i32
        %dma_wait3A_137 = arith.constant 0 : i32
        %dma_wait3A_138 = tpu.memref_slice %arg10[%dma_wait3A_136, %dma_wait3A_137] : memref<512x16xf32, #tpu.memory_space<vmem>> -> memref<128x16xf32, #tpu.memory_space<vmem>>
        %dma_wait3A_139 = arith.constant 0 : i32
        %dma_wait3A_140 = tpu.memref_slice %arg8[%dma_wait3A_135, %dma_wait3A_139] : memref<4x128xi32, #tpu.memory_space<vmem>> -> memref<1x128xi32, #tpu.memory_space<vmem>>
        %dma_wait3A_141 = tpu.memref_squeeze %dma_wait3A_140 : memref<1x128xi32, #tpu.memory_space<vmem>> -> memref<128xi32, #tpu.memory_space<vmem>>
        %dma_wait3A_142 = arith.constant 0 : i32
        %dma_wait3A_143 = arith.constant 0 : i32
        %dma_wait3A_144 = tpu.memref_slice %arg2[%dma_wait3A_142, %dma_wait3A_143] : memref<100000x16xf32, #tpu.memory_space<hbm>> -> memref<100000x16xf32, #tpu.memory_space<hbm>>
        tpu.wait_indirect_dma semaphore(%arg15 : memref<!tpu.dma_semaphore, #tpu.memory_space<semaphore_mem>>) src(%dma_wait3A_144 : memref<100000x16xf32, #tpu.memory_space<hbm>>) dst(%dma_wait3A_138 : memref<128x16xf32, #tpu.memory_space<vmem>>)
        %dma_wait3A_145 = arith.constant 1 : i32
        %dma_wait3A_146 = arith.constant 128 : i32
        %dma_wait3A_147 = arith.constant 0 : i32
        %dma_wait3A_148 = tpu.memref_slice %arg10[%dma_wait3A_146, %dma_wait3A_147] : memref<512x16xf32, #tpu.memory_space<vmem>> -> memref<128x16xf32, #tpu.memory_space<vmem>>
        %dma_wait3A_149 = arith.constant 0 : i32
        %dma_wait3A_150 = tpu.memref_slice %arg8[%dma_wait3A_145, %dma_wait3A_149] : memref<4x128xi32, #tpu.memory_space<vmem>> -> memref<1x128xi32, #tpu.memory_space<vmem>>
        %dma_wait3A_151 = tpu.memref_squeeze %dma_wait3A_150 : memref<1x128xi32, #tpu.memory_space<vmem>> -> memref<128xi32, #tpu.memory_space<vmem>>
        %dma_wait3A_152 = arith.constant 0 : i32
        %dma_wait3A_153 = arith.constant 0 : i32
        %dma_wait3A_154 = tpu.memref_slice %arg2[%dma_wait3A_152, %dma_wait3A_153] : memref<100000x16xf32, #tpu.memory_space<hbm>> -> memref<100000x16xf32, #tpu.memory_space<hbm>>
        tpu.wait_indirect_dma semaphore(%arg15 : memref<!tpu.dma_semaphore, #tpu.memory_space<semaphore_mem>>) src(%dma_wait3A_154 : memref<100000x16xf32, #tpu.memory_space<hbm>>) dst(%dma_wait3A_148 : memref<128x16xf32, #tpu.memory_space<vmem>>)
        %dma_wait3A_155 = arith.constant 2 : i32
        %dma_wait3A_156 = arith.constant 256 : i32
        %dma_wait3A_157 = arith.constant 0 : i32
        %dma_wait3A_158 = tpu.memref_slice %arg10[%dma_wait3A_156, %dma_wait3A_157] : memref<512x16xf32, #tpu.memory_space<vmem>> -> memref<128x16xf32, #tpu.memory_space<vmem>>
        %dma_wait3A_159 = arith.constant 0 : i32
        %dma_wait3A_160 = tpu.memref_slice %arg8[%dma_wait3A_155, %dma_wait3A_159] : memref<4x128xi32, #tpu.memory_space<vmem>> -> memref<1x128xi32, #tpu.memory_space<vmem>>
        %dma_wait3A_161 = tpu.memref_squeeze %dma_wait3A_160 : memref<1x128xi32, #tpu.memory_space<vmem>> -> memref<128xi32, #tpu.memory_space<vmem>>
        %dma_wait3A_162 = arith.constant 0 : i32
        %dma_wait3A_163 = arith.constant 0 : i32
        %dma_wait3A_164 = tpu.memref_slice %arg2[%dma_wait3A_162, %dma_wait3A_163] : memref<100000x16xf32, #tpu.memory_space<hbm>> -> memref<100000x16xf32, #tpu.memory_space<hbm>>
        tpu.wait_indirect_dma semaphore(%arg15 : memref<!tpu.dma_semaphore, #tpu.memory_space<semaphore_mem>>) src(%dma_wait3A_164 : memref<100000x16xf32, #tpu.memory_space<hbm>>) dst(%dma_wait3A_158 : memref<128x16xf32, #tpu.memory_space<vmem>>)
        %dma_wait3A_165 = arith.constant 3 : i32
        %dma_wait3A_166 = arith.constant 384 : i32
        %dma_wait3A_167 = arith.constant 0 : i32
        %dma_wait3A_168 = tpu.memref_slice %arg10[%dma_wait3A_166, %dma_wait3A_167] : memref<512x16xf32, #tpu.memory_space<vmem>> -> memref<128x16xf32, #tpu.memory_space<vmem>>
        %dma_wait3A_169 = arith.constant 0 : i32
        %dma_wait3A_170 = tpu.memref_slice %arg8[%dma_wait3A_165, %dma_wait3A_169] : memref<4x128xi32, #tpu.memory_space<vmem>> -> memref<1x128xi32, #tpu.memory_space<vmem>>
        %dma_wait3A_171 = tpu.memref_squeeze %dma_wait3A_170 : memref<1x128xi32, #tpu.memory_space<vmem>> -> memref<128xi32, #tpu.memory_space<vmem>>
        %dma_wait3A_172 = arith.constant 0 : i32
        %dma_wait3A_173 = arith.constant 0 : i32
        %dma_wait3A_174 = tpu.memref_slice %arg2[%dma_wait3A_172, %dma_wait3A_173] : memref<100000x16xf32, #tpu.memory_space<hbm>> -> memref<100000x16xf32, #tpu.memory_space<hbm>>
        tpu.wait_indirect_dma semaphore(%arg15 : memref<!tpu.dma_semaphore, #tpu.memory_space<semaphore_mem>>) src(%dma_wait3A_174 : memref<100000x16xf32, #tpu.memory_space<hbm>>) dst(%dma_wait3A_168 : memref<128x16xf32, #tpu.memory_space<vmem>>)
        %scan3A_175 = arith.constant 0 : i32
        %scan3A_176 = arith.constant 512 : i32
        %scan3A_177 = arith.addi %scan3A_175, %scan3A_176 : i32
        %scan3A_178 = arith.constant 8 : i32
        scf.for %scan3A_268 = %scan3A_175 to %scan3A_177 step %scan3A_178  : i32 {
          %mul3A_269 = arith.constant 1 : i32
          %mul3A_270 = arith.muli %scan3A_268, %mul3A_269 : i32
          %add3A_271 = arith.constant 0 : i32
          %add3A_272 = arith.addi %add3A_271, %mul3A_270 : i32
          %get3A = arith.index_cast %add3A_272 : i32 to index
          %get3A_273 = arith.constant 0 : index
          %get3A_274 = tpu.vector_load %arg10[%get3A, %get3A_273] {strides = array<i32>} : memref<512x16xf32, #tpu.memory_space<vmem>>, vector<1x16xf32>,
          %get3A_275 = vector.shape_cast %get3A_274 : vector<1x16xf32> to vector<16xf32>
          %get3A_276 = arith.index_cast %add3A_272 : i32 to index
          %get3A_277 = arith.constant 0 : index
          %get3A_278 = tpu.vector_load %arg11[%get3A_276, %get3A_277] {strides = array<i32>} : memref<512x16xf32, #tpu.memory_space<vmem>>, vector<1x16xf32>,
          %get3A_279 = vector.shape_cast %get3A_278 : vector<1x16xf32> to vector<16xf32>
          %sub3A = arith.subf %get3A_275, %get3A_279 : vector<16xf32>
          %swap3A = arith.index_cast %add3A_272 : i32 to index
          %swap3A_280 = arith.constant 0 : index
          %swap3A_281 = tpu.vector_load %arg10[%swap3A, %swap3A_280] {strides = array<i32>} : memref<512x16xf32, #tpu.memory_space<vmem>>, vector<1x16xf32>,
          %swap3A_282 = vector.shape_cast %swap3A_281 : vector<1x16xf32> to vector<16xf32>
          %swap3A_283 = vector.shape_cast %sub3A : vector<16xf32> to vector<1x16xf32>
          tpu.vector_store %arg10[%swap3A, %swap3A_280], %swap3A_283 {strides = array<i32>} : memref<512x16xf32, #tpu.memory_space<vmem>>, vector<1x16xf32>,
          %scan3A_284 = arith.constant 1 : i32
          %scan3A_285 = arith.addi %scan3A_268, %scan3A_284 : i32
          %mul3A_286 = arith.constant 1 : i32
          %mul3A_287 = arith.muli %scan3A_285, %mul3A_286 : i32
          %add3A_288 = arith.constant 0 : i32
          %add3A_289 = arith.addi %add3A_288, %mul3A_287 : i32
          %get3A_290 = arith.index_cast %add3A_289 : i32 to index
          %get3A_291 = arith.constant 0 : index
          %get3A_292 = tpu.vector_load %arg10[%get3A_290, %get3A_291] {strides = array<i32>} : memref<512x16xf32, #tpu.memory_space<vmem>>, vector<1x16xf32>,
          %get3A_293 = vector.shape_cast %get3A_292 : vector<1x16xf32> to vector<16xf32>
          %get3A_294 = arith.index_cast %add3A_289 : i32 to index
          %get3A_295 = arith.constant 0 : index
          %get3A_296 = tpu.vector_load %arg11[%get3A_294, %get3A_295] {strides = array<i32>} : memref<512x16xf32, #tpu.memory_space<vmem>>, vector<1x16xf32>,
          %get3A_297 = vector.shape_cast %get3A_296 : vector<1x16xf32> to vector<16xf32>
          %sub3A_298 = arith.subf %get3A_293, %get3A_297 : vector<16xf32>
          %swap3A_299 = arith.index_cast %add3A_289 : i32 to index
          %swap3A_300 = arith.constant 0 : index
          %swap3A_301 = tpu.vector_load %arg10[%swap3A_299, %swap3A_300] {strides = array<i32>} : memref<512x16xf32, #tpu.memory_space<vmem>>, vector<1x16xf32>,
          %swap3A_302 = vector.shape_cast %swap3A_301 : vector<1x16xf32> to vector<16xf32>
          %swap3A_303 = vector.shape_cast %sub3A_298 : vector<16xf32> to vector<1x16xf32>
          tpu.vector_store %arg10[%swap3A_299, %swap3A_300], %swap3A_303 {strides = array<i32>} : memref<512x16xf32, #tpu.memory_space<vmem>>, vector<1x16xf32>,
          %scan3A_304 = arith.constant 2 : i32
          %scan3A_305 = arith.addi %scan3A_268, %scan3A_304 : i32
          %mul3A_306 = arith.constant 1 : i32
          %mul3A_307 = arith.muli %scan3A_305, %mul3A_306 : i32
          %add3A_308 = arith.constant 0 : i32
          %add3A_309 = arith.addi %add3A_308, %mul3A_307 : i32
          %get3A_310 = arith.index_cast %add3A_309 : i32 to index
          %get3A_311 = arith.constant 0 : index
          %get3A_312 = tpu.vector_load %arg10[%get3A_310, %get3A_311] {strides = array<i32>} : memref<512x16xf32, #tpu.memory_space<vmem>>, vector<1x16xf32>,
          %get3A_313 = vector.shape_cast %get3A_312 : vector<1x16xf32> to vector<16xf32>
          %get3A_314 = arith.index_cast %add3A_309 : i32 to index
          %get3A_315 = arith.constant 0 : index
          %get3A_316 = tpu.vector_load %arg11[%get3A_314, %get3A_315] {strides = array<i32>} : memref<512x16xf32, #tpu.memory_space<vmem>>, vector<1x16xf32>,
          %get3A_317 = vector.shape_cast %get3A_316 : vector<1x16xf32> to vector<16xf32>
          %sub3A_318 = arith.subf %get3A_313, %get3A_317 : vector<16xf32>
          %swap3A_319 = arith.index_cast %add3A_309 : i32 to index
          %swap3A_320 = arith.constant 0 : index
          %swap3A_321 = tpu.vector_load %arg10[%swap3A_319, %swap3A_320] {strides = array<i32>} : memref<512x16xf32, #tpu.memory_space<vmem>>, vector<1x16xf32>,
          %swap3A_322 = vector.shape_cast %swap3A_321 : vector<1x16xf32> to vector<16xf32>
          %swap3A_323 = vector.shape_cast %sub3A_318 : vector<16xf32> to vector<1x16xf32>
          tpu.vector_store %arg10[%swap3A_319, %swap3A_320], %swap3A_323 {strides = array<i32>} : memref<512x16xf32, #tpu.memory_space<vmem>>, vector<1x16xf32>,
          %scan3A_324 = arith.constant 3 : i32
          %scan3A_325 = arith.addi %scan3A_268, %scan3A_324 : i32
          %mul3A_326 = arith.constant 1 : i32
          %mul3A_327 = arith.muli %scan3A_325, %mul3A_326 : i32
          %add3A_328 = arith.constant 0 : i32
          %add3A_329 = arith.addi %add3A_328, %mul3A_327 : i32
          %get3A_330 = arith.index_cast %add3A_329 : i32 to index
          %get3A_331 = arith.constant 0 : index
          %get3A_332 = tpu.vector_load %arg10[%get3A_330, %get3A_331] {strides = array<i32>} : memref<512x16xf32, #tpu.memory_space<vmem>>, vector<1x16xf32>,
          %get3A_333 = vector.shape_cast %get3A_332 : vector<1x16xf32> to vector<16xf32>
          %get3A_334 = arith.index_cast %add3A_329 : i32 to index
          %get3A_335 = arith.constant 0 : index
          %get3A_336 = tpu.vector_load %arg11[%get3A_334, %get3A_335] {strides = array<i32>} : memref<512x16xf32, #tpu.memory_space<vmem>>, vector<1x16xf32>,
          %get3A_337 = vector.shape_cast %get3A_336 : vector<1x16xf32> to vector<16xf32>
          %sub3A_338 = arith.subf %get3A_333, %get3A_337 : vector<16xf32>
          %swap3A_339 = arith.index_cast %add3A_329 : i32 to index
          %swap3A_340 = arith.constant 0 : index
          %swap3A_341 = tpu.vector_load %arg10[%swap3A_339, %swap3A_340] {strides = array<i32>} : memref<512x16xf32, #tpu.memory_space<vmem>>, vector<1x16xf32>,
          %swap3A_342 = vector.shape_cast %swap3A_341 : vector<1x16xf32> to vector<16xf32>
          %swap3A_343 = vector.shape_cast %sub3A_338 : vector<16xf32> to vector<1x16xf32>
          tpu.vector_store %arg10[%swap3A_339, %swap3A_340], %swap3A_343 {strides = array<i32>} : memref<512x16xf32, #tpu.memory_space<vmem>>, vector<1x16xf32>,
          %scan3A_344 = arith.constant 4 : i32
          %scan3A_345 = arith.addi %scan3A_268, %scan3A_344 : i32
          %mul3A_346 = arith.constant 1 : i32
          %mul3A_347 = arith.muli %scan3A_345, %mul3A_346 : i32
          %add3A_348 = arith.constant 0 : i32
          %add3A_349 = arith.addi %add3A_348, %mul3A_347 : i32
          %get3A_350 = arith.index_cast %add3A_349 : i32 to index
          %get3A_351 = arith.constant 0 : index
          %get3A_352 = tpu.vector_load %arg10[%get3A_350, %get3A_351] {strides = array<i32>} : memref<512x16xf32, #tpu.memory_space<vmem>>, vector<1x16xf32>,
          %get3A_353 = vector.shape_cast %get3A_352 : vector<1x16xf32> to vector<16xf32>
          %get3A_354 = arith.index_cast %add3A_349 : i32 to index
          %get3A_355 = arith.constant 0 : index
          %get3A_356 = tpu.vector_load %arg11[%get3A_354, %get3A_355] {strides = array<i32>} : memref<512x16xf32, #tpu.memory_space<vmem>>, vector<1x16xf32>,
          %get3A_357 = vector.shape_cast %get3A_356 : vector<1x16xf32> to vector<16xf32>
          %sub3A_358 = arith.subf %get3A_353, %get3A_357 : vector<16xf32>
          %swap3A_359 = arith.index_cast %add3A_349 : i32 to index
          %swap3A_360 = arith.constant 0 : index
          %swap3A_361 = tpu.vector_load %arg10[%swap3A_359, %swap3A_360] {strides = array<i32>} : memref<512x16xf32, #tpu.memory_space<vmem>>, vector<1x16xf32>,
          %swap3A_362 = vector.shape_cast %swap3A_361 : vector<1x16xf32> to vector<16xf32>
          %swap3A_363 = vector.shape_cast %sub3A_358 : vector<16xf32> to vector<1x16xf32>
          tpu.vector_store %arg10[%swap3A_359, %swap3A_360], %swap3A_363 {strides = array<i32>} : memref<512x16xf32, #tpu.memory_space<vmem>>, vector<1x16xf32>,
          %scan3A_364 = arith.constant 5 : i32
          %scan3A_365 = arith.addi %scan3A_268, %scan3A_364 : i32
          %mul3A_366 = arith.constant 1 : i32
          %mul3A_367 = arith.muli %scan3A_365, %mul3A_366 : i32
          %add3A_368 = arith.constant 0 : i32
          %add3A_369 = arith.addi %add3A_368, %mul3A_367 : i32
          %get3A_370 = arith.index_cast %add3A_369 : i32 to index
          %get3A_371 = arith.constant 0 : index
          %get3A_372 = tpu.vector_load %arg10[%get3A_370, %get3A_371] {strides = array<i32>} : memref<512x16xf32, #tpu.memory_space<vmem>>, vector<1x16xf32>,
          %get3A_373 = vector.shape_cast %get3A_372 : vector<1x16xf32> to vector<16xf32>
          %get3A_374 = arith.index_cast %add3A_369 : i32 to index
          %get3A_375 = arith.constant 0 : index
          %get3A_376 = tpu.vector_load %arg11[%get3A_374, %get3A_375] {strides = array<i32>} : memref<512x16xf32, #tpu.memory_space<vmem>>, vector<1x16xf32>,
          %get3A_377 = vector.shape_cast %get3A_376 : vector<1x16xf32> to vector<16xf32>
          %sub3A_378 = arith.subf %get3A_373, %get3A_377 : vector<16xf32>
          %swap3A_379 = arith.index_cast %add3A_369 : i32 to index
          %swap3A_380 = arith.constant 0 : index
          %swap3A_381 = tpu.vector_load %arg10[%swap3A_379, %swap3A_380] {strides = array<i32>} : memref<512x16xf32, #tpu.memory_space<vmem>>, vector<1x16xf32>,
          %swap3A_382 = vector.shape_cast %swap3A_381 : vector<1x16xf32> to vector<16xf32>
          %swap3A_383 = vector.shape_cast %sub3A_378 : vector<16xf32> to vector<1x16xf32>
          tpu.vector_store %arg10[%swap3A_379, %swap3A_380], %swap3A_383 {strides = array<i32>} : memref<512x16xf32, #tpu.memory_space<vmem>>, vector<1x16xf32>,
          %scan3A_384 = arith.constant 6 : i32
          %scan3A_385 = arith.addi %scan3A_268, %scan3A_384 : i32
          %mul3A_386 = arith.constant 1 : i32
          %mul3A_387 = arith.muli %scan3A_385, %mul3A_386 : i32
          %add3A_388 = arith.constant 0 : i32
          %add3A_389 = arith.addi %add3A_388, %mul3A_387 : i32
          %get3A_390 = arith.index_cast %add3A_389 : i32 to index
          %get3A_391 = arith.constant 0 : index
          %get3A_392 = tpu.vector_load %arg10[%get3A_390, %get3A_391] {strides = array<i32>} : memref<512x16xf32, #tpu.memory_space<vmem>>, vector<1x16xf32>,
          %get3A_393 = vector.shape_cast %get3A_392 : vector<1x16xf32> to vector<16xf32>
          %get3A_394 = arith.index_cast %add3A_389 : i32 to index
          %get3A_395 = arith.constant 0 : index
          %get3A_396 = tpu.vector_load %arg11[%get3A_394, %get3A_395] {strides = array<i32>} : memref<512x16xf32, #tpu.memory_space<vmem>>, vector<1x16xf32>,
          %get3A_397 = vector.shape_cast %get3A_396 : vector<1x16xf32> to vector<16xf32>
          %sub3A_398 = arith.subf %get3A_393, %get3A_397 : vector<16xf32>
          %swap3A_399 = arith.index_cast %add3A_389 : i32 to index
          %swap3A_400 = arith.constant 0 : index
          %swap3A_401 = tpu.vector_load %arg10[%swap3A_399, %swap3A_400] {strides = array<i32>} : memref<512x16xf32, #tpu.memory_space<vmem>>, vector<1x16xf32>,
          %swap3A_402 = vector.shape_cast %swap3A_401 : vector<1x16xf32> to vector<16xf32>
          %swap3A_403 = vector.shape_cast %sub3A_398 : vector<16xf32> to vector<1x16xf32>
          tpu.vector_store %arg10[%swap3A_399, %swap3A_400], %swap3A_403 {strides = array<i32>} : memref<512x16xf32, #tpu.memory_space<vmem>>, vector<1x16xf32>,
          %scan3A_404 = arith.constant 7 : i32
          %scan3A_405 = arith.addi %scan3A_268, %scan3A_404 : i32
          %mul3A_406 = arith.constant 1 : i32
          %mul3A_407 = arith.muli %scan3A_405, %mul3A_406 : i32
          %add3A_408 = arith.constant 0 : i32
          %add3A_409 = arith.addi %add3A_408, %mul3A_407 : i32
          %get3A_410 = arith.index_cast %add3A_409 : i32 to index
          %get3A_411 = arith.constant 0 : index
          %get3A_412 = tpu.vector_load %arg10[%get3A_410, %get3A_411] {strides = array<i32>} : memref<512x16xf32, #tpu.memory_space<vmem>>, vector<1x16xf32>,
          %get3A_413 = vector.shape_cast %get3A_412 : vector<1x16xf32> to vector<16xf32>
          %get3A_414 = arith.index_cast %add3A_409 : i32 to index
          %get3A_415 = arith.constant 0 : index
          %get3A_416 = tpu.vector_load %arg11[%get3A_414, %get3A_415] {strides = array<i32>} : memref<512x16xf32, #tpu.memory_space<vmem>>, vector<1x16xf32>,
          %get3A_417 = vector.shape_cast %get3A_416 : vector<1x16xf32> to vector<16xf32>
          %sub3A_418 = arith.subf %get3A_413, %get3A_417 : vector<16xf32>
          %swap3A_419 = arith.index_cast %add3A_409 : i32 to index
          %swap3A_420 = arith.constant 0 : index
          %swap3A_421 = tpu.vector_load %arg10[%swap3A_419, %swap3A_420] {strides = array<i32>} : memref<512x16xf32, #tpu.memory_space<vmem>>, vector<1x16xf32>,
          %swap3A_422 = vector.shape_cast %swap3A_421 : vector<1x16xf32> to vector<16xf32>
          %swap3A_423 = vector.shape_cast %sub3A_418 : vector<16xf32> to vector<1x16xf32>
          tpu.vector_store %arg10[%swap3A_419, %swap3A_420], %swap3A_423 {strides = array<i32>} : memref<512x16xf32, #tpu.memory_space<vmem>>, vector<1x16xf32>,
        }
        %scan3A_179 = arith.constant 512 : i32
        %dma_start3A_180 = arith.constant 0 : i32
        %dma_start3A_181 = tpu.memref_slice %arg6[%multiple_of3A_69, %dma_start3A_180] : memref<1600000x16xf32, #tpu.memory_space<hbm>> -> memref<512x16xf32, #tpu.memory_space<hbm>>
        %dma_start3A_182 = arith.constant 0 : i32
        %dma_start3A_183 = tpu.memref_slice %arg6[%multiple_of3A_69, %dma_start3A_182] : memref<1600000x16xf32, #tpu.memory_space<hbm>> -> memref<512x16xf32, #tpu.memory_space<hbm>>
        tpu.enqueue_dma source(%arg10 : memref<512x16xf32, #tpu.memory_space<vmem>>) target(%dma_start3A_183 : memref<512x16xf32, #tpu.memory_space<hbm>>) target_semaphore(%arg14 : memref<!tpu.dma_semaphore, #tpu.memory_space<semaphore_mem>>)
        %dma_start3A_184 = arith.constant 0 : i32
        %dma_start3A_185 = arith.constant 0 : i32
        %dma_start3A_186 = arith.constant 0 : i32
        %dma_start3A_187 = tpu.memref_slice %arg10[%dma_start3A_185, %dma_start3A_186] : memref<512x16xf32, #tpu.memory_space<vmem>> -> memref<128x16xf32, #tpu.memory_space<vmem>>
        %dma_start3A_188 = arith.constant 0 : i32
        %dma_start3A_189 = tpu.memref_slice %arg9[%dma_start3A_184, %dma_start3A_188] : memref<4x128xi32, #tpu.memory_space<vmem>> -> memref<1x128xi32, #tpu.memory_space<vmem>>
        %dma_start3A_190 = tpu.memref_squeeze %dma_start3A_189 : memref<1x128xi32, #tpu.memory_space<vmem>> -> memref<128xi32, #tpu.memory_space<vmem>>
        %dma_start3A_191 = arith.constant 0 : i32
        %dma_start3A_192 = arith.constant 0 : i32
        %dma_start3A_193 = tpu.memref_slice %arg12[%dma_start3A_191, %dma_start3A_192] : memref<100000x16xf32, #tpu.memory_space<vmem_shared>> -> memref<100000x16xf32, #tpu.memory_space<vmem_shared>>
        tpu.enqueue_indirect_dma source(%dma_start3A_187 : memref<128x16xf32, #tpu.memory_space<vmem>>) target(%dma_start3A_193 : memref<100000x16xf32, #tpu.memory_space<vmem_shared>>) offsets(%dma_start3A_190 : memref<128xi32, #tpu.memory_space<vmem>>) semaphore(%arg15 : memref<!tpu.dma_semaphore, #tpu.memory_space<semaphore_mem>>) {add = true}
        %dma_start3A_194 = arith.constant 1 : i32
        %dma_start3A_195 = arith.constant 128 : i32
        %dma_start3A_196 = arith.constant 0 : i32
        %dma_start3A_197 = tpu.memref_slice %arg10[%dma_start3A_195, %dma_start3A_196] : memref<512x16xf32, #tpu.memory_space<vmem>> -> memref<128x16xf32, #tpu.memory_space<vmem>>
        %dma_start3A_198 = arith.constant 0 : i32
        %dma_start3A_199 = tpu.memref_slice %arg9[%dma_start3A_194, %dma_start3A_198] : memref<4x128xi32, #tpu.memory_space<vmem>> -> memref<1x128xi32, #tpu.memory_space<vmem>>
        %dma_start3A_200 = tpu.memref_squeeze %dma_start3A_199 : memref<1x128xi32, #tpu.memory_space<vmem>> -> memref<128xi32, #tpu.memory_space<vmem>>
        %dma_start3A_201 = arith.constant 0 : i32
        %dma_start3A_202 = arith.constant 0 : i32
        %dma_start3A_203 = tpu.memref_slice %arg12[%dma_start3A_201, %dma_start3A_202] : memref<100000x16xf32, #tpu.memory_space<vmem_shared>> -> memref<100000x16xf32, #tpu.memory_space<vmem_shared>>
        tpu.enqueue_indirect_dma source(%dma_start3A_197 : memref<128x16xf32, #tpu.memory_space<vmem>>) target(%dma_start3A_203 : memref<100000x16xf32, #tpu.memory_space<vmem_shared>>) offsets(%dma_start3A_200 : memref<128xi32, #tpu.memory_space<vmem>>) semaphore(%arg15 : memref<!tpu.dma_semaphore, #tpu.memory_space<semaphore_mem>>) {add = true}
        %dma_start3A_204 = arith.constant 2 : i32
        %dma_start3A_205 = arith.constant 256 : i32
        %dma_start3A_206 = arith.constant 0 : i32
        %dma_start3A_207 = tpu.memref_slice %arg10[%dma_start3A_205, %dma_start3A_206] : memref<512x16xf32, #tpu.memory_space<vmem>> -> memref<128x16xf32, #tpu.memory_space<vmem>>
        %dma_start3A_208 = arith.constant 0 : i32
        %dma_start3A_209 = tpu.memref_slice %arg9[%dma_start3A_204, %dma_start3A_208] : memref<4x128xi32, #tpu.memory_space<vmem>> -> memref<1x128xi32, #tpu.memory_space<vmem>>
        %dma_start3A_210 = tpu.memref_squeeze %dma_start3A_209 : memref<1x128xi32, #tpu.memory_space<vmem>> -> memref<128xi32, #tpu.memory_space<vmem>>
        %dma_start3A_211 = arith.constant 0 : i32
        %dma_start3A_212 = arith.constant 0 : i32
        %dma_start3A_213 = tpu.memref_slice %arg12[%dma_start3A_211, %dma_start3A_212] : memref<100000x16xf32, #tpu.memory_space<vmem_shared>> -> memref<100000x16xf32, #tpu.memory_space<vmem_shared>>
        tpu.enqueue_indirect_dma source(%dma_start3A_207 : memref<128x16xf32, #tpu.memory_space<vmem>>) target(%dma_start3A_213 : memref<100000x16xf32, #tpu.memory_space<vmem_shared>>) offsets(%dma_start3A_210 : memref<128xi32, #tpu.memory_space<vmem>>) semaphore(%arg15 : memref<!tpu.dma_semaphore, #tpu.memory_space<semaphore_mem>>) {add = true}
        %dma_start3A_214 = arith.constant 3 : i32
        %dma_start3A_215 = arith.constant 384 : i32
        %dma_start3A_216 = arith.constant 0 : i32
        %dma_start3A_217 = tpu.memref_slice %arg10[%dma_start3A_215, %dma_start3A_216] : memref<512x16xf32, #tpu.memory_space<vmem>> -> memref<128x16xf32, #tpu.memory_space<vmem>>
        %dma_start3A_218 = arith.constant 0 : i32
        %dma_start3A_219 = tpu.memref_slice %arg9[%dma_start3A_214, %dma_start3A_218] : memref<4x128xi32, #tpu.memory_space<vmem>> -> memref<1x128xi32, #tpu.memory_space<vmem>>
        %dma_start3A_220 = tpu.memref_squeeze %dma_start3A_219 : memref<1x128xi32, #tpu.memory_space<vmem>> -> memref<128xi32, #tpu.memory_space<vmem>>
        %dma_start3A_221 = arith.constant 0 : i32
        %dma_start3A_222 = arith.constant 0 : i32
        %dma_start3A_223 = tpu.memref_slice %arg12[%dma_start3A_221, %dma_start3A_222] : memref<100000x16xf32, #tpu.memory_space<vmem_shared>> -> memref<100000x16xf32, #tpu.memory_space<vmem_shared>>
        tpu.enqueue_indirect_dma source(%dma_start3A_217 : memref<128x16xf32, #tpu.memory_space<vmem>>) target(%dma_start3A_223 : memref<100000x16xf32, #tpu.memory_space<vmem_shared>>) offsets(%dma_start3A_220 : memref<128xi32, #tpu.memory_space<vmem>>) semaphore(%arg15 : memref<!tpu.dma_semaphore, #tpu.memory_space<semaphore_mem>>) {add = true}
        %dma_wait3A_224 = arith.constant 0 : i32
        %dma_wait3A_225 = tpu.memref_slice %arg6[%multiple_of3A_69, %dma_wait3A_224] : memref<1600000x16xf32, #tpu.memory_space<hbm>> -> memref<512x16xf32, #tpu.memory_space<hbm>>
        %dma_wait3A_226 = arith.constant 0 : i32
        %dma_wait3A_227 = tpu.memref_slice %arg6[%multiple_of3A_69, %dma_wait3A_226] : memref<1600000x16xf32, #tpu.memory_space<hbm>> -> memref<512x16xf32, #tpu.memory_space<hbm>>
        tpu.wait_dma2 semaphore(%arg14 : memref<!tpu.dma_semaphore, #tpu.memory_space<semaphore_mem>>) src(%arg10 : memref<512x16xf32, #tpu.memory_space<vmem>>) dst(%dma_wait3A_227 : memref<512x16xf32, #tpu.memory_space<hbm>>)
        %dma_wait3A_228 = arith.constant 0 : i32
        %dma_wait3A_229 = arith.constant 0 : i32
        %dma_wait3A_230 = arith.constant 0 : i32
        %dma_wait3A_231 = tpu.memref_slice %arg10[%dma_wait3A_229, %dma_wait3A_230] : memref<512x16xf32, #tpu.memory_space<vmem>> -> memref<128x16xf32, #tpu.memory_space<vmem>>
        %dma_wait3A_232 = arith.constant 0 : i32
        %dma_wait3A_233 = tpu.memref_slice %arg9[%dma_wait3A_228, %dma_wait3A_232] : memref<4x128xi32, #tpu.memory_space<vmem>> -> memref<1x128xi32, #tpu.memory_space<vmem>>
        %dma_wait3A_234 = tpu.memref_squeeze %dma_wait3A_233 : memref<1x128xi32, #tpu.memory_space<vmem>> -> memref<128xi32, #tpu.memory_space<vmem>>
        %dma_wait3A_235 = arith.constant 0 : i32
        %dma_wait3A_236 = arith.constant 0 : i32
        %dma_wait3A_237 = tpu.memref_slice %arg12[%dma_wait3A_235, %dma_wait3A_236] : memref<100000x16xf32, #tpu.memory_space<vmem_shared>> -> memref<100000x16xf32, #tpu.memory_space<vmem_shared>>
        tpu.wait_indirect_dma semaphore(%arg15 : memref<!tpu.dma_semaphore, #tpu.memory_space<semaphore_mem>>) src(%dma_wait3A_231 : memref<128x16xf32, #tpu.memory_space<vmem>>) dst(%dma_wait3A_237 : memref<100000x16xf32, #tpu.memory_space<vmem_shared>>)
        %dma_wait3A_238 = arith.constant 1 : i32
        %dma_wait3A_239 = arith.constant 128 : i32
        %dma_wait3A_240 = arith.constant 0 : i32
        %dma_wait3A_241 = tpu.memref_slice %arg10[%dma_wait3A_239, %dma_wait3A_240] : memref<512x16xf32, #tpu.memory_space<vmem>> -> memref<128x16xf32, #tpu.memory_space<vmem>>
        %dma_wait3A_242 = arith.constant 0 : i32
        %dma_wait3A_243 = tpu.memref_slice %arg9[%dma_wait3A_238, %dma_wait3A_242] : memref<4x128xi32, #tpu.memory_space<vmem>> -> memref<1x128xi32, #tpu.memory_space<vmem>>
        %dma_wait3A_244 = tpu.memref_squeeze %dma_wait3A_243 : memref<1x128xi32, #tpu.memory_space<vmem>> -> memref<128xi32, #tpu.memory_space<vmem>>
        %dma_wait3A_245 = arith.constant 0 : i32
        %dma_wait3A_246 = arith.constant 0 : i32
        %dma_wait3A_247 = tpu.memref_slice %arg12[%dma_wait3A_245, %dma_wait3A_246] : memref<100000x16xf32, #tpu.memory_space<vmem_shared>> -> memref<100000x16xf32, #tpu.memory_space<vmem_shared>>
        tpu.wait_indirect_dma semaphore(%arg15 : memref<!tpu.dma_semaphore, #tpu.memory_space<semaphore_mem>>) src(%dma_wait3A_241 : memref<128x16xf32, #tpu.memory_space<vmem>>) dst(%dma_wait3A_247 : memref<100000x16xf32, #tpu.memory_space<vmem_shared>>)
        %dma_wait3A_248 = arith.constant 2 : i32
        %dma_wait3A_249 = arith.constant 256 : i32
        %dma_wait3A_250 = arith.constant 0 : i32
        %dma_wait3A_251 = tpu.memref_slice %arg10[%dma_wait3A_249, %dma_wait3A_250] : memref<512x16xf32, #tpu.memory_space<vmem>> -> memref<128x16xf32, #tpu.memory_space<vmem>>
        %dma_wait3A_252 = arith.constant 0 : i32
        %dma_wait3A_253 = tpu.memref_slice %arg9[%dma_wait3A_248, %dma_wait3A_252] : memref<4x128xi32, #tpu.memory_space<vmem>> -> memref<1x128xi32, #tpu.memory_space<vmem>>
        %dma_wait3A_254 = tpu.memref_squeeze %dma_wait3A_253 : memref<1x128xi32, #tpu.memory_space<vmem>> -> memref<128xi32, #tpu.memory_space<vmem>>
        %dma_wait3A_255 = arith.constant 0 : i32
        %dma_wait3A_256 = arith.constant 0 : i32
        %dma_wait3A_257 = tpu.memref_slice %arg12[%dma_wait3A_255, %dma_wait3A_256] : memref<100000x16xf32, #tpu.memory_space<vmem_shared>> -> memref<100000x16xf32, #tpu.memory_space<vmem_shared>>
        tpu.wait_indirect_dma semaphore(%arg15 : memref<!tpu.dma_semaphore, #tpu.memory_space<semaphore_mem>>) src(%dma_wait3A_251 : memref<128x16xf32, #tpu.memory_space<vmem>>) dst(%dma_wait3A_257 : memref<100000x16xf32, #tpu.memory_space<vmem_shared>>)
        %dma_wait3A_258 = arith.constant 3 : i32
        %dma_wait3A_259 = arith.constant 384 : i32
        %dma_wait3A_260 = arith.constant 0 : i32
        %dma_wait3A_261 = tpu.memref_slice %arg10[%dma_wait3A_259, %dma_wait3A_260] : memref<512x16xf32, #tpu.memory_space<vmem>> -> memref<128x16xf32, #tpu.memory_space<vmem>>
        %dma_wait3A_262 = arith.constant 0 : i32
        %dma_wait3A_263 = tpu.memref_slice %arg9[%dma_wait3A_258, %dma_wait3A_262] : memref<4x128xi32, #tpu.memory_space<vmem>> -> memref<1x128xi32, #tpu.memory_space<vmem>>
        %dma_wait3A_264 = tpu.memref_squeeze %dma_wait3A_263 : memref<1x128xi32, #tpu.memory_space<vmem>> -> memref<128xi32, #tpu.memory_space<vmem>>
        %dma_wait3A_265 = arith.constant 0 : i32
        %dma_wait3A_266 = arith.constant 0 : i32
        %dma_wait3A_267 = tpu.memref_slice %arg12[%dma_wait3A_265, %dma_wait3A_266] : memref<100000x16xf32, #tpu.memory_space<vmem_shared>> -> memref<100000x16xf32, #tpu.memory_space<vmem_shared>>
        tpu.wait_indirect_dma semaphore(%arg15 : memref<!tpu.dma_semaphore, #tpu.memory_space<semaphore_mem>>) src(%dma_wait3A_261 : memref<128x16xf32, #tpu.memory_space<vmem>>) dst(%dma_wait3A_267 : memref<100000x16xf32, #tpu.memory_space<vmem_shared>>)
      } else {
      }
    }
    %scan3A_39 = arith.constant 98 : i32
    %barrier3A_40 = arith.constant 0 : index
    tpu.barrier barrier_id(%barrier3A_40)
    %mul3A_41 = arith.constant 100000 : i32
    %mul3A_42 = arith.muli %arg0, %mul3A_41 : i32
    %mul3A_43 = arith.constant 6248 : i32
    %mul3A_44 = arith.muli %arg1, %mul3A_43 : i32
    %add3A_45 = arith.addi %mul3A_42, %mul3A_44 : i32
    %multiple_of3A_46 = tpu.assume_multiple %add3A_45, 8 : i32
    %mul3A_47 = arith.constant 6248 : i32
    %mul3A_48 = arith.muli %arg1, %mul3A_47 : i32
    %multiple_of3A_49 = tpu.assume_multiple %mul3A_48, 8 : i32
    "tpu.region"() ({
      %run_scoped3A = tpu.sem_alloc : memref<!tpu.dma_semaphore, #tpu.memory_space<semaphore_mem>>
      %dma_start3A = arith.constant 0 : i32
      %dma_start3A_55 = tpu.memref_slice %arg7[%multiple_of3A_46, %dma_start3A] : memref<200000x16xf32, #tpu.memory_space<hbm>> -> memref<6248x16xf32, #tpu.memory_space<hbm>>
      %dma_start3A_56 = arith.constant 0 : i32
      %dma_start3A_57 = tpu.memref_slice %arg12[%multiple_of3A_49, %dma_start3A_56] : memref<100000x16xf32, #tpu.memory_space<vmem_shared>> -> memref<6248x16xf32, #tpu.memory_space<vmem_shared>>
      tpu.enqueue_dma source(%dma_start3A_57 : memref<6248x16xf32, #tpu.memory_space<vmem_shared>>) target(%dma_start3A_55 : memref<6248x16xf32, #tpu.memory_space<hbm>>) target_semaphore(%run_scoped3A : memref<!tpu.dma_semaphore, #tpu.memory_space<semaphore_mem>>)
      %dma_wait3A = arith.constant 0 : i32
      %dma_wait3A_58 = tpu.memref_slice %arg7[%multiple_of3A_46, %dma_wait3A] : memref<200000x16xf32, #tpu.memory_space<hbm>> -> memref<6248x16xf32, #tpu.memory_space<hbm>>
      %dma_wait3A_59 = arith.constant 0 : i32
      %dma_wait3A_60 = tpu.memref_slice %arg12[%multiple_of3A_49, %dma_wait3A_59] : memref<100000x16xf32, #tpu.memory_space<vmem_shared>> -> memref<6248x16xf32, #tpu.memory_space<vmem_shared>>
      tpu.wait_dma2 semaphore(%run_scoped3A : memref<!tpu.dma_semaphore, #tpu.memory_space<semaphore_mem>>) src(%dma_wait3A_60 : memref<6248x16xf32, #tpu.memory_space<vmem_shared>>) dst(%dma_wait3A_58 : memref<6248x16xf32, #tpu.memory_space<hbm>>)
      tpu.yield
    }) : () -> ()
    %eq3A_50 = arith.constant 15 : i32
    %eq3A_51 = arith.cmpi eq, %arg1, %eq3A_50 : i32
    %convert_element_type3A_52 = arith.extui %eq3A_51 : i1 to i32
    %cond3A_53 = arith.constant 0 : i32
    %cond3A_54 = arith.cmpi ne, %convert_element_type3A_52, %cond3A_53 : i32
    scf.if %cond3A_54 {
      %mul3A_55 = arith.constant 100000 : i32
      %mul3A_56 = arith.muli %arg0, %mul3A_55 : i32
      %add3A_57 = arith.constant 99968 : i32
      %add3A_58 = arith.addi %mul3A_56, %add3A_57 : i32
      %multiple_of3A_59 = tpu.assume_multiple %add3A_58, 8 : i32
      "tpu.region"() ({
        %run_scoped3A = tpu.sem_alloc : memref<!tpu.dma_semaphore, #tpu.memory_space<semaphore_mem>>
        %dma_start3A = arith.constant 0 : i32
        %dma_start3A_60 = tpu.memref_slice %arg7[%multiple_of3A_59, %dma_start3A] : memref<200000x16xf32, #tpu.memory_space<hbm>> -> memref<32x16xf32, #tpu.memory_space<hbm>>
        %dma_start3A_61 = arith.constant 99968 : i32
        %dma_start3A_62 = arith.constant 0 : i32
        %dma_start3A_63 = tpu.memref_slice %arg12[%dma_start3A_61, %dma_start3A_62] : memref<100000x16xf32, #tpu.memory_space<vmem_shared>> -> memref<32x16xf32, #tpu.memory_space<vmem_shared>>
        tpu.enqueue_dma source(%dma_start3A_63 : memref<32x16xf32, #tpu.memory_space<vmem_shared>>) target(%dma_start3A_60 : memref<32x16xf32, #tpu.memory_space<hbm>>) target_semaphore(%run_scoped3A : memref<!tpu.dma_semaphore, #tpu.memory_space<semaphore_mem>>)
        %dma_wait3A = arith.constant 0 : i32
        %dma_wait3A_64 = tpu.memref_slice %arg7[%multiple_of3A_59, %dma_wait3A] : memref<200000x16xf32, #tpu.memory_space<hbm>> -> memref<32x16xf32, #tpu.memory_space<hbm>>
        %dma_wait3A_65 = arith.constant 99968 : i32
        %dma_wait3A_66 = arith.constant 0 : i32
        %dma_wait3A_67 = tpu.memref_slice %arg12[%dma_wait3A_65, %dma_wait3A_66] : memref<100000x16xf32, #tpu.memory_space<vmem_shared>> -> memref<32x16xf32, #tpu.memory_space<vmem_shared>>
        tpu.wait_dma2 semaphore(%run_scoped3A : memref<!tpu.dma_semaphore, #tpu.memory_space<semaphore_mem>>) src(%dma_wait3A_67 : memref<32x16xf32, #tpu.memory_space<vmem_shared>>) dst(%dma_wait3A_64 : memref<32x16xf32, #tpu.memory_space<hbm>>)
        tpu.yield
      }) : () -> ()
    } else {
    }
    return
  }
}

module attributes {stable_mosaic.version = 14 : i64} {
  func.func @_norm_body(%arg0: i32, %arg1: memref<1x12500x128xf32, #tpu.memory_space<vmem>>, %arg2: memref<1x12500x128xf32, #tpu.memory_space<vmem>>, %arg3: memref<128x8xf32, #tpu.memory_space<vmem>>, %arg4: memref<8x128xf32, #tpu.memory_space<vmem>>, %arg5: memref<12500x128xf32, #tpu.memory_space<vmem>>) attributes {dimension_semantics = [#tpu.dimension_semantics<arbitrary>], iteration_bounds = array<i64: 1>, scalar_prefetch = 0 : i64, scratch_operands = 0 : i64, tpu.core_type = #tpu.core_type<tc>, window_params = [{transform_indices = @transform_0, window_bounds = array<i64: 1, 12500, 128>}, {transform_indices = @transform_1, window_bounds = array<i64: 1, 12500, 128>}, {pipeline_mode = #tpu.pipeline_mode<synchronous>, transform_indices = @transform_2, window_bounds = array<i64: 128, 8>}, {pipeline_mode = #tpu.pipeline_mode<synchronous>, transform_indices = @transform_3, window_bounds = array<i64: 8, 128>}, {pipeline_mode = #tpu.pipeline_mode<synchronous>, transform_indices = @transform_4, window_bounds = array<i64: 12500, 128>}]} {
    %get3A = arith.constant 0 : index
    %get3A_0 = arith.constant 0 : index
    %get3A_1 = arith.constant 0 : index
    %get3A_2 = vector.load %arg1[%get3A, %get3A_0, %get3A_1] : memref<1x12500x128xf32, #tpu.memory_space<vmem>>, vector<1x12500x128xf32>
    %get3A_3 = vector.shape_cast %get3A_2 : vector<1x12500x128xf32> to vector<12500x128xf32>
    %get3A_4 = arith.constant 0 : index
    %get3A_5 = arith.constant 0 : index
    %get3A_6 = arith.constant 0 : index
    %get3A_7 = vector.load %arg2[%get3A_4, %get3A_5, %get3A_6] : memref<1x12500x128xf32, #tpu.memory_space<vmem>>, vector<1x12500x128xf32>
    %get3A_8 = vector.shape_cast %get3A_7 : vector<1x12500x128xf32> to vector<12500x128xf32>
    %add3A = arith.addf %get3A_3, %get3A_8 : vector<12500x128xf32>
    %exp3A = math.exp %add3A : vector<12500x128xf32>
    %get3A_9 = arith.constant 0 : index
    %get3A_10 = arith.constant 0 : index
    %get3A_11 = vector.load %arg3[%get3A_9, %get3A_10] : memref<128x8xf32, #tpu.memory_space<vmem>>, vector<128x8xf32>
    %dot_general3A = arith.constant dense<0.000000e+00> : vector<12500x8xf32>
    %dot_general3A_12 = tpu.matmul %exp3A, %get3A_11, %dot_general3A {dimension_numbers = #tpu.dot_dimension_numbers<[1], [0], [0], [1], [0, 0, 1, 1], [], []>, precision = #tpu.contract_precision<fp32>, transpose_lhs_hint = false} : vector<12500x128xf32>, vector<128x8xf32>, vector<12500x8xf32> -> vector<12500x8xf32>
    %log3A = math.log %dot_general3A_12 : vector<12500x8xf32>
    %get3A_13 = arith.constant 0 : index
    %get3A_14 = arith.constant 0 : index
    %get3A_15 = vector.load %arg4[%get3A_13, %get3A_14] : memref<8x128xf32, #tpu.memory_space<vmem>>, vector<8x128xf32>
    %dot_general3A_16 = arith.constant dense<0.000000e+00> : vector<12500x128xf32>
    %dot_general3A_17 = tpu.matmul %log3A, %get3A_15, %dot_general3A_16 {dimension_numbers = #tpu.dot_dimension_numbers<[1], [0], [0], [1], [0, 0, 1, 1], [], []>, precision = #tpu.contract_precision<fp32>, transpose_lhs_hint = false} : vector<12500x8xf32>, vector<8x128xf32>, vector<12500x128xf32> -> vector<12500x128xf32>
    %sub3A = arith.subf %add3A, %dot_general3A_17 : vector<12500x128xf32>
    %swap3A = arith.constant 0 : index
    %swap3A_18 = arith.constant 0 : index
    %swap3A_19 = vector.load %arg5[%swap3A, %swap3A_18] : memref<12500x128xf32, #tpu.memory_space<vmem>>, vector<12500x128xf32>
    tpu.vector_store %arg5[%swap3A, %swap3A_18], %sub3A {strides = array<i32>} : memref<12500x128xf32, #tpu.memory_space<vmem>>, vector<12500x128xf32>,
    return
  }
  func.func @transform_0(%arg0: i32) -> (i32, i32, i32) {
    %c0_i32 = arith.constant 0 : i32
    %c0_i32_0 = arith.constant 0 : i32
    %c0_i32_1 = arith.constant 0 : i32
    %c0_i32_2 = arith.constant 0 : i32
    return %c0_i32, %c0_i32_0, %c0_i32_1 : i32, i32, i32
  }
  func.func @transform_1(%arg0: i32) -> (i32, i32, i32) {
    %c1_i32 = arith.constant 1 : i32
    %c0_i32 = arith.constant 0 : i32
    %c0_i32_0 = arith.constant 0 : i32
    %c0_i32_1 = arith.constant 0 : i32
    return %c1_i32, %c0_i32, %c0_i32_0 : i32, i32, i32
  }
  func.func @transform_2(%arg0: i32) -> (i32, i32) {
    %c0_i32 = arith.constant 0 : i32
    %c0_i32_0 = arith.constant 0 : i32
    %c0_i32_1 = arith.constant 0 : i32
    return %c0_i32, %c0_i32_0 : i32, i32
  }
  func.func @transform_3(%arg0: i32) -> (i32, i32) {
    %c0_i32 = arith.constant 0 : i32
    %c0_i32_0 = arith.constant 0 : i32
    %c0_i32_1 = arith.constant 0 : i32
    return %c0_i32, %c0_i32_0 : i32, i32
  }
  func.func @transform_4(%arg0: i32) -> (i32, i32) {
    %c0_i32 = arith.constant 0 : i32
    %c0_i32_0 = arith.constant 0 : i32
    %c0_i32_1 = arith.constant 0 : i32
    return %c0_i32, %c0_i32_0 : i32, i32
  }
}

module attributes {stable_mosaic.version = 14 : i64} {
  func.func @_mlp_body(%arg0: i32, %arg1: memref<1x12500x128xf32, #tpu.memory_space<vmem>>, %arg2: memref<1x12500x128xf32, #tpu.memory_space<vmem>>, %arg3: memref<128x128xf32, #tpu.memory_space<vmem>>, %arg4: memref<1x128xf32, #tpu.memory_space<vmem>>, %arg5: memref<128x128xf32, #tpu.memory_space<vmem>>, %arg6: memref<1x128xf32, #tpu.memory_space<vmem>>, %arg7: memref<12500x128xf32, #tpu.memory_space<vmem>>) attributes {dimension_semantics = [#tpu.dimension_semantics<arbitrary>], iteration_bounds = array<i64: 1>, scalar_prefetch = 0 : i64, scratch_operands = 0 : i64, tpu.core_type = #tpu.core_type<tc>, window_params = [{transform_indices = @transform_0, window_bounds = array<i64: 1, 12500, 128>}, {transform_indices = @transform_1, window_bounds = array<i64: 1, 12500, 128>}, {pipeline_mode = #tpu.pipeline_mode<synchronous>, transform_indices = @transform_2, window_bounds = array<i64: 128, 128>}, {pipeline_mode = #tpu.pipeline_mode<synchronous>, transform_indices = @transform_3, window_bounds = array<i64: 1, 128>}, {pipeline_mode = #tpu.pipeline_mode<synchronous>, transform_indices = @transform_4, window_bounds = array<i64: 128, 128>}, {pipeline_mode = #tpu.pipeline_mode<synchronous>, transform_indices = @transform_5, window_bounds = array<i64: 1, 128>}, {pipeline_mode = #tpu.pipeline_mode<synchronous>, transform_indices = @transform_6, window_bounds = array<i64: 12500, 128>}]} {
    %get3A = arith.constant 0 : index
    %get3A_0 = arith.constant 0 : index
    %get3A_1 = arith.constant 0 : index
    %get3A_2 = vector.load %arg1[%get3A, %get3A_0, %get3A_1] : memref<1x12500x128xf32, #tpu.memory_space<vmem>>, vector<1x12500x128xf32>
    %get3A_3 = vector.shape_cast %get3A_2 : vector<1x12500x128xf32> to vector<12500x128xf32>
    %get3A_4 = arith.constant 0 : index
    %get3A_5 = arith.constant 0 : index
    %get3A_6 = arith.constant 0 : index
    %get3A_7 = vector.load %arg2[%get3A_4, %get3A_5, %get3A_6] : memref<1x12500x128xf32, #tpu.memory_space<vmem>>, vector<1x12500x128xf32>
    %get3A_8 = vector.shape_cast %get3A_7 : vector<1x12500x128xf32> to vector<12500x128xf32>
    %add3A = arith.addf %get3A_3, %get3A_8 : vector<12500x128xf32>
    %exp3A = math.exp %add3A : vector<12500x128xf32>
    %get3A_9 = arith.constant 0 : index
    %get3A_10 = arith.constant 0 : index
    %get3A_11 = vector.load %arg3[%get3A_9, %get3A_10] : memref<128x128xf32, #tpu.memory_space<vmem>>, vector<128x128xf32>
    %dot_general3A = arith.constant dense<0.000000e+00> : vector<12500x128xf32>
    %dot_general3A_12 = tpu.matmul %exp3A, %get3A_11, %dot_general3A {dimension_numbers = #tpu.dot_dimension_numbers<[1], [0], [0], [1], [0, 0, 1, 1], [], []>, precision = #tpu.contract_precision<fp32>, transpose_lhs_hint = false} : vector<12500x128xf32>, vector<128x128xf32>, vector<12500x128xf32> -> vector<12500x128xf32>
    %get3A_13 = arith.constant 0 : index
    %get3A_14 = arith.constant 0 : index
    %get3A_15 = vector.load %arg4[%get3A_13, %get3A_14] : memref<1x128xf32, #tpu.memory_space<vmem>>, vector<1x128xf32>
    %add3A_16 = vector.broadcast %get3A_15 : vector<1x128xf32> to vector<12500x128xf32>
    %add3A_17 = arith.addf %dot_general3A_12, %add3A_16 : vector<12500x128xf32>
    %max3A = arith.constant 0.000000e+00 : f32
    %max3A_18 = vector.broadcast %max3A : f32 to vector<12500x128xf32>
    %max3A_19 = arith.maximumf %add3A_17, %max3A_18 : vector<12500x128xf32>
    %get3A_20 = arith.constant 0 : index
    %get3A_21 = arith.constant 0 : index
    %get3A_22 = vector.load %arg5[%get3A_20, %get3A_21] : memref<128x128xf32, #tpu.memory_space<vmem>>, vector<128x128xf32>
    %dot_general3A_23 = arith.constant dense<0.000000e+00> : vector<12500x128xf32>
    %dot_general3A_24 = tpu.matmul %max3A_19, %get3A_22, %dot_general3A_23 {dimension_numbers = #tpu.dot_dimension_numbers<[1], [0], [0], [1], [0, 0, 1, 1], [], []>, precision = #tpu.contract_precision<fp32>, transpose_lhs_hint = false} : vector<12500x128xf32>, vector<128x128xf32>, vector<12500x128xf32> -> vector<12500x128xf32>
    %get3A_25 = arith.constant 0 : index
    %get3A_26 = arith.constant 0 : index
    %get3A_27 = vector.load %arg6[%get3A_25, %get3A_26] : memref<1x128xf32, #tpu.memory_space<vmem>>, vector<1x128xf32>
    %add3A_28 = vector.broadcast %get3A_27 : vector<1x128xf32> to vector<12500x128xf32>
    %add3A_29 = arith.addf %dot_general3A_24, %add3A_28 : vector<12500x128xf32>
    %sub3A = arith.constant 9.99999968E-20 : f32
    %sub3A_30 = vector.broadcast %sub3A : f32 to vector<12500x128xf32>
    %sub3A_31 = arith.subf %add3A_29, %sub3A_30 : vector<12500x128xf32>
    %max3A_32 = arith.constant 0.000000e+00 : f32
    %max3A_33 = vector.broadcast %max3A_32 : f32 to vector<12500x128xf32>
    %max3A_34 = arith.maximumf %sub3A_31, %max3A_33 : vector<12500x128xf32>
    %add3A_35 = arith.constant 9.99999968E-20 : f32
    %add3A_36 = vector.broadcast %add3A_35 : f32 to vector<12500x128xf32>
    %add3A_37 = arith.addf %add3A_36, %max3A_34 : vector<12500x128xf32>
    %log3A = math.log %add3A_37 : vector<12500x128xf32>
    %swap3A = arith.constant 0 : index
    %swap3A_38 = arith.constant 0 : index
    %swap3A_39 = vector.load %arg7[%swap3A, %swap3A_38] : memref<12500x128xf32, #tpu.memory_space<vmem>>, vector<12500x128xf32>
    tpu.vector_store %arg7[%swap3A, %swap3A_38], %log3A {strides = array<i32>} : memref<12500x128xf32, #tpu.memory_space<vmem>>, vector<12500x128xf32>,
    return
  }
  func.func @transform_0(%arg0: i32) -> (i32, i32, i32) {
    %c0_i32 = arith.constant 0 : i32
    %c0_i32_0 = arith.constant 0 : i32
    %c0_i32_1 = arith.constant 0 : i32
    %c0_i32_2 = arith.constant 0 : i32
    return %c0_i32, %c0_i32_0, %c0_i32_1 : i32, i32, i32
  }
  func.func @transform_1(%arg0: i32) -> (i32, i32, i32) {
    %c1_i32 = arith.constant 1 : i32
    %c0_i32 = arith.constant 0 : i32
    %c0_i32_0 = arith.constant 0 : i32
    %c0_i32_1 = arith.constant 0 : i32
    return %c1_i32, %c0_i32, %c0_i32_0 : i32, i32, i32
  }
  func.func @transform_2(%arg0: i32) -> (i32, i32) {
    %c0_i32 = arith.constant 0 : i32
    %c0_i32_0 = arith.constant 0 : i32
    %c0_i32_1 = arith.constant 0 : i32
    return %c0_i32, %c0_i32_0 : i32, i32
  }
  func.func @transform_3(%arg0: i32) -> (i32, i32) {
    %c0_i32 = arith.constant 0 : i32
    %c0_i32_0 = arith.constant 0 : i32
    %c0_i32_1 = arith.constant 0 : i32
    return %c0_i32, %c0_i32_0 : i32, i32
  }
  func.func @transform_4(%arg0: i32) -> (i32, i32) {
    %c0_i32 = arith.constant 0 : i32
    %c0_i32_0 = arith.constant 0 : i32
    %c0_i32_1 = arith.constant 0 : i32
    return %c0_i32, %c0_i32_0 : i32, i32
  }
  func.func @transform_5(%arg0: i32) -> (i32, i32) {
    %c0_i32 = arith.constant 0 : i32
    %c0_i32_0 = arith.constant 0 : i32
    %c0_i32_1 = arith.constant 0 : i32
    return %c0_i32, %c0_i32_0 : i32, i32
  }
  func.func @transform_6(%arg0: i32) -> (i32, i32) {
    %c0_i32 = arith.constant 0 : i32
    %c0_i32_0 = arith.constant 0 : i32
    %c0_i32_1 = arith.constant 0 : i32
    return %c0_i32, %c0_i32_0 : i32, i32
  }
}

</mosaic_0001>

<sc_bundles>
// kernel: kernel.6.cloned.1.call-start
scs
__scs_entry_jumppad:
0x0: {  	(pc) =	sbr.rel $0x88, $3  }
0x1: {  	(tag) =	ssettag $0x0;
	lr =	simm.s32 $0x1  }
0x2: {  	[smem:$0x3F99] =	sst lr;
	_ =	strace $0xD0000000  }
0x3: {  	_ = 	snop  }
0x4: {  	_ = 	snop  }
0x5: {  	_ = 	snop  }
0x6: {  	_ = 	snop  }
0x7: {  	_ = 	snop  }
__scs_overlays_trampoline_lowered:
0x8: {  	[smem:$0x3FA8] =	sst s0  }
0x9: {  	[smem:$0x3FA9] =	sst s1  }
0xa: {  	[smem:$0x3FAA] =	sst s2  }
0xb: {  	[smem:$0x3FAB] =	sst s3  }
0xc: {  	[smem:$0x3FAC] =	sst s4  }
0xd: {  	[smem:$0x3FAD] =	sst s5  }
0xe: {  	[smem:$0x3FAE] =	sst s6  }
0xf: {  	[smem:$0x3FAF] =	sst s7  }
0x10: {  	[smem:$0x3FB0] =	sst s8  }
0x11: {  	[smem:$0x3FB1] =	sst s9;
	s0 =	simm.s32 @!p0 $0x0  }
0x12: {  	s1 =	sld [smem:$0x3F97];
	s0 =	simm.s32 @p0 $0x1  }
0x13: {  	[smem:$0x3FB2] =	sst s0;
	s0 =	simm.s32 @!p1 $0x0  }
0x14: {  	s2 =	sld [smem:$0x3F96];
	s0 =	simm.s32 @p1 $0x1  }
0x15: {  	[smem:$0x3FB3] =	sst s0;
	s0 =	simm.s32 @!p2 $0x0  }
0x16: {  	s3 =	sld [smem:$0x3FDB];
	s0 =	simm.s32 @p2 $0x1  }
0x17: {  	s4 =	simm.s32 $0x1BF5;
	[smem:$0x3FB5] =	sst s0  }
0x18: {  	s0 =	sld [smem:$0x3F98];
	_ =	swait.ge [sflag:s4], $0x0  }
0x19: {  	s7 =	sld [smem:$0x3F99]  }
0x1a: {  	s8 =	sadd.s32 $0xFFFFE003, lr  }
0x1b: {  	s9 =	sadd.s32 $0xFFFFFEF7, lr;
	s5 =	simm.s32 $0xFFFFFFFF;
	p2 =	slt.u32 s8, $0xFFFFF086  }
0x1c: {  	p1 =	slt.u32 s9, $0xF7A;
	s5 =	simm.s32 @!p2 $0x0  }
0x1d: {  	s5 =	simm.s32 @p1 $0x1;
	p0 =	seq.s32 s7, s2  }
0x1e: {  	s7 =	smul.u32 @!p0 $0xF7A, s2;
	p2 =	seq.s32 @!p0 s5, $0x0  }
0x1f: {  	s9 =	smul.u32 $0xF7A, s1;
	s8 =	simm.s32 @!p0 $0x1BF5;
	p2 =	por !p2, p0  }
0x20: {  	[sflag:s8] =	ssyncset.s32 @!p0 $0xFFFFF086;
	s6 =	sadd.s32 @!p0 s3, s7;
	s7 =	simm.s32 @!p0 $0x108  }
0x21: {  	s3 =	sadd.s32 s3, s9;
	s6 =	sadd.s32 @!p0 $0x88, s6;
	s7 =	simm.s32 @p2 $0x1082  }
0x22: {  	[simem:s7], [sflag:s8] =	dma.local @!p0 [hbm:s6], $0xF7A  }
0x23: {  	s9 =	sor.u32 $0xD0000000, s2;
	s6 =	simm.s32 $0x108;
	_ =	swait.ge @!p0 [sflag:s8], $0x0  }
0x24: {  	s3 =	sadd.s32 $0x88, s3;
	s6 =	simm.s32 @!p1 $0x1082;
	[sflag:s4] =	ssyncset.s32 $0xFFFFF086  }
0x25: {  	[simem:s6], [sflag:s4] =	dma.local [hbm:s3], $0xF7A  }
0x26: {  	[smem:$0x3F99] =	sst s1;
	(tag) =	ssettag s2;
	_ =	strace s9  }
0x27: {  	s1 =	sld [smem:$0x3FA9]  }
0x28: {  	s2 =	sld [smem:$0x3FAA]  }
0x29: {  	s4 =	sld [smem:$0x3FAC]  }
0x2a: {  	p0 =	seq.s32 s5, $0x0;
	s5 =	sld [smem:$0x3FAD]  }
0x2b: {  	s6 =	sld [smem:$0x3FAE]  }
0x2c: {  	s7 =	sld [smem:$0x3FAF]  }
0x2d: {  	s3 =	simm.s32 $0x108;
	s8 =	sld [smem:$0x3FB0]  }
0x2e: {  	s3 =	simm.s32 @!p0 $0x1082;
	s9 =	sld [smem:$0x3FB1]  }
0x2f: {  	lr =	sadd.s32 s0, s3;
	s0 =	sld [smem:$0x3FA8]  }
0x30: {  	s3 =	sld [smem:$0x3FAB]  }
0x31: {  	[smem:$0x3FB4] =	sst s10  }
0x32: {  	s10 =	sld [smem:$0x3FB2];
	_ =	sdelay $0x3  }
0x33: {  	p0 =	seq.s32 s10, $0x1;
	s10 =	sld [smem:$0x3FB4];
	_ =	sdelay $0x3  }
0x34: {  	[smem:$0x3FB4] =	sst s10  }
0x35: {  	s10 =	sld [smem:$0x3FB3];
	_ =	sdelay $0x3  }
0x36: {  	p1 =	seq.s32 s10, $0x1;
	s10 =	sld [smem:$0x3FB4];
	_ =	sdelay $0x3  }
0x37: {  	[smem:$0x3FB4] =	sst s10  }
0x38: {  	s10 =	sld [smem:$0x3FB5]  }
0x39: {  	_ = 	snop;
	(pc) =	sbr.ind lr, $3  }
0x3a: {  	_ = 	snop  }
0x3b: {  	_ = 	snop  }
0x3c: {  	p2 =	seq.s32 s10, $0x1;
	s10 =	sld [smem:$0x3FB4]  }
0x3d: {  	_ =	shalt  }
0x3e: {  	_ =	shalt  }
0x3f: {  	_ =	shalt  }
0x40: {  	_ =	shalt  }
0x41: {  	_ =	shalt  }
0x42: {  	_ =	shalt  }
0x43: {  	_ =	shalt  }
0x44: {  	_ =	shalt  }
0x45: {  	_ =	shalt  }
0x46: {  	_ =	shalt  }
0x47: {  	_ =	shalt  }
0x48: {  	_ =	shalt  }
0x49: {  	_ =	shalt  }
0x4a: {  	_ =	shalt  }
0x4b: {  	_ =	shalt  }
0x4c: {  	_ =	shalt  }
0x4d: {  	_ =	shalt  }
0x4e: {  	_ =	shalt  }
0x4f: {  	_ =	shalt  }
0x50: {  	_ =	shalt  }
0x51: {  	_ =	shalt  }
0x52: {  	_ =	shalt  }
0x53: {  	_ =	shalt  }
0x54: {  	_ =	shalt  }
0x55: {  	_ =	shalt  }
0x56: {  	_ =	shalt  }
0x57: {  	_ =	shalt  }
0x58: {  	_ =	shalt  }
0x59: {  	_ =	shalt  }
0x5a: {  	_ =	shalt  }
0x5b: {  	_ =	shalt  }
0x5c: {  	_ =	shalt  }
0x5d: {  	_ =	shalt  }
0x5e: {  	_ =	shalt  }
0x5f: {  	_ =	shalt  }
0x60: {  	_ =	shalt  }
0x61: {  	_ =	shalt  }
0x62: {  	_ =	shalt  }
0x63: {  	_ =	shalt  }
0x64: {  	_ =	shalt  }
0x65: {  	_ =	shalt  }
0x66: {  	_ =	shalt  }
0x67: {  	_ =	shalt  }
0x68: {  	_ =	shalt  }
0x69: {  	_ =	shalt  }
0x6a: {  	_ =	shalt  }
0x6b: {  	_ =	shalt  }
0x6c: {  	_ =	shalt  }
0x6d: {  	_ =	shalt  }
0x6e: {  	_ =	shalt  }
0x6f: {  	_ =	shalt  }
0x70: {  	_ =	shalt  }
0x71: {  	_ =	shalt  }
0x72: {  	_ =	shalt  }
0x73: {  	_ =	shalt  }
0x74: {  	_ =	shalt  }
0x75: {  	_ =	shalt  }
0x76: {  	_ =	shalt  }
0x77: {  	_ =	shalt  }
0x78: {  	_ =	shalt  }
0x79: {  	_ =	shalt  }
0x7a: {  	_ =	shalt  }
0x7b: {  	_ =	shalt  }
0x7c: {  	_ =	shalt  }
0x7d: {  	_ =	shalt  }
0x7e: {  	_ =	shalt  }
0x7f: {  	_ =	shalt  }
0x80: {  	_ =	shalt  }
0x81: {  	_ =	shalt  }
0x82: {  	_ =	shalt  }
0x83: {  	_ =	shalt  }
0x84: {  	_ =	shalt  }
0x85: {  	_ =	shalt  }
0x86: {  	_ =	shalt  }
0x87: {  	_ =	shalt  }
.Lfunc_end0:
.L_simem_size_0:
called_computation.2_lowered:
.L_overlay_start_0:
0x88: {  	s2 =	sld [smem:$0x3FD9]  }
0x89: {  	s3 =	sld [smem:$0x3FFE];
	_ =	sdelay $0x1  }
0x8a: {  	s1 =	srdreg.scid  }
0x8b: {  	s0 =	sand.u32 $0x1, s1  }
0x8c: {  	s14 =	sshll.u32 s0, $0xA;
	s2 =	sadd.s32 s3, s2  }
0x8d: {  	s2 =	sadd.s32 s2, s14  }
0x8e: {  	[smem:$0x3FC0] =	sst s2  }
0x8f: {  	_ = 	snop  }
0x90: {  	s2 =	sld [smem:$0x3FD0];
	_ =	sdelay $0x2  }
0x91: {  	s15 =	simm.s32 $0xB;
	s4 =	simm.s32 $0x10  }
0x92: {  	[smem:s4], [sflag:s15] =	dma.local [hbm:s2], $0x1  }
0x93: {  	_ =	swait.eq [sflag:s15], $0x1  }
0x94: {  	s16 =	sld [smem:$0x10]  }
0x95: {  	s17 =	sld [smem:$0x11];
	[sflag:s15] =	ssyncset.done $0x0  }
0x96: {  	s5 =	sld [smem:$0x12];
	[sflag:s15] =	ssyncadd.s32 $0xFFFFFFFF  }
0x97: {  	s18 =	sld [smem:$0x13];
	(tm) =	ssettm $0x1  }
0x98: {  	s6 =	sld [smem:$0x3FFB];
	_ =	sdelay $0x3  }
0x99: {  	_ =	strace s6  }
0x9a: {  	s6 =	sld [smem:$0x3FFC];
	_ =	sdelay $0x3  }
0x9b: {  	_ =	strace s6  }
0x9c: {  	s6 =	sld [smem:$0x3FFD];
	_ =	sdelay $0x3  }
0x9d: {  	_ =	strace s6  }
0x9e: {  	_ =	strace $0x8FFFFFFF  }
0x9f: {  	s19 =	sld [smem:$0x3FDB];
	_ =	sdelay $0x1  }
0xa0: {  	s7 =	simm.s32 $_scs_section_size  }
0xa1: {  	s8 =	simm.s32 $_size__tile_overlayer_lowered;
	s9 =	simm.s32 $_tile_overlayer_lowered  }
0xa2: {  	s22 =	simm.s32 $0x1BFF;
	s21 =	sshll.u32 s9, $0x1;
	s6 =	sadd.s32 s7, s19  }
0xa3: {  	s10 =	simm.s32 $0x0;
	s20 =	sshll.u32 s8, $0x1;
	s8 =	sadd.s32 s21, s6  }
0xa4: {  	[timem:s10], [sflag:s22] =	dma.local [hbm:s8], s20  }
0xa5: {  	_ =	swait.ge [sflag:s22], s20  }
0xa6: {  	s7 =	ssub.s32 $0x0, s20;
	[sflag:s22] =	ssyncset.done $0x0  }
0xa7: {  	[sflag:s22] =	ssyncadd.s32 s7;
	_ =	sdelay $0x1  }
0xa8: {  	s23 =	simm.s32 $0x1B8B  }
0xa9: {  	_ =	swait.ge [sflag:s23], $0x1  }
0xaa: {  	[sflag:s23] =	ssyncset.done $0x0  }
0xab: {  	s25 =	simm.s32 $0x1B8E;
	s24 =	sld [smem:$0x3FFE];
	[sflag:s23] =	ssyncadd.s32 $0xFFFFFFFF  }
0xac: {  	s26 =	simm.s32 $execute0_lowered;
	[smem:$0x3FD2] =	sst s25  }
0xad: {  	s8 =	sshll.u32 s26, $0x1;
	_ =	strace $0x80000046;
	[dreg:$0x1] =	wrdreg $0xFFFFFFFF  }
0xae: {  	s28 =	simm.s32 $_size_execute0_lowered;
	s6 =	sadd.s32 s6, s8;
	[dreg:$0x0] =	wrdreg $0x0  }
0xaf: {  	s8 =	sshll.u32 s28, $0x1;
	[dreg:$0x2] =	wrdreg s6  }
0xb0: {  	[dreg:$0x3] =	wrdreg s8  }
0xb1: {  	[dreg:$0x4] =	wrdreg $0xC0  }
0xb2: {  	_ =	task [dreg:s10], $0x5FFFF  }
0xb3: {  	[dreg:$0x1] =	wrdreg $0xFFFFFFFF  }
0xb4: {  	[dreg:$0x0] =	wrdreg $0x60  }
0xb5: {  	[dreg:$0x2] =	wrdreg s18  }
0xb6: {  	[dreg:$0x3] =	wrdreg s24  }
0xb7: {  	[dreg:$0x4] =	wrdreg s5  }
0xb8: {  	[dreg:$0x5] =	wrdreg s17  }
0xb9: {  	[dreg:$0x6] =	wrdreg s16  }
0xba: {  	[dreg:$0x7] =	wrdreg $0x64000  }
0xbb: {  	[dreg:$0x8] =	wrdreg $0x9  }
0xbc: {  	_ =	task.clear_ibuf [dreg:s10], $0x9FFFF;
	_ =	strace $0x90000046  }
0xbd: {  	s29 =	simm.s32 $0x9;
	_ =	strace $0x80000048  }
0xbe: {  	_ =	swait.ge [sflag:s29], $0x1  }
0xbf: {  	[sflag:s29] =	ssyncadd.s32 $0xFFFFFFFF  }
0xc0: {  	_ =	strace $0x90000048  }
0xc1: {  	_ =	sfence  }
0xc2: {  	s30 =	sld [smem:$0x0];
	_ =	sdelay $0x2  }
0xc3: {  	s31 =	sshll.u32 s1, $0xD;
	s1 =	sshrl.u32 s1, $0x2  }
0xc4: {  	s3 =	sand.u32 $0x4000, s31;
	s1 =	sadd.s32 s1, s30  }
0xc5: {  	s0 =	sor.u32 s3, s0;
	s1 =	sshll.u32 s1, $0x11  }
0xc6: {  	s0 =	sor.u32 s1, s0  }
0xc7: {  	s0 =	sadd.s32 $0x8F2B, s0  }
0xc8: {  	[sflag:s0] =	ssyncadd.remote.s32 $0x1  }
0xc9: {  	_ =	sfence.sel $0xFFFF  }
0xca: {  	[dreg:$0x0] =	wrdreg $0xFFFFFFFF;
	(pc) =	sbr.abs _section_cstart, $3  }
0xcb: {  	[dreg:$0x1] =	wrdreg $0xFFFFFFFF  }
0xcc: {  	_ =	task.clear_ibuf [dreg:s10], $0x2FFFF;
	_ =	strace $0x9FFFFFFF  }
0xcd: {  	(tm) =	ssettm $0x7FFFFFFF  }
tec
execute0_lowered:
.L_overlay_start_1:
0x0: {  	(tag) =	ssettag $0x1  }
0x1: {  	s1 =	rddreg [dreg:$0x0]  }
0x2: {  	s0 =	rddreg [dreg:$0x1]  }
0x3: {  	s6 =	rddreg [dreg:$0x5]  }
0x4: {  	s7 =	simm.s32 $0x0;
	s2 =	srdreg.scid;
	s5 =	stileid.u32  }
0x5: {  	s29 =	simm.s32 $0x400;
	s30 =	simm.s32 $0x4;
	s3 =	smul.u32 $0x61A00, s5  }
0x6: {  	s31 =	simm.s32 $0x200;
	[smem:$0x7FF] =	sst s7;
	s2 =	sand.u32 $0x1, s2  }
0x7: {  	s8 =	sadd.s32 $0x2600, s0;
	s4 =	ssub.s32 $0x2, s2;
	s3 =	sshrl.u32 s3, $0x2  }
0x8: {  	_ =	strace $0x80000047;
	s10 =	sshrl.u32 s4, $0x1;
	s25 =	sadd.s32 s3, s6  }
0x9: {  	s4 =	ssub.s32 s4, s10;
	s10 =	sadd.s32 $0x186800, s6;
	[dreg:$0x7] =	wrdreg s25  }
0xa: {  	s9 =	sadd.s32 $0x95000, s0;
	s14 =	sadd.s32 $0x2000, s25;
	[dreg:$0x17] =	wrdreg s10  }
0xb: {  	s0 =	sadd.s32 $0x33400, s0;
	s15 =	sadd.s32 $0x4000, s25;
	[dreg:$0x8] =	wrdreg s14  }
0xc: {  	s13 =	smul.u32 $0x30D0, s5;
	s16 =	sadd.s32 $0x6000, s25;
	[dreg:$0x9] =	wrdreg s15  }
0xd: {  	p0 =	sne.s32 s5, $0xF;
	s12 =	sadd.s32 $0x8000, s25;
	[dreg:$0xa] =	wrdreg s16  }
0xe: {  	s11 =	sshll.u32 s2, $0x4;
	s18 =	sadd.s32 $0xA000, s25;
	[dreg:$0xb] =	wrdreg s12  }
0xf: {  	s17 =	smul.u32 $0x30D40, s2;
	s19 =	sadd.s32 $0xC000, s25;
	[dreg:$0xc] =	wrdreg s18  }
0x10: {  	s2 =	smul.u32 $0x186A00, s2;
	s20 =	sadd.s32 $0xE000, s25;
	[dreg:$0xd] =	wrdreg s19  }
0x11: {  	s3 =	sadd.s32 s13, s17;
	s21 =	sadd.s32 $0x10000, s25;
	[dreg:$0xe] =	wrdreg s20  }
0x12: {  	s2 =	sshrl.u32 s2, $0x3;
	s22 =	sadd.s32 $0x12000, s25;
	[dreg:$0xf] =	wrdreg s21  }
0x13: {  	s13 =	simm.s32 $0x1;
	s23 =	sadd.s32 $0x14000, s25;
	[dreg:$0x10] =	wrdreg s22  }
0x14: {  	s17 =	simm.s32 $0x1400;
	s3 =	sadd.s32 s0, s3;
	[dreg:$0x11] =	wrdreg s23  }
0x15: {  	s0 =	sadd.s32 s0, s2;
	s24 =	sadd.s32 $0x16000, s25;
	[dreg:$0x12] =	wrdreg s3  }
0x16: {  	s26 =	smax.u32 s4, $0x1;
	s28 =	sadd.s32 $0x18000, s25;
	[dreg:$0x13] =	wrdreg s24  }
0x17: {  	s4 =	simm.s32 $0x0;
	s0 =	sadd.s32 $0x30D00, s0;
	[dreg:$0x15] =	wrdreg s26  }
.Ltmp0:
0x18: {  	[dreg:$0x16] =	wrdreg s28;
	s12 =	simm.s32 $0x4400;
	(pc) =	sbr.rel .LBB2_1-.Ltmp0, $4  }
0x19: {  	s14 =	simm.s32 $0x80;
	s15 =	simm.s32 $0xC00;
	s16 =	simm.s32 $0x100  }
0x1a: {  	s18 =	simm.s32 $0x180;
	s19 =	simm.s32 $0x1C00;
	s20 =	simm.s32 $0x2  }
0x1b: {  	s21 =	simm.s32 $0x3;
	s22 =	simm.s32 $0x280;
	s23 =	simm.s32 $0x300  }
0x1c: {  	v0 =	vimm.f32 $0.0e+00;
	s24 =	simm.s32 $0x380;
	[dreg:$0x14] =	wrdreg s0;
	s0 =	simm.s32 $0x2400  }
.LBB2_9:
0x1d: {  	[bflag:$0x0] =	sbarrier.arrive $0xFFFF  }
0x1e: {  	s2 =	sshll.u32 s5, $0x6;
	s25 =	rddreg [dreg:$0x7]  }
0x1f: {  	s2 =	sor.u32 $0x1C04, s2;
	s4 =	rddreg [dreg:$0x12];
	s3 =	sshrl.u32 s25, $0x3  }
0x20: {  	[hbm:s4], [sflag:s2] =	dma.local [spmem:s3], $0x30D0  }
0x21: {  	_ =	swait.ge [sflag:s30], $0x30D0  }
0x22: {  	[sflag:s30] =	ssyncset.done $0x0;
	s10 =	rddreg [dreg:$0x17]  }
0x23: {  	s4 =	rddreg [dreg:$0x14];
	[sflag:s30] =	ssyncadd.s32 $0xFFFFCF30;
	s3 =	sshrl.u32 @!p0 s10, $0x3  }
0x24: {  	[hbm:s4], [sflag:s2] =	dma.local @!p0 [spmem:s3], $0x40  }
0x25: {  	s2 =	simm.s32 @!p0 $0x4  }
0x26: {  	_ =	swait.ge @!p0 [sflag:s2], $0x40  }
0x27: {  	s26 =	rddreg [dreg:$0x18]  }
0x28: {  	s28 =	rddreg [dreg:$0x15];
	s4 =	sadd.s32 $0x1, s26  }
0x29: {  	p1 =	sne.s32 s4, s28  }
.Ltmp1:
0x2a: {  	_ = 	snop;
	(pc) =	sbr.rel @!p1 .LBB2_10-.Ltmp1, $3  }
0x2b: {  	_ =	sdelay $0x1  }
0x2c: {  	[sflag:s2] =	ssyncset.done @!p0 $0x0  }
0x2d: {  	[sflag:s2] =	ssyncadd.s32 @!p0 $0xFFFFFFC0  }
.LBB2_1:
0x2e: {  	s2 =	simm.s32 $0x40;
	s3 =	simm.s32 $0x0  }
.LBB2_2:
0x2f: {  	p1 =	sne.s32 s2, $0x7FC0;
	[tilespmem:s3+$0x400] =	vst v0;
	s3 =	smov.u32 s2;
	s2 =	sadd.s32 $0x40, s2  }
.Ltmp2:
0x30: {  	(pc) =	sbr.rel @p1 .LBB2_2-.Ltmp2, $2  }
0x31: {  	_ =	sdelay $0x2  }
0x32: {  	s3 =	sshra.s32 s3, $0x2  }
0x33: {  	[dreg:$0x18] =	wrdreg s4;
	[tilespmem:s3+$0x400] =	vst v0  }
0x34: {  	[spmem:s25] =	stream.linear.scatter [tilespmem:s29], [sflag:$0x4], $0x2000, $0x38;
	[tilespmem:$0x1EAA0] =	vst v63  }
0x35: {  	_ =	swait.ge [sflag:s30], $0x2000  }
0x36: {  	[sflag:s30] =	ssyncset.done $0x0  }
0x37: {  	s2 =	rddreg [dreg:$0x8];
	[sflag:s30] =	ssyncadd.s32 $0xFFFFE000  }
0x38: {  	[spmem:s2] =	stream.linear.scatter [tilespmem:s29], [sflag:$0x4], $0x2000, $0x38;
	[tilespmem:$0x1EAA0] =	vst v63  }
0x39: {  	_ =	swait.ge [sflag:s30], $0x2000  }
0x3a: {  	[sflag:s30] =	ssyncset.done $0x0  }
0x3b: {  	s28 =	rddreg [dreg:$0x9];
	[sflag:s30] =	ssyncadd.s32 $0xFFFFE000  }
0x3c: {  	[spmem:s28] =	stream.linear.scatter [tilespmem:s29], [sflag:$0x4], $0x2000, $0x38;
	[tilespmem:$0x1EAA0] =	vst v63  }
0x3d: {  	_ =	swait.ge [sflag:s30], $0x2000  }
0x3e: {  	[sflag:s30] =	ssyncset.done $0x0  }
0x3f: {  	s3 =	rddreg [dreg:$0xa];
	[sflag:s30] =	ssyncadd.s32 $0xFFFFE000  }
0x40: {  	[spmem:s3] =	stream.linear.scatter [tilespmem:s29], [sflag:$0x4], $0x2000, $0x38;
	[tilespmem:$0x1EAA0] =	vst v63  }
0x41: {  	_ =	swait.ge [sflag:s30], $0x2000  }
0x42: {  	[sflag:s30] =	ssyncset.done $0x0  }
0x43: {  	s4 =	rddreg [dreg:$0xb];
	[sflag:s30] =	ssyncadd.s32 $0xFFFFE000  }
0x44: {  	[spmem:s4] =	stream.linear.scatter [tilespmem:s29], [sflag:$0x4], $0x2000, $0x38;
	[tilespmem:$0x1EAA0] =	vst v63  }
0x45: {  	_ =	swait.ge [sflag:s30], $0x2000  }
0x46: {  	[sflag:s30] =	ssyncset.done $0x0  }
0x47: {  	s25 =	rddreg [dreg:$0xc];
	[sflag:s30] =	ssyncadd.s32 $0xFFFFE000  }
0x48: {  	[spmem:s25] =	stream.linear.scatter [tilespmem:s29], [sflag:$0x4], $0x2000, $0x38;
	[tilespmem:$0x1EAA0] =	vst v63  }
0x49: {  	_ =	swait.ge [sflag:s30], $0x2000  }
0x4a: {  	[sflag:s30] =	ssyncset.done $0x0  }
0x4b: {  	s26 =	rddreg [dreg:$0xd];
	[sflag:s30] =	ssyncadd.s32 $0xFFFFE000  }
0x4c: {  	[spmem:s26] =	stream.linear.scatter [tilespmem:s29], [sflag:$0x4], $0x2000, $0x38;
	[tilespmem:$0x1EAA0] =	vst v63  }
0x4d: {  	_ =	swait.ge [sflag:s30], $0x2000  }
0x4e: {  	[sflag:s30] =	ssyncset.done $0x0  }
0x4f: {  	s28 =	rddreg [dreg:$0xe];
	[sflag:s30] =	ssyncadd.s32 $0xFFFFE000  }
0x50: {  	[spmem:s28] =	stream.linear.scatter [tilespmem:s29], [sflag:$0x4], $0x2000, $0x38;
	[tilespmem:$0x1EAA0] =	vst v63  }
0x51: {  	_ =	swait.ge [sflag:s30], $0x2000  }
0x52: {  	[sflag:s30] =	ssyncset.done $0x0  }
0x53: {  	s3 =	rddreg [dreg:$0xf];
	[sflag:s30] =	ssyncadd.s32 $0xFFFFE000  }
0x54: {  	[spmem:s3] =	stream.linear.scatter [tilespmem:s29], [sflag:$0x4], $0x2000, $0x38;
	[tilespmem:$0x1EAA0] =	vst v63  }
0x55: {  	_ =	swait.ge [sflag:s30], $0x2000  }
0x56: {  	[sflag:s30] =	ssyncset.done $0x0  }
0x57: {  	s4 =	rddreg [dreg:$0x10];
	[sflag:s30] =	ssyncadd.s32 $0xFFFFE000  }
0x58: {  	[spmem:s4] =	stream.linear.scatter [tilespmem:s29], [sflag:$0x4], $0x2000, $0x38;
	[tilespmem:$0x1EAA0] =	vst v63  }
0x59: {  	_ =	swait.ge [sflag:s30], $0x2000  }
0x5a: {  	[sflag:s30] =	ssyncset.done $0x0  }
0x5b: {  	s25 =	rddreg [dreg:$0x11];
	[sflag:s30] =	ssyncadd.s32 $0xFFFFE000  }
0x5c: {  	[spmem:s25] =	stream.linear.scatter [tilespmem:s29], [sflag:$0x4], $0x2000, $0x38;
	[tilespmem:$0x1EAA0] =	vst v63  }
0x5d: {  	_ =	swait.ge [sflag:s30], $0x2000  }
0x5e: {  	[sflag:s30] =	ssyncset.done $0x0  }
0x5f: {  	s26 =	rddreg [dreg:$0x13];
	[sflag:s30] =	ssyncadd.s32 $0xFFFFE000  }
0x60: {  	[spmem:s26] =	stream.linear.scatter [tilespmem:s29], [sflag:$0x4], $0x2000, $0x38;
	[tilespmem:$0x1EAA0] =	vst v63  }
0x61: {  	_ =	swait.ge [sflag:s30], $0x2000  }
0x62: {  	[sflag:s30] =	ssyncset.done $0x0  }
0x63: {  	s28 =	rddreg [dreg:$0x16];
	[sflag:s30] =	ssyncadd.s32 $0xFFFFE000  }
0x64: {  	[spmem:s28] =	stream.linear.scatter [tilespmem:s29], [sflag:$0x4], $0x680, $0x38;
	[tilespmem:$0x1EAA0] =	vst v63  }
0x65: {  	_ =	swait.ge [sflag:s30], $0x680  }
0x66: {  	[sflag:s30] =	ssyncset.done $0x0  }
0x67: {  	s2 =	simm.s32 @!p0 $0x400;
	[sflag:s30] =	ssyncadd.s32 $0xFFFFF980  }
0x68: {  	[spmem:s10] =	stream.linear.scatter @!p0 [tilespmem:s2], [sflag:$0x4], $0x200, $0x38;
	[tilespmem:$0x1EAA0] =	vst v63  }
0x69: {  	s2 =	simm.s32 @!p0 $0x4  }
.Ltmp3:
0x6a: {  	_ =	swait.ge @!p0 [sflag:s2], $0x200;
	(pc) =	sbr.rel .LBB2_4-.Ltmp3, $4  }
0x6b: {  	[sflag:s2] =	ssyncset.done @!p0 $0x0  }
0x6c: {  	[sflag:s2] =	ssyncadd.s32 @!p0 $0xFFFFFE00  }
0x6d: {  	[bflag:$0x0] =	sbarrier.arrive $0xFFFF  }
0x6e: {  	s26 =	simm.s32 $0x0  }
.LBB2_8:
0x6f: {  	s26 =	sadd.s32 $0x1, s26  }
0x70: {  	p1 =	sne.s32 s26, $0x62  }
.Ltmp4:
0x71: {  	_ = 	snop;
	(pc) =	sbr.rel @!p1 .LBB2_9-.Ltmp4, $1  }
0x72: {  	_ =	sdelay $0x3  }
.LBB2_4:
0x73: {  	s2 =	sshll.u32 s26, $0x5  }
0x74: {  	s2 =	sor.u32 s2, s11  }
0x75: {  	s2 =	sor.u32 s5, s2  }
0x76: {  	p1 =	sgt.u32 s2, $0xC34  }
.Ltmp5:
0x77: {  	_ = 	snop;
	(pc) =	sbr.rel @p1 .LBB2_8-.Ltmp5, $1  }
0x78: {  	_ =	sdelay $0x3  }
0x79: {  	s3 =	sshll.u32 s2, $0x6  }
0x7a: {  	s25 =	rddreg [dreg:$0x2];
	s4 =	sadd.s32 s8, s3  }
0x7b: {  	[tilespmem:s7], [sflag:$0x1] =	stream.linear.gather [hbm4b:s4+s7], $0x200, $0x38;
	[tilespmem:$0x1EAA0] =	vst v63  }
0x7c: {  	s28 =	sshll.u32 s2, $0xA;
	s10 =	rddreg [dreg:$0x3];
	s3 =	sadd.s32 s25, s3  }
0x7d: {  	[tilespmem:s31], [sflag:$0x1] =	stream.linear.gather [hbm4b:s3+s7], $0x200, $0x38;
	[tilespmem:$0x1EAA0] =	vst v63  }
0x7e: {  	s2 =	sadd.s32 s10, s28;
	s25 =	rddreg [dreg:$0x4]  }
0x7f: {  	[tilespmem:s0], [sflag:$0x2] =	stream.linear.gather [hbm4b:s2+s7], $0x2000, $0x38;
	[tilespmem:$0x1EAA0] =	vst v63  }
0x80: {  	s2 =	sadd.s32 s25, s28  }
0x81: {  	[tilespmem:s12], [sflag:$0x2] =	stream.linear.gather [hbm4b:s2+s7], $0x2000, $0x38;
	[tilespmem:$0x1EAA0] =	vst v63  }
0x82: {  	_ =	swait.ge [sflag:s13], $0x200  }
0x83: {  	[sflag:s13] =	ssyncset.done $0x0  }
0x84: {  	[sflag:s13] =	ssyncadd.s32 $0xFFFFFE00  }
0x85: {  	_ =	swait.ge [sflag:s13], $0x200  }
0x86: {  	[sflag:s13] =	ssyncset.done $0x0  }
0x87: {  	[sflag:s13] =	ssyncadd.s32 $0xFFFFFE00  }
0x88: {  	[tilespmem:s29], [sflag:$0x3] =	stream.indirect.gather [hbm4b:s1+s14], $0x10, s7, s14, $0xb8;
	[tilespmem:$0x1EAA0] =	vst v63  }
0x89: {  	_ = 	snop  }
0x8a: {  	[tilespmem:s15], [sflag:$0x3] =	stream.indirect.gather [hbm4b:s1+s14], $0x10, s14, s14, $0xb8;
	[tilespmem:$0x1EAA0] =	vst v63  }
0x8b: {  	_ = 	snop  }
0x8c: {  	[tilespmem:s17], [sflag:$0x3] =	stream.indirect.gather [hbm4b:s1+s14], $0x10, s16, s14, $0xb8;
	[tilespmem:$0x1EAA0] =	vst v63  }
0x8d: {  	_ = 	snop  }
0x8e: {  	[tilespmem:s19], [sflag:$0x3] =	stream.indirect.gather [hbm4b:s1+s14], $0x10, s18, s14, $0xb8;
	[tilespmem:$0x1EAA0] =	vst v63  }
0x8f: {  	_ =	swait.ge [sflag:s20], $0x2000  }
0x90: {  	[sflag:s20] =	ssyncset.done $0x0  }
0x91: {  	[sflag:s20] =	ssyncadd.s32 $0xFFFFE000  }
0x92: {  	_ =	swait.ge [sflag:s20], $0x2000  }
0x93: {  	[sflag:s20] =	ssyncset.done $0x0  }
0x94: {  	[sflag:s20] =	ssyncadd.s32 $0xFFFFE000  }
0x95: {  	_ =	swait.ge [sflag:s21], $0x800  }
0x96: {  	[sflag:s21] =	ssyncset.done $0x0  }
0x97: {  	[sflag:s21] =	ssyncadd.s32 $0xFFFFF800  }
0x98: {  	_ =	swait.ge [sflag:s21], $0x800  }
0x99: {  	[sflag:s21] =	ssyncset.done $0x0  }
0x9a: {  	[sflag:s21] =	ssyncadd.s32 $0xFFFFF800  }
0x9b: {  	_ =	swait.ge [sflag:s21], $0x800  }
0x9c: {  	[sflag:s21] =	ssyncset.done $0x0  }
0x9d: {  	[sflag:s21] =	ssyncadd.s32 $0xFFFFF800  }
0x9e: {  	_ =	swait.ge [sflag:s21], $0x800  }
0x9f: {  	[sflag:s21] =	ssyncset.done $0x0  }
0xa0: {  	s3 =	simm.s32 $0x440;
	[sflag:s21] =	ssyncadd.s32 $0xFFFFF800  }
0xa1: {  	s10 =	simm.s32 $0x2440;
	v1 =	vld [tilespmem:s3+$0xFFFFFFC0]  }
0xa2: {  	v2 =	vld [tilespmem:s10+$0xFFFFFFC0]  }
0xa3: {  	s2 =	simm.s32 $0x4440  }
0xa4: {  	v3 =	vld [tilespmem:s2+$0xFFFFFFC0];
	_ =	sdelay $0x2  }
0xa5: {  	v1 =	vsub.f32 v1, v2;
	_ =	sdelay $0x1  }
0xa6: {  	v1 =	vadd.f32 v3, v1;
	_ =	sdelay $0x1  }
0xa7: {  	v1 =	vmul.f32 $5.000000000e-01, v1;
	_ =	sdelay $0x1  }
0xa8: {  	[tilespmem:s3+$0xFFFFFFC0] =	vst v1;
	v1 =	vld [tilespmem:s3+$0xFFFFFFD0]  }
0xa9: {  	v2 =	vld [tilespmem:s10+$0xFFFFFFD0];
	_ =	sdelay $0x1  }
0xaa: {  	v3 =	vld [tilespmem:s2+$0xFFFFFFD0];
	_ =	sdelay $0x2  }
0xab: {  	v1 =	vsub.f32 v1, v2;
	_ =	sdelay $0x1  }
0xac: {  	v1 =	vadd.f32 v3, v1;
	_ =	sdelay $0x1  }
0xad: {  	v1 =	vmul.f32 $5.000000000e-01, v1;
	_ =	sdelay $0x1  }
0xae: {  	[tilespmem:s3+$0xFFFFFFD0] =	vst v1;
	v1 =	vld [tilespmem:s3+$0xFFFFFFE0]  }
0xaf: {  	v2 =	vld [tilespmem:s10+$0xFFFFFFE0];
	_ =	sdelay $0x1  }
0xb0: {  	v3 =	vld [tilespmem:s2+$0xFFFFFFE0];
	_ =	sdelay $0x2  }
0xb1: {  	v1 =	vsub.f32 v1, v2;
	_ =	sdelay $0x1  }
0xb2: {  	v1 =	vadd.f32 v3, v1;
	_ =	sdelay $0x1  }
0xb3: {  	v1 =	vmul.f32 $5.000000000e-01, v1;
	_ =	sdelay $0x1  }
0xb4: {  	[tilespmem:s3+$0xFFFFFFE0] =	vst v1;
	v1 =	vld [tilespmem:s3+$0xFFFFFFF0]  }
0xb5: {  	v2 =	vld [tilespmem:s10+$0xFFFFFFF0];
	_ =	sdelay $0x1  }
0xb6: {  	v3 =	vld [tilespmem:s2+$0xFFFFFFF0];
	_ =	sdelay $0x2  }
0xb7: {  	v1 =	vsub.f32 v1, v2;
	_ =	sdelay $0x1  }
0xb8: {  	v1 =	vadd.f32 v3, v1;
	_ =	sdelay $0x1  }
0xb9: {  	v1 =	vmul.f32 $5.000000000e-01, v1;
	_ =	sdelay $0x1  }
0xba: {  	[tilespmem:s3+$0xFFFFFFF0] =	vst v1;
	v1 =	vld [tilespmem:s3+$0x0]  }
0xbb: {  	v2 =	vld [tilespmem:s10+$0x0];
	_ =	sdelay $0x1  }
0xbc: {  	v3 =	vld [tilespmem:s2+$0x0];
	_ =	sdelay $0x2  }
0xbd: {  	v1 =	vsub.f32 v1, v2;
	_ =	sdelay $0x1  }
0xbe: {  	v1 =	vadd.f32 v3, v1;
	_ =	sdelay $0x1  }
0xbf: {  	v1 =	vmul.f32 $5.000000000e-01, v1;
	_ =	sdelay $0x1  }
0xc0: {  	[tilespmem:s3+$0x0] =	vst v1;
	v1 =	vld [tilespmem:s3+$0x10]  }
0xc1: {  	v2 =	vld [tilespmem:s10+$0x10];
	_ =	sdelay $0x1  }
0xc2: {  	v3 =	vld [tilespmem:s2+$0x10];
	_ =	sdelay $0x2  }
0xc3: {  	v1 =	vsub.f32 v1, v2;
	_ =	sdelay $0x1  }
0xc4: {  	v1 =	vadd.f32 v3, v1;
	_ =	sdelay $0x1  }
0xc5: {  	v1 =	vmul.f32 $5.000000000e-01, v1;
	_ =	sdelay $0x1  }
0xc6: {  	[tilespmem:s3+$0x10] =	vst v1;
	v1 =	vld [tilespmem:s3+$0x20]  }
0xc7: {  	v2 =	vld [tilespmem:s10+$0x20];
	_ =	sdelay $0x1  }
0xc8: {  	v3 =	vld [tilespmem:s2+$0x20];
	_ =	sdelay $0x2  }
0xc9: {  	v1 =	vsub.f32 v1, v2;
	_ =	sdelay $0x1  }
0xca: {  	v1 =	vadd.f32 v3, v1;
	_ =	sdelay $0x1  }
0xcb: {  	v1 =	vmul.f32 $5.000000000e-01, v1;
	_ =	sdelay $0x1  }
0xcc: {  	[tilespmem:s3+$0x20] =	vst v1;
	v1 =	vld [tilespmem:s3+$0x30]  }
0xcd: {  	v2 =	vld [tilespmem:s10+$0x30];
	_ =	sdelay $0x1  }
0xce: {  	v3 =	vld [tilespmem:s2+$0x30];
	_ =	sdelay $0x2  }
0xcf: {  	v1 =	vsub.f32 v1, v2;
	_ =	sdelay $0x1  }
0xd0: {  	v1 =	vadd.f32 v3, v1;
	_ =	sdelay $0x1  }
0xd1: {  	v1 =	vmul.f32 $5.000000000e-01, v1  }
0xd2: {  	s4 =	simm.s32 $0x0;
	s25 =	simm.s32 $0x4C0  }
.LBB2_6:
0xd3: {  	v2 =	vld [tilespmem:s25+$0xFFFFFFC0];
	s4 =	sadd.s32 $0x8, s4;
	[tilespmem:s3+$0x30] =	vst v1;
	s2 =	sadd.s32 $0x80, s2;
	s10 =	sadd.s32 $0x80, s10  }
0xd4: {  	s3 =	smov.u32 s25;
	v1 =	vld [tilespmem:s10+$0xFFFFFFC0];
	p1 =	slt.u32 s4, $0x1F8;
	_ =	sdelay $0x1  }
0xd5: {  	v3 =	vld [tilespmem:s2+$0xFFFFFFC0];
	_ =	sdelay $0x2  }
0xd6: {  	v1 =	vsub.f32 v2, v1;
	_ =	sdelay $0x1  }
0xd7: {  	v1 =	vadd.f32 v3, v1;
	_ =	sdelay $0x1  }
0xd8: {  	v1 =	vmul.f32 $5.000000000e-01, v1;
	_ =	sdelay $0x1  }
0xd9: {  	[tilespmem:s25+$0xFFFFFFC0] =	vst v1;
	v1 =	vld [tilespmem:s25+$0xFFFFFFD0]  }
0xda: {  	v2 =	vld [tilespmem:s10+$0xFFFFFFD0];
	_ =	sdelay $0x1  }
0xdb: {  	v3 =	vld [tilespmem:s2+$0xFFFFFFD0];
	_ =	sdelay $0x2  }
0xdc: {  	v1 =	vsub.f32 v1, v2;
	_ =	sdelay $0x1  }
0xdd: {  	v1 =	vadd.f32 v3, v1;
	_ =	sdelay $0x1  }
0xde: {  	v1 =	vmul.f32 $5.000000000e-01, v1;
	_ =	sdelay $0x1  }
0xdf: {  	[tilespmem:s25+$0xFFFFFFD0] =	vst v1;
	v1 =	vld [tilespmem:s25+$0xFFFFFFE0]  }
0xe0: {  	v2 =	vld [tilespmem:s10+$0xFFFFFFE0];
	_ =	sdelay $0x1  }
0xe1: {  	v3 =	vld [tilespmem:s2+$0xFFFFFFE0];
	_ =	sdelay $0x2  }
0xe2: {  	v1 =	vsub.f32 v1, v2;
	_ =	sdelay $0x1  }
0xe3: {  	v1 =	vadd.f32 v3, v1;
	_ =	sdelay $0x1  }
0xe4: {  	v1 =	vmul.f32 $5.000000000e-01, v1;
	_ =	sdelay $0x1  }
0xe5: {  	[tilespmem:s25+$0xFFFFFFE0] =	vst v1;
	v1 =	vld [tilespmem:s25+$0xFFFFFFF0]  }
0xe6: {  	v2 =	vld [tilespmem:s10+$0xFFFFFFF0];
	_ =	sdelay $0x1  }
0xe7: {  	v3 =	vld [tilespmem:s2+$0xFFFFFFF0];
	_ =	sdelay $0x2  }
0xe8: {  	v1 =	vsub.f32 v1, v2;
	_ =	sdelay $0x1  }
0xe9: {  	v1 =	vadd.f32 v3, v1;
	_ =	sdelay $0x1  }
0xea: {  	v1 =	vmul.f32 $5.000000000e-01, v1;
	_ =	sdelay $0x1  }
0xeb: {  	[tilespmem:s25+$0xFFFFFFF0] =	vst v1;
	v1 =	vld [tilespmem:s25+$0x0]  }
0xec: {  	v2 =	vld [tilespmem:s10+$0x0];
	_ =	sdelay $0x1  }
0xed: {  	v3 =	vld [tilespmem:s2+$0x0];
	_ =	sdelay $0x2  }
0xee: {  	v1 =	vsub.f32 v1, v2;
	_ =	sdelay $0x1  }
0xef: {  	v1 =	vadd.f32 v3, v1;
	_ =	sdelay $0x1  }
0xf0: {  	v1 =	vmul.f32 $5.000000000e-01, v1;
	_ =	sdelay $0x1  }
0xf1: {  	[tilespmem:s25+$0x0] =	vst v1;
	v1 =	vld [tilespmem:s25+$0x10]  }
0xf2: {  	v2 =	vld [tilespmem:s10+$0x10]  }
0xf3: {  	v3 =	vld [tilespmem:s2+$0x10];
	_ =	sdelay $0x3  }
0xf4: {  	v1 =	vsub.f32 v1, v2;
	_ =	sdelay $0x1  }
0xf5: {  	v1 =	vadd.f32 v3, v1;
	_ =	sdelay $0x1  }
0xf6: {  	v1 =	vmul.f32 $5.000000000e-01, v1;
	_ =	sdelay $0x1  }
0xf7: {  	[tilespmem:s25+$0x10] =	vst v1;
	v1 =	vld [tilespmem:s25+$0x20]  }
0xf8: {  	v2 =	vld [tilespmem:s10+$0x20]  }
0xf9: {  	v3 =	vld [tilespmem:s2+$0x20];
	_ =	sdelay $0x3  }
0xfa: {  	v1 =	vsub.f32 v1, v2;
	_ =	sdelay $0x1  }
0xfb: {  	v1 =	vadd.f32 v3, v1;
	_ =	sdelay $0x1  }
0xfc: {  	v1 =	vmul.f32 $5.000000000e-01, v1;
	_ =	sdelay $0x1  }
0xfd: {  	[tilespmem:s25+$0x20] =	vst v1;
	v1 =	vld [tilespmem:s25+$0x30]  }
0xfe: {  	v2 =	vld [tilespmem:s10+$0x30]  }
0xff: {  	v3 =	vld [tilespmem:s2+$0x30];
	_ =	sdelay $0x3  }
0x100: {  	v1 =	vsub.f32 v1, v2  }
.Ltmp6:
0x101: {  	(pc) =	sbr.rel @p1 .LBB2_6-.Ltmp6, $3  }
0x102: {  	v1 =	vadd.f32 v3, v1;
	_ =	sdelay $0x1  }
0x103: {  	v1 =	vmul.f32 $5.000000000e-01, v1  }
0x104: {  	s25 =	sadd.s32 $0x80, s25  }
0x105: {  	[tilespmem:s3+$0x30] =	vst v1;
	s2 =	sadd.s32 s9, s28  }
0x106: {  	[hbm4b:s2+s7] =	stream.linear.scatter [tilespmem:s29], [sflag:$0x2], $0x2000, $0x38;
	[tilespmem:$0x1EAA0] =	vst v63  }
0x107: {  	_ = 	snop  }
0x108: {  	[spmem:s6] =	stream.indirect.scatter.add.f32 [tilespmem:s29], [sflag:$0x3], $0x10, s31, s14, $0xb8;
	[tilespmem:$0x1EAA0] =	vst v63  }
0x109: {  	_ = 	snop  }
0x10a: {  	[spmem:s6] =	stream.indirect.scatter.add.f32 [tilespmem:s15], [sflag:$0x3], $0x10, s22, s14, $0xb8;
	[tilespmem:$0x1EAA0] =	vst v63  }
0x10b: {  	_ = 	snop  }
0x10c: {  	[spmem:s6] =	stream.indirect.scatter.add.f32 [tilespmem:s17], [sflag:$0x3], $0x10, s23, s14, $0xb8;
	[tilespmem:$0x1EAA0] =	vst v63  }
0x10d: {  	_ = 	snop  }
0x10e: {  	[spmem:s6] =	stream.indirect.scatter.add.f32 [tilespmem:s19], [sflag:$0x3], $0x10, s24, s14, $0xb8;
	[tilespmem:$0x1EAA0] =	vst v63  }
0x10f: {  	_ =	swait.ge [sflag:s20], $0x2000  }
0x110: {  	[sflag:s20] =	ssyncset.done $0x0  }
0x111: {  	[sflag:s20] =	ssyncadd.s32 $0xFFFFE000  }
0x112: {  	_ =	swait.ge [sflag:s21], $0x800  }
0x113: {  	[sflag:s21] =	ssyncset.done $0x0  }
0x114: {  	[sflag:s21] =	ssyncadd.s32 $0xFFFFF800  }
0x115: {  	_ =	swait.ge [sflag:s21], $0x800  }
0x116: {  	[sflag:s21] =	ssyncset.done $0x0  }
0x117: {  	[sflag:s21] =	ssyncadd.s32 $0xFFFFF800  }
0x118: {  	_ =	swait.ge [sflag:s21], $0x800  }
.Ltmp7:
0x119: {  	[sflag:s21] =	ssyncset.done $0x0;
	(pc) =	sbr.rel .LBB2_8-.Ltmp7, $4  }
0x11a: {  	[sflag:s21] =	ssyncadd.s32 $0xFFFFF800  }
0x11b: {  	_ =	swait.ge [sflag:s21], $0x800  }
0x11c: {  	[sflag:s21] =	ssyncset.done $0x0  }
0x11d: {  	[sflag:s21] =	ssyncadd.s32 $0xFFFFF800  }
.LBB2_10:
0x11e: {  	_ =	sfence.sel $0x180000  }
0x11f: {  	[bflag:$0x0] =	sbarrier.arrive $0xFFFF  }
0x120: {  	_ =	strace $0x90000047  }
0x121: {  	[bflag:$0x2] =	sbarrier.arrive $0xFFFF  }
0x122: {  	p0 =	sne.s32 s5, $0x0;
	s0 =	rddreg [dreg:$0x6]  }
0x123: {  	s0 =	sadd.s32 @!p0 $0x100000, s0  }
0x124: {  	[sflag:s0] =	ssyncadd.tile.s32 @!p0 $0x1;
	_ =	shalt  }
.Lfunc_end2:
_tile_overlayer_lowered:
.L_overlay_start_2:
0x125: {  	(tag) =	ssettag $0x2  }
0x126: {  	s0 =	rddreg [dreg:$0x0];
	s2 =	stileid.u32  }
0x127: {  	s1 =	rddreg [dreg:$0x1];
	p0 =	sne.s32 s2, $0x0  }
0x128: {  	s3 =	rddreg [dreg:$0x2];
	[bflag:$0x3] =	sbarrier.arrive $0xFFFF;
	s2 =	simm.s32 @!p0 $0x1C04  }
0x129: {  	[timem:s3], [sflag:s2] =	dma.local @!p0 [hbm:s0], s1  }
0x12a: {  	s0 =	simm.s32 @!p0 $0x4  }
0x12b: {  	_ =	swait.ge @!p0 [sflag:s0], s1  }
0x12c: {  	s1 =	ssub.s32 @!p0 $0x0, s1;
	[sflag:s0] =	ssyncset.done @!p0 $0x0  }
0x12d: {  	[sflag:s0] =	ssyncadd.s32 @!p0 s1  }
0x12e: {  	[bflag:$0x3] =	sbarrier.arrive $0xFFFF  }
0x12f: {  	_ =	shalt  }

// kernel: kernel.9.cloned.1.call-start
scs
__scs_entry_jumppad:
0x0: {  	(pc) =	sbr.rel $0x88, $3  }
0x1: {  	(tag) =	ssettag $0x0;
	lr =	simm.s32 $0x1  }
0x2: {  	[smem:$0x3F99] =	sst lr;
	_ =	strace $0xD0000000  }
0x3: {  	_ = 	snop  }
0x4: {  	_ = 	snop  }
0x5: {  	_ = 	snop  }
0x6: {  	_ = 	snop  }
0x7: {  	_ = 	snop  }
__scs_overlays_trampoline_lowered:
0x8: {  	[smem:$0x3FA8] =	sst s0  }
0x9: {  	[smem:$0x3FA9] =	sst s1  }
0xa: {  	[smem:$0x3FAA] =	sst s2  }
0xb: {  	[smem:$0x3FAB] =	sst s3  }
0xc: {  	[smem:$0x3FAC] =	sst s4  }
0xd: {  	[smem:$0x3FAD] =	sst s5  }
0xe: {  	[smem:$0x3FAE] =	sst s6  }
0xf: {  	[smem:$0x3FAF] =	sst s7  }
0x10: {  	[smem:$0x3FB0] =	sst s8  }
0x11: {  	[smem:$0x3FB1] =	sst s9;
	s0 =	simm.s32 @!p0 $0x0  }
0x12: {  	s1 =	sld [smem:$0x3F97];
	s0 =	simm.s32 @p0 $0x1  }
0x13: {  	[smem:$0x3FB2] =	sst s0;
	s0 =	simm.s32 @!p1 $0x0  }
0x14: {  	s2 =	sld [smem:$0x3F96];
	s0 =	simm.s32 @p1 $0x1  }
0x15: {  	[smem:$0x3FB3] =	sst s0;
	s0 =	simm.s32 @!p2 $0x0  }
0x16: {  	s3 =	sld [smem:$0x3FDB];
	s0 =	simm.s32 @p2 $0x1  }
0x17: {  	s4 =	simm.s32 $0x1BF5;
	[smem:$0x3FB5] =	sst s0  }
0x18: {  	s0 =	sld [smem:$0x3F98];
	_ =	swait.ge [sflag:s4], $0x0  }
0x19: {  	s7 =	sld [smem:$0x3F99]  }
0x1a: {  	s8 =	sadd.s32 $0xFFFFE003, lr  }
0x1b: {  	s9 =	sadd.s32 $0xFFFFFEF7, lr;
	s5 =	simm.s32 $0xFFFFFFFF;
	p2 =	slt.u32 s8, $0xFFFFF086  }
0x1c: {  	p1 =	slt.u32 s9, $0xF7A;
	s5 =	simm.s32 @!p2 $0x0  }
0x1d: {  	s5 =	simm.s32 @p1 $0x1;
	p0 =	seq.s32 s7, s2  }
0x1e: {  	s7 =	smul.u32 @!p0 $0xF7A, s2;
	p2 =	seq.s32 @!p0 s5, $0x0  }
0x1f: {  	s9 =	smul.u32 $0xF7A, s1;
	s8 =	simm.s32 @!p0 $0x1BF5;
	p2 =	por !p2, p0  }
0x20: {  	[sflag:s8] =	ssyncset.s32 @!p0 $0xFFFFF086;
	s6 =	sadd.s32 @!p0 s3, s7;
	s7 =	simm.s32 @!p0 $0x108  }
0x21: {  	s3 =	sadd.s32 s3, s9;
	s6 =	sadd.s32 @!p0 $0x88, s6;
	s7 =	simm.s32 @p2 $0x1082  }
0x22: {  	[simem:s7], [sflag:s8] =	dma.local @!p0 [hbm:s6], $0xF7A  }
0x23: {  	s9 =	sor.u32 $0xD0000000, s2;
	s6 =	simm.s32 $0x108;
	_ =	swait.ge @!p0 [sflag:s8], $0x0  }
0x24: {  	s3 =	sadd.s32 $0x88, s3;
	s6 =	simm.s32 @!p1 $0x1082;
	[sflag:s4] =	ssyncset.s32 $0xFFFFF086  }
0x25: {  	[simem:s6], [sflag:s4] =	dma.local [hbm:s3], $0xF7A  }
0x26: {  	[smem:$0x3F99] =	sst s1;
	(tag) =	ssettag s2;
	_ =	strace s9  }
0x27: {  	s1 =	sld [smem:$0x3FA9]  }
0x28: {  	s2 =	sld [smem:$0x3FAA]  }
0x29: {  	s4 =	sld [smem:$0x3FAC]  }
0x2a: {  	p0 =	seq.s32 s5, $0x0;
	s5 =	sld [smem:$0x3FAD]  }
0x2b: {  	s6 =	sld [smem:$0x3FAE]  }
0x2c: {  	s7 =	sld [smem:$0x3FAF]  }
0x2d: {  	s3 =	simm.s32 $0x108;
	s8 =	sld [smem:$0x3FB0]  }
0x2e: {  	s3 =	simm.s32 @!p0 $0x1082;
	s9 =	sld [smem:$0x3FB1]  }
0x2f: {  	lr =	sadd.s32 s0, s3;
	s0 =	sld [smem:$0x3FA8]  }
0x30: {  	s3 =	sld [smem:$0x3FAB]  }
0x31: {  	[smem:$0x3FB4] =	sst s10  }
0x32: {  	s10 =	sld [smem:$0x3FB2];
	_ =	sdelay $0x3  }
0x33: {  	p0 =	seq.s32 s10, $0x1;
	s10 =	sld [smem:$0x3FB4];
	_ =	sdelay $0x3  }
0x34: {  	[smem:$0x3FB4] =	sst s10  }
0x35: {  	s10 =	sld [smem:$0x3FB3];
	_ =	sdelay $0x3  }
0x36: {  	p1 =	seq.s32 s10, $0x1;
	s10 =	sld [smem:$0x3FB4];
	_ =	sdelay $0x3  }
0x37: {  	[smem:$0x3FB4] =	sst s10  }
0x38: {  	s10 =	sld [smem:$0x3FB5]  }
0x39: {  	_ = 	snop;
	(pc) =	sbr.ind lr, $3  }
0x3a: {  	_ = 	snop  }
0x3b: {  	_ = 	snop  }
0x3c: {  	p2 =	seq.s32 s10, $0x1;
	s10 =	sld [smem:$0x3FB4]  }
0x3d: {  	_ =	shalt  }
0x3e: {  	_ =	shalt  }
0x3f: {  	_ =	shalt  }
0x40: {  	_ =	shalt  }
0x41: {  	_ =	shalt  }
0x42: {  	_ =	shalt  }
0x43: {  	_ =	shalt  }
0x44: {  	_ =	shalt  }
0x45: {  	_ =	shalt  }
0x46: {  	_ =	shalt  }
0x47: {  	_ =	shalt  }
0x48: {  	_ =	shalt  }
0x49: {  	_ =	shalt  }
0x4a: {  	_ =	shalt  }
0x4b: {  	_ =	shalt  }
0x4c: {  	_ =	shalt  }
0x4d: {  	_ =	shalt  }
0x4e: {  	_ =	shalt  }
0x4f: {  	_ =	shalt  }
0x50: {  	_ =	shalt  }
0x51: {  	_ =	shalt  }
0x52: {  	_ =	shalt  }
0x53: {  	_ =	shalt  }
0x54: {  	_ =	shalt  }
0x55: {  	_ =	shalt  }
0x56: {  	_ =	shalt  }
0x57: {  	_ =	shalt  }
0x58: {  	_ =	shalt  }
0x59: {  	_ =	shalt  }
0x5a: {  	_ =	shalt  }
0x5b: {  	_ =	shalt  }
0x5c: {  	_ =	shalt  }
0x5d: {  	_ =	shalt  }
0x5e: {  	_ =	shalt  }
0x5f: {  	_ =	shalt  }
0x60: {  	_ =	shalt  }
0x61: {  	_ =	shalt  }
0x62: {  	_ =	shalt  }
0x63: {  	_ =	shalt  }
0x64: {  	_ =	shalt  }
0x65: {  	_ =	shalt  }
0x66: {  	_ =	shalt  }
0x67: {  	_ =	shalt  }
0x68: {  	_ =	shalt  }
0x69: {  	_ =	shalt  }
0x6a: {  	_ =	shalt  }
0x6b: {  	_ =	shalt  }
0x6c: {  	_ =	shalt  }
0x6d: {  	_ =	shalt  }
0x6e: {  	_ =	shalt  }
0x6f: {  	_ =	shalt  }
0x70: {  	_ =	shalt  }
0x71: {  	_ =	shalt  }
0x72: {  	_ =	shalt  }
0x73: {  	_ =	shalt  }
0x74: {  	_ =	shalt  }
0x75: {  	_ =	shalt  }
0x76: {  	_ =	shalt  }
0x77: {  	_ =	shalt  }
0x78: {  	_ =	shalt  }
0x79: {  	_ =	shalt  }
0x7a: {  	_ =	shalt  }
0x7b: {  	_ =	shalt  }
0x7c: {  	_ =	shalt  }
0x7d: {  	_ =	shalt  }
0x7e: {  	_ =	shalt  }
0x7f: {  	_ =	shalt  }
0x80: {  	_ =	shalt  }
0x81: {  	_ =	shalt  }
0x82: {  	_ =	shalt  }
0x83: {  	_ =	shalt  }
0x84: {  	_ =	shalt  }
0x85: {  	_ =	shalt  }
0x86: {  	_ =	shalt  }
0x87: {  	_ =	shalt  }
.Lfunc_end0:
.L_simem_size_0:
called_computation.3_lowered:
.L_overlay_start_0:
0x88: {  	s2 =	sld [smem:$0x3FD9]  }
0x89: {  	s3 =	sld [smem:$0x3FFE];
	_ =	sdelay $0x1  }
0x8a: {  	s1 =	srdreg.scid  }
0x8b: {  	s0 =	sand.u32 $0x1, s1  }
0x8c: {  	s14 =	sshll.u32 s0, $0xA;
	s2 =	sadd.s32 s3, s2  }
0x8d: {  	s2 =	sadd.s32 s2, s14  }
0x8e: {  	[smem:$0x3FC0] =	sst s2  }
0x8f: {  	_ = 	snop  }
0x90: {  	s2 =	sld [smem:$0x3FD0];
	_ =	sdelay $0x2  }
0x91: {  	s15 =	simm.s32 $0xB;
	s4 =	simm.s32 $0x10  }
0x92: {  	[smem:s4], [sflag:s15] =	dma.local [hbm:s2], $0x1  }
0x93: {  	_ =	swait.eq [sflag:s15], $0x1  }
0x94: {  	s16 =	sld [smem:$0x10];
	[sflag:s15] =	ssyncset.done $0x0  }
0x95: {  	s17 =	sld [smem:$0x12];
	[sflag:s15] =	ssyncadd.s32 $0xFFFFFFFF  }
0x96: {  	s18 =	sld [smem:$0x13];
	(tm) =	ssettm $0x1  }
0x97: {  	s5 =	sld [smem:$0x3FFB];
	_ =	sdelay $0x3  }
0x98: {  	_ =	strace s5  }
0x99: {  	s5 =	sld [smem:$0x3FFC];
	_ =	sdelay $0x3  }
0x9a: {  	_ =	strace s5  }
0x9b: {  	s5 =	sld [smem:$0x3FFD];
	_ =	sdelay $0x3  }
0x9c: {  	_ =	strace s5  }
0x9d: {  	_ =	strace $0x8FFFFFFF  }
0x9e: {  	s19 =	sld [smem:$0x3FDB];
	_ =	sdelay $0x1  }
0x9f: {  	s6 =	simm.s32 $_scs_section_size  }
0xa0: {  	s7 =	simm.s32 $_size__tile_overlayer_lowered;
	s8 =	simm.s32 $_tile_overlayer_lowered  }
0xa1: {  	s22 =	simm.s32 $0x1BFF;
	s21 =	sshll.u32 s8, $0x1;
	s5 =	sadd.s32 s6, s19  }
0xa2: {  	s9 =	simm.s32 $0x0;
	s20 =	sshll.u32 s7, $0x1;
	s7 =	sadd.s32 s21, s5  }
0xa3: {  	[timem:s9], [sflag:s22] =	dma.local [hbm:s7], s20  }
0xa4: {  	_ =	swait.ge [sflag:s22], s20  }
0xa5: {  	s6 =	ssub.s32 $0x0, s20;
	[sflag:s22] =	ssyncset.done $0x0  }
0xa6: {  	[sflag:s22] =	ssyncadd.s32 s6;
	_ =	sdelay $0x1  }
0xa7: {  	s23 =	simm.s32 $0x1B8B  }
0xa8: {  	_ =	swait.ge [sflag:s23], $0x1  }
0xa9: {  	[sflag:s23] =	ssyncset.done $0x0  }
0xaa: {  	s25 =	simm.s32 $0x1B8E;
	s24 =	sld [smem:$0x3FFE];
	[sflag:s23] =	ssyncadd.s32 $0xFFFFFFFF  }
0xab: {  	s26 =	simm.s32 $execute0_lowered;
	[smem:$0x3FD2] =	sst s25  }
0xac: {  	s7 =	sshll.u32 s26, $0x1;
	_ =	strace $0x80000049;
	[dreg:$0x1] =	wrdreg $0xFFFFFFFF  }
0xad: {  	s28 =	simm.s32 $_size_execute0_lowered;
	s5 =	sadd.s32 s5, s7;
	[dreg:$0x0] =	wrdreg $0x0  }
0xae: {  	s7 =	sshll.u32 s28, $0x1;
	[dreg:$0x2] =	wrdreg s5  }
0xaf: {  	[dreg:$0x3] =	wrdreg s7  }
0xb0: {  	[dreg:$0x4] =	wrdreg $0xC0  }
0xb1: {  	_ =	task [dreg:s9], $0x5FFFF  }
0xb2: {  	[dreg:$0x1] =	wrdreg $0xFFFFFFFF  }
0xb3: {  	[dreg:$0x0] =	wrdreg $0x60  }
0xb4: {  	[dreg:$0x2] =	wrdreg s18  }
0xb5: {  	[dreg:$0x3] =	wrdreg s17  }
0xb6: {  	[dreg:$0x4] =	wrdreg s24  }
0xb7: {  	[dreg:$0x5] =	wrdreg s16  }
0xb8: {  	[dreg:$0x6] =	wrdreg $0x44000  }
0xb9: {  	[dreg:$0x7] =	wrdreg $0xA  }
0xba: {  	_ =	task.clear_ibuf [dreg:s9], $0x8FFFF;
	_ =	strace $0x90000049  }
0xbb: {  	s29 =	simm.s32 $0xA;
	_ =	strace $0x8000004B  }
0xbc: {  	_ =	swait.ge [sflag:s29], $0x1  }
0xbd: {  	[sflag:s29] =	ssyncadd.s32 $0xFFFFFFFF  }
0xbe: {  	_ =	strace $0x9000004B  }
0xbf: {  	_ =	sfence  }
0xc0: {  	s30 =	sld [smem:$0x0];
	_ =	sdelay $0x2  }
0xc1: {  	s31 =	sshll.u32 s1, $0xD;
	s1 =	sshrl.u32 s1, $0x2  }
0xc2: {  	s3 =	sand.u32 $0x4000, s31;
	s1 =	sadd.s32 s1, s30  }
0xc3: {  	s0 =	sor.u32 s3, s0;
	s1 =	sshll.u32 s1, $0x11  }
0xc4: {  	s0 =	sor.u32 s1, s0  }
0xc5: {  	s0 =	sadd.s32 $0x8F2B, s0  }
0xc6: {  	[sflag:s0] =	ssyncadd.remote.s32 $0x1  }
0xc7: {  	_ =	sfence.sel $0xFFFF  }
0xc8: {  	[dreg:$0x0] =	wrdreg $0xFFFFFFFF;
	(pc) =	sbr.abs _section_cstart, $3  }
0xc9: {  	[dreg:$0x1] =	wrdreg $0xFFFFFFFF  }
0xca: {  	_ =	task.clear_ibuf [dreg:s9], $0x2FFFF;
	_ =	strace $0x9FFFFFFF  }
0xcb: {  	(tm) =	ssettm $0x7FFFFFFF  }
tec
execute0_lowered:
.L_overlay_start_1:
0x0: {  	(tag) =	ssettag $0x1  }
0x1: {  	s1 =	rddreg [dreg:$0x0]  }
0x2: {  	s0 =	rddreg [dreg:$0x2]  }
0x3: {  	s3 =	rddreg [dreg:$0x3]  }
0x4: {  	s4 =	rddreg [dreg:$0x4];
	s6 =	simm.s32 $0x0;
	s2 =	srdreg.scid  }
0x5: {  	s5 =	stileid.u32;
	s28 =	simm.s32 $0x400;
	s29 =	simm.s32 $0x4  }
0x6: {  	s30 =	simm.s32 $0x200;
	s31 =	simm.s32 $0x2400;
	s10 =	smul.u32 $0x61A00, s5  }
0x7: {  	[smem:$0x7FF] =	sst s6;
	s2 =	sand.u32 $0x1, s2;
	s7 =	sadd.s32 $0x2600, s0  }
0x8: {  	s8 =	sadd.s32 $0x95000, s0;
	s26 =	sadd.s32 $0x186800, s4;
	s10 =	sshrl.u32 s10, $0x2  }
0x9: {  	_ =	strace $0x8000004A;
	[dreg:$0x16] =	wrdreg s26;
	s23 =	sadd.s32 s10, s4  }
0xa: {  	s0 =	sadd.s32 $0x33400, s0;
	s10 =	sadd.s32 $0x2000, s23;
	[dreg:$0x6] =	wrdreg s23  }
0xb: {  	s12 =	smul.u32 $0x30D0, s5;
	s13 =	sadd.s32 $0x4000, s23;
	[dreg:$0x7] =	wrdreg s10  }
0xc: {  	p0 =	sne.s32 s5, $0xF;
	s14 =	sadd.s32 $0x6000, s23;
	[dreg:$0x8] =	wrdreg s13  }
0xd: {  	s9 =	ssub.s32 $0x2, s2;
	s15 =	sadd.s32 $0x8000, s23;
	[dreg:$0x9] =	wrdreg s14  }
0xe: {  	s17 =	smul.u32 $0x30D40, s2;
	s16 =	sadd.s32 $0xA000, s23;
	[dreg:$0xa] =	wrdreg s15  }
0xf: {  	s11 =	sshrl.u32 s9, $0x1;
	s18 =	sadd.s32 $0xE000, s23;
	[dreg:$0xb] =	wrdreg s16  }
0x10: {  	s11 =	ssub.s32 s9, s11;
	s19 =	sadd.s32 $0x10000, s23;
	[dreg:$0xd] =	wrdreg s18  }
0x11: {  	s9 =	sshll.u32 s2, $0x4;
	s20 =	sadd.s32 $0x12000, s23;
	[dreg:$0xe] =	wrdreg s19  }
0x12: {  	s2 =	smul.u32 $0x186A00, s2;
	s21 =	sadd.s32 $0x14000, s23;
	[dreg:$0xf] =	wrdreg s20  }
0x13: {  	s22 =	sadd.s32 $0x16000, s23;
	s24 =	sadd.s32 $0x18000, s23;
	[dreg:$0x10] =	wrdreg s21  }
0x14: {  	s25 =	smax.u32 s11, $0x1;
	s11 =	simm.s32 $0x80;
	[dreg:$0x11] =	wrdreg s22  }
0x15: {  	s13 =	sadd.s32 $0xC000, s23;
	s10 =	sadd.s32 s12, s17;
	[dreg:$0x13] =	wrdreg s24  }
0x16: {  	s2 =	sshrl.u32 s2, $0x3;
	[dreg:$0x15] =	wrdreg s25;
	s12 =	simm.s32 $0xC00  }
0x17: {  	s14 =	simm.s32 $0x1400;
	s15 =	simm.s32 $0x180;
	s16 =	simm.s32 $0x1C00  }
.Ltmp0:
0x18: {  	s17 =	simm.s32 $0x2;
	s18 =	simm.s32 $0x3;
	(pc) =	sbr.rel .LBB2_1-.Ltmp0, $4  }
0x19: {  	s19 =	simm.s32 $0x280;
	s20 =	simm.s32 $0x300;
	s21 =	simm.s32 $0x380  }
0x1a: {  	[dreg:$0xc] =	wrdreg s13;
	s10 =	sadd.s32 s0, s10;
	s0 =	sadd.s32 s0, s2  }
0x1b: {  	s22 =	simm.s32 $0x0;
	[dreg:$0x12] =	wrdreg s10;
	s0 =	sadd.s32 $0x30D00, s0  }
0x1c: {  	v0 =	vimm.f32 $0.0e+00;
	s13 =	simm.s32 $0x100;
	[dreg:$0x14] =	wrdreg s0;
	s0 =	simm.s32 $0x1  }
.LBB2_9:
0x1d: {  	[bflag:$0x0] =	sbarrier.arrive $0xFFFF  }
0x1e: {  	s2 =	sshll.u32 s5, $0x6;
	s23 =	rddreg [dreg:$0x6]  }
0x1f: {  	s2 =	sor.u32 $0x1C04, s2;
	s24 =	rddreg [dreg:$0x12];
	s10 =	sshrl.u32 s23, $0x3  }
0x20: {  	[hbm:s24], [sflag:s2] =	dma.local [spmem:s10], $0x30D0  }
0x21: {  	_ =	swait.ge [sflag:s29], $0x30D0  }
0x22: {  	[sflag:s29] =	ssyncset.done $0x0;
	s10 =	rddreg [dreg:$0x16]  }
0x23: {  	s24 =	rddreg [dreg:$0x14];
	[sflag:s29] =	ssyncadd.s32 $0xFFFFCF30;
	s10 =	sshrl.u32 @!p0 s10, $0x3  }
0x24: {  	[hbm:s24], [sflag:s2] =	dma.local @!p0 [spmem:s10], $0x40  }
0x25: {  	s2 =	simm.s32 @!p0 $0x4  }
0x26: {  	_ =	swait.ge @!p0 [sflag:s2], $0x40  }
0x27: {  	s22 =	sadd.s32 $0x1, s22;
	s26 =	rddreg [dreg:$0x15]  }
0x28: {  	p1 =	sne.s32 s22, s26  }
.Ltmp1:
0x29: {  	_ = 	snop;
	(pc) =	sbr.rel @!p1 .LBB2_10-.Ltmp1, $3  }
0x2a: {  	_ =	sdelay $0x1  }
0x2b: {  	[sflag:s2] =	ssyncset.done @!p0 $0x0  }
0x2c: {  	[sflag:s2] =	ssyncadd.s32 @!p0 $0xFFFFFFC0  }
.LBB2_1:
0x2d: {  	s2 =	simm.s32 $0x40;
	s10 =	simm.s32 $0x0  }
.LBB2_2:
0x2e: {  	p1 =	sne.s32 s2, $0x7FC0;
	[tilespmem:s10+$0x400] =	vst v0;
	s10 =	smov.u32 s2;
	s2 =	sadd.s32 $0x40, s2  }
.Ltmp2:
0x2f: {  	(pc) =	sbr.rel @p1 .LBB2_2-.Ltmp2, $2  }
0x30: {  	_ =	sdelay $0x2  }
0x31: {  	s10 =	sshra.s32 s10, $0x2  }
0x32: {  	[tilespmem:s10+$0x400] =	vst v0  }
0x33: {  	[spmem:s23] =	stream.linear.scatter [tilespmem:s28], [sflag:$0x4], $0x2000, $0x38;
	[tilespmem:$0x1CAA0] =	vst v63  }
0x34: {  	_ =	swait.ge [sflag:s29], $0x2000  }
0x35: {  	[sflag:s29] =	ssyncset.done $0x0  }
0x36: {  	s2 =	rddreg [dreg:$0x7];
	[sflag:s29] =	ssyncadd.s32 $0xFFFFE000  }
0x37: {  	[spmem:s2] =	stream.linear.scatter [tilespmem:s28], [sflag:$0x4], $0x2000, $0x38;
	[tilespmem:$0x1CAA0] =	vst v63  }
0x38: {  	_ =	swait.ge [sflag:s29], $0x2000  }
0x39: {  	[sflag:s29] =	ssyncset.done $0x0  }
0x3a: {  	s26 =	rddreg [dreg:$0x8];
	[sflag:s29] =	ssyncadd.s32 $0xFFFFE000  }
0x3b: {  	[spmem:s26] =	stream.linear.scatter [tilespmem:s28], [sflag:$0x4], $0x2000, $0x38;
	[tilespmem:$0x1CAA0] =	vst v63  }
0x3c: {  	_ =	swait.ge [sflag:s29], $0x2000  }
0x3d: {  	[sflag:s29] =	ssyncset.done $0x0  }
0x3e: {  	s10 =	rddreg [dreg:$0x9];
	[sflag:s29] =	ssyncadd.s32 $0xFFFFE000  }
0x3f: {  	[spmem:s10] =	stream.linear.scatter [tilespmem:s28], [sflag:$0x4], $0x2000, $0x38;
	[tilespmem:$0x1CAA0] =	vst v63  }
0x40: {  	_ =	swait.ge [sflag:s29], $0x2000  }
0x41: {  	[sflag:s29] =	ssyncset.done $0x0  }
0x42: {  	s23 =	rddreg [dreg:$0xa];
	[sflag:s29] =	ssyncadd.s32 $0xFFFFE000  }
0x43: {  	[spmem:s23] =	stream.linear.scatter [tilespmem:s28], [sflag:$0x4], $0x2000, $0x38;
	[tilespmem:$0x1CAA0] =	vst v63  }
0x44: {  	_ =	swait.ge [sflag:s29], $0x2000  }
0x45: {  	[sflag:s29] =	ssyncset.done $0x0  }
0x46: {  	s24 =	rddreg [dreg:$0xb];
	[sflag:s29] =	ssyncadd.s32 $0xFFFFE000  }
0x47: {  	[spmem:s24] =	stream.linear.scatter [tilespmem:s28], [sflag:$0x4], $0x2000, $0x38;
	[tilespmem:$0x1CAA0] =	vst v63  }
0x48: {  	_ =	swait.ge [sflag:s29], $0x2000  }
0x49: {  	[sflag:s29] =	ssyncset.done $0x0  }
0x4a: {  	s25 =	rddreg [dreg:$0xc];
	[sflag:s29] =	ssyncadd.s32 $0xFFFFE000  }
0x4b: {  	[spmem:s25] =	stream.linear.scatter [tilespmem:s28], [sflag:$0x4], $0x2000, $0x38;
	[tilespmem:$0x1CAA0] =	vst v63  }
0x4c: {  	_ =	swait.ge [sflag:s29], $0x2000  }
0x4d: {  	[sflag:s29] =	ssyncset.done $0x0  }
0x4e: {  	s26 =	rddreg [dreg:$0xd];
	[sflag:s29] =	ssyncadd.s32 $0xFFFFE000  }
0x4f: {  	[spmem:s26] =	stream.linear.scatter [tilespmem:s28], [sflag:$0x4], $0x2000, $0x38;
	[tilespmem:$0x1CAA0] =	vst v63  }
0x50: {  	_ =	swait.ge [sflag:s29], $0x2000  }
0x51: {  	[sflag:s29] =	ssyncset.done $0x0  }
0x52: {  	s10 =	rddreg [dreg:$0xe];
	[sflag:s29] =	ssyncadd.s32 $0xFFFFE000  }
0x53: {  	[spmem:s10] =	stream.linear.scatter [tilespmem:s28], [sflag:$0x4], $0x2000, $0x38;
	[tilespmem:$0x1CAA0] =	vst v63  }
0x54: {  	_ =	swait.ge [sflag:s29], $0x2000  }
0x55: {  	[sflag:s29] =	ssyncset.done $0x0  }
0x56: {  	s23 =	rddreg [dreg:$0xf];
	[sflag:s29] =	ssyncadd.s32 $0xFFFFE000  }
0x57: {  	[spmem:s23] =	stream.linear.scatter [tilespmem:s28], [sflag:$0x4], $0x2000, $0x38;
	[tilespmem:$0x1CAA0] =	vst v63  }
0x58: {  	_ =	swait.ge [sflag:s29], $0x2000  }
0x59: {  	[sflag:s29] =	ssyncset.done $0x0  }
0x5a: {  	s24 =	rddreg [dreg:$0x10];
	[sflag:s29] =	ssyncadd.s32 $0xFFFFE000  }
0x5b: {  	[spmem:s24] =	stream.linear.scatter [tilespmem:s28], [sflag:$0x4], $0x2000, $0x38;
	[tilespmem:$0x1CAA0] =	vst v63  }
0x5c: {  	_ =	swait.ge [sflag:s29], $0x2000  }
0x5d: {  	[sflag:s29] =	ssyncset.done $0x0  }
0x5e: {  	s25 =	rddreg [dreg:$0x11];
	[sflag:s29] =	ssyncadd.s32 $0xFFFFE000  }
0x5f: {  	[spmem:s25] =	stream.linear.scatter [tilespmem:s28], [sflag:$0x4], $0x2000, $0x38;
	[tilespmem:$0x1CAA0] =	vst v63  }
0x60: {  	_ =	swait.ge [sflag:s29], $0x2000  }
0x61: {  	[sflag:s29] =	ssyncset.done $0x0  }
0x62: {  	s26 =	rddreg [dreg:$0x13];
	[sflag:s29] =	ssyncadd.s32 $0xFFFFE000  }
0x63: {  	[spmem:s26] =	stream.linear.scatter [tilespmem:s28], [sflag:$0x4], $0x680, $0x38;
	[tilespmem:$0x1CAA0] =	vst v63  }
0x64: {  	_ =	swait.ge [sflag:s29], $0x680  }
0x65: {  	[sflag:s29] =	ssyncset.done $0x0  }
0x66: {  	s2 =	simm.s32 @!p0 $0x400;
	s10 =	rddreg [dreg:$0x16];
	[sflag:s29] =	ssyncadd.s32 $0xFFFFF980  }
0x67: {  	[spmem:s10] =	stream.linear.scatter @!p0 [tilespmem:s2], [sflag:$0x4], $0x200, $0x38;
	[tilespmem:$0x1CAA0] =	vst v63  }
0x68: {  	s2 =	simm.s32 @!p0 $0x4  }
.Ltmp3:
0x69: {  	_ =	swait.ge @!p0 [sflag:s2], $0x200;
	(pc) =	sbr.rel .LBB2_4-.Ltmp3, $4  }
0x6a: {  	[sflag:s2] =	ssyncset.done @!p0 $0x0  }
0x6b: {  	[sflag:s2] =	ssyncadd.s32 @!p0 $0xFFFFFE00  }
0x6c: {  	[bflag:$0x0] =	sbarrier.arrive $0xFFFF  }
0x6d: {  	s23 =	simm.s32 $0x0  }
.LBB2_8:
0x6e: {  	s23 =	sadd.s32 $0x1, s23  }
0x6f: {  	p1 =	sne.s32 s23, $0x62  }
.Ltmp4:
0x70: {  	_ = 	snop;
	(pc) =	sbr.rel @!p1 .LBB2_9-.Ltmp4, $1  }
0x71: {  	_ =	sdelay $0x3  }
.LBB2_4:
0x72: {  	s2 =	sshll.u32 s23, $0x5  }
0x73: {  	s2 =	sor.u32 s2, s9  }
0x74: {  	s2 =	sor.u32 s5, s2  }
0x75: {  	p1 =	sgt.u32 s2, $0xC34  }
.Ltmp5:
0x76: {  	_ = 	snop;
	(pc) =	sbr.rel @p1 .LBB2_8-.Ltmp5, $1  }
0x77: {  	_ =	sdelay $0x3  }
0x78: {  	s10 =	sshll.u32 s2, $0x6;
	s24 =	rddreg [dreg:$0x1]  }
0x79: {  	s24 =	sadd.s32 s24, s10  }
0x7a: {  	[tilespmem:s6], [sflag:$0x1] =	stream.linear.gather [hbm4b:s24+s6], $0x200, $0x38;
	[tilespmem:$0x1CAA0] =	vst v63  }
0x7b: {  	s10 =	sadd.s32 s7, s10;
	s24 =	sshll.u32 s2, $0xA  }
0x7c: {  	[tilespmem:s30], [sflag:$0x1] =	stream.linear.gather [hbm4b:s10+s6], $0x200, $0x38;
	[tilespmem:$0x1CAA0] =	vst v63  }
0x7d: {  	s2 =	sadd.s32 s8, s24  }
0x7e: {  	[tilespmem:s31], [sflag:$0x2] =	stream.linear.gather [hbm4b:s2+s6], $0x2000, $0x38;
	[tilespmem:$0x1CAA0] =	vst v63  }
0x7f: {  	_ =	swait.ge [sflag:s0], $0x200  }
0x80: {  	[sflag:s0] =	ssyncset.done $0x0  }
0x81: {  	[sflag:s0] =	ssyncadd.s32 $0xFFFFFE00  }
0x82: {  	_ =	swait.ge [sflag:s0], $0x200  }
0x83: {  	[sflag:s0] =	ssyncset.done $0x0  }
0x84: {  	[sflag:s0] =	ssyncadd.s32 $0xFFFFFE00  }
0x85: {  	[tilespmem:s28], [sflag:$0x3] =	stream.indirect.gather [hbm4b:s1+s11], $0x10, s6, s11, $0xb8;
	[tilespmem:$0x1CAA0] =	vst v63  }
0x86: {  	_ = 	snop  }
0x87: {  	[tilespmem:s12], [sflag:$0x3] =	stream.indirect.gather [hbm4b:s1+s11], $0x10, s11, s11, $0xb8;
	[tilespmem:$0x1CAA0] =	vst v63  }
0x88: {  	_ = 	snop  }
0x89: {  	[tilespmem:s14], [sflag:$0x3] =	stream.indirect.gather [hbm4b:s1+s11], $0x10, s13, s11, $0xb8;
	[tilespmem:$0x1CAA0] =	vst v63  }
0x8a: {  	_ = 	snop  }
0x8b: {  	[tilespmem:s16], [sflag:$0x3] =	stream.indirect.gather [hbm4b:s1+s11], $0x10, s15, s11, $0xb8;
	[tilespmem:$0x1CAA0] =	vst v63  }
0x8c: {  	_ =	swait.ge [sflag:s17], $0x2000  }
0x8d: {  	[sflag:s17] =	ssyncset.done $0x0  }
0x8e: {  	[sflag:s17] =	ssyncadd.s32 $0xFFFFE000  }
0x8f: {  	_ =	swait.ge [sflag:s18], $0x800  }
0x90: {  	[sflag:s18] =	ssyncset.done $0x0  }
0x91: {  	[sflag:s18] =	ssyncadd.s32 $0xFFFFF800  }
0x92: {  	_ =	swait.ge [sflag:s18], $0x800  }
0x93: {  	[sflag:s18] =	ssyncset.done $0x0  }
0x94: {  	[sflag:s18] =	ssyncadd.s32 $0xFFFFF800  }
0x95: {  	_ =	swait.ge [sflag:s18], $0x800  }
0x96: {  	[sflag:s18] =	ssyncset.done $0x0  }
0x97: {  	[sflag:s18] =	ssyncadd.s32 $0xFFFFF800  }
0x98: {  	_ =	swait.ge [sflag:s18], $0x800  }
0x99: {  	[sflag:s18] =	ssyncset.done $0x0  }
0x9a: {  	s25 =	simm.s32 $0x440;
	[sflag:s18] =	ssyncadd.s32 $0xFFFFF800  }
0x9b: {  	s26 =	simm.s32 $0x2440;
	v1 =	vld [tilespmem:s25+$0xFFFFFFC0]  }
0x9c: {  	v2 =	vld [tilespmem:s26+$0xFFFFFFC0];
	_ =	sdelay $0x4  }
0x9d: {  	v1 =	vsub.f32 v1, v2;
	_ =	sdelay $0x1  }
0x9e: {  	[tilespmem:s25+$0xFFFFFFC0] =	vst v1;
	v1 =	vld [tilespmem:s25+$0xFFFFFFD0]  }
0x9f: {  	v2 =	vld [tilespmem:s26+$0xFFFFFFD0];
	_ =	sdelay $0x4  }
0xa0: {  	v1 =	vsub.f32 v1, v2;
	_ =	sdelay $0x1  }
0xa1: {  	[tilespmem:s25+$0xFFFFFFD0] =	vst v1;
	v1 =	vld [tilespmem:s25+$0xFFFFFFE0]  }
0xa2: {  	v2 =	vld [tilespmem:s26+$0xFFFFFFE0];
	_ =	sdelay $0x4  }
0xa3: {  	v1 =	vsub.f32 v1, v2;
	_ =	sdelay $0x1  }
0xa4: {  	[tilespmem:s25+$0xFFFFFFE0] =	vst v1;
	v1 =	vld [tilespmem:s25+$0xFFFFFFF0]  }
0xa5: {  	v2 =	vld [tilespmem:s26+$0xFFFFFFF0];
	_ =	sdelay $0x4  }
0xa6: {  	v1 =	vsub.f32 v1, v2;
	_ =	sdelay $0x1  }
0xa7: {  	[tilespmem:s25+$0xFFFFFFF0] =	vst v1;
	v1 =	vld [tilespmem:s25+$0x0]  }
0xa8: {  	v2 =	vld [tilespmem:s26+$0x0];
	_ =	sdelay $0x4  }
0xa9: {  	v1 =	vsub.f32 v1, v2;
	_ =	sdelay $0x1  }
0xaa: {  	[tilespmem:s25+$0x0] =	vst v1;
	v1 =	vld [tilespmem:s25+$0x10]  }
0xab: {  	v2 =	vld [tilespmem:s26+$0x10];
	_ =	sdelay $0x4  }
0xac: {  	v1 =	vsub.f32 v1, v2;
	_ =	sdelay $0x1  }
0xad: {  	[tilespmem:s25+$0x10] =	vst v1;
	v1 =	vld [tilespmem:s25+$0x20]  }
0xae: {  	v2 =	vld [tilespmem:s26+$0x20];
	_ =	sdelay $0x4  }
0xaf: {  	v1 =	vsub.f32 v1, v2;
	_ =	sdelay $0x1  }
0xb0: {  	[tilespmem:s25+$0x20] =	vst v1;
	v1 =	vld [tilespmem:s25+$0x30]  }
0xb1: {  	v2 =	vld [tilespmem:s26+$0x30];
	_ =	sdelay $0x4  }
0xb2: {  	v1 =	vsub.f32 v1, v2  }
0xb3: {  	s10 =	simm.s32 $0x0;
	s2 =	simm.s32 $0x4C0  }
.LBB2_6:
0xb4: {  	v2 =	vld [tilespmem:s2+$0xFFFFFFC0];
	[tilespmem:s25+$0x30] =	vst v1;
	s26 =	sadd.s32 $0x80, s26;
	s25 =	smov.u32 s2  }
0xb5: {  	s10 =	sadd.s32 $0x8, s10;
	v1 =	vld [tilespmem:s26+$0xFFFFFFC0]  }
0xb6: {  	p1 =	slt.u32 s10, $0x1F8;
	_ =	sdelay $0x3  }
0xb7: {  	v1 =	vsub.f32 v2, v1;
	_ =	sdelay $0x1  }
0xb8: {  	[tilespmem:s2+$0xFFFFFFC0] =	vst v1;
	v1 =	vld [tilespmem:s2+$0xFFFFFFD0]  }
0xb9: {  	v2 =	vld [tilespmem:s26+$0xFFFFFFD0];
	_ =	sdelay $0x4  }
0xba: {  	v1 =	vsub.f32 v1, v2;
	_ =	sdelay $0x1  }
0xbb: {  	[tilespmem:s2+$0xFFFFFFD0] =	vst v1;
	v1 =	vld [tilespmem:s2+$0xFFFFFFE0]  }
0xbc: {  	v2 =	vld [tilespmem:s26+$0xFFFFFFE0];
	_ =	sdelay $0x4  }
0xbd: {  	v1 =	vsub.f32 v1, v2;
	_ =	sdelay $0x1  }
0xbe: {  	[tilespmem:s2+$0xFFFFFFE0] =	vst v1;
	v1 =	vld [tilespmem:s2+$0xFFFFFFF0]  }
0xbf: {  	v2 =	vld [tilespmem:s26+$0xFFFFFFF0];
	_ =	sdelay $0x4  }
0xc0: {  	v1 =	vsub.f32 v1, v2;
	_ =	sdelay $0x1  }
0xc1: {  	[tilespmem:s2+$0xFFFFFFF0] =	vst v1;
	v1 =	vld [tilespmem:s2+$0x0]  }
0xc2: {  	v2 =	vld [tilespmem:s26+$0x0];
	_ =	sdelay $0x4  }
0xc3: {  	v1 =	vsub.f32 v1, v2;
	_ =	sdelay $0x1  }
0xc4: {  	[tilespmem:s2+$0x0] =	vst v1;
	v1 =	vld [tilespmem:s2+$0x10]  }
0xc5: {  	v2 =	vld [tilespmem:s26+$0x10];
	_ =	sdelay $0x4  }
0xc6: {  	v1 =	vsub.f32 v1, v2;
	_ =	sdelay $0x1  }
0xc7: {  	[tilespmem:s2+$0x10] =	vst v1;
	v1 =	vld [tilespmem:s2+$0x20]  }
0xc8: {  	v2 =	vld [tilespmem:s26+$0x20];
	_ =	sdelay $0x4  }
0xc9: {  	v1 =	vsub.f32 v1, v2;
	_ =	sdelay $0x1  }
0xca: {  	[tilespmem:s2+$0x20] =	vst v1;
	v1 =	vld [tilespmem:s2+$0x30]  }
0xcb: {  	v2 =	vld [tilespmem:s26+$0x30];
	_ =	sdelay $0x1  }
.Ltmp6:
0xcc: {  	(pc) =	sbr.rel @p1 .LBB2_6-.Ltmp6, $3  }
0xcd: {  	_ =	sdelay $0x1  }
0xce: {  	v1 =	vsub.f32 v1, v2  }
0xcf: {  	s2 =	sadd.s32 $0x80, s2  }
0xd0: {  	[tilespmem:s25+$0x30] =	vst v1;
	s2 =	sadd.s32 s3, s24  }
0xd1: {  	[hbm4b:s2+s6] =	stream.linear.scatter [tilespmem:s28], [sflag:$0x2], $0x2000, $0x38;
	[tilespmem:$0x1CAA0] =	vst v63  }
0xd2: {  	_ = 	snop  }
0xd3: {  	[spmem:s4] =	stream.indirect.scatter.add.f32 [tilespmem:s28], [sflag:$0x3], $0x10, s30, s11, $0xb8;
	[tilespmem:$0x1CAA0] =	vst v63  }
0xd4: {  	_ = 	snop  }
0xd5: {  	[spmem:s4] =	stream.indirect.scatter.add.f32 [tilespmem:s12], [sflag:$0x3], $0x10, s19, s11, $0xb8;
	[tilespmem:$0x1CAA0] =	vst v63  }
0xd6: {  	_ = 	snop  }
0xd7: {  	[spmem:s4] =	stream.indirect.scatter.add.f32 [tilespmem:s14], [sflag:$0x3], $0x10, s20, s11, $0xb8;
	[tilespmem:$0x1CAA0] =	vst v63  }
0xd8: {  	_ = 	snop  }
0xd9: {  	[spmem:s4] =	stream.indirect.scatter.add.f32 [tilespmem:s16], [sflag:$0x3], $0x10, s21, s11, $0xb8;
	[tilespmem:$0x1CAA0] =	vst v63  }
0xda: {  	_ =	swait.ge [sflag:s17], $0x2000  }
0xdb: {  	[sflag:s17] =	ssyncset.done $0x0  }
0xdc: {  	[sflag:s17] =	ssyncadd.s32 $0xFFFFE000  }
0xdd: {  	_ =	swait.ge [sflag:s18], $0x800  }
0xde: {  	[sflag:s18] =	ssyncset.done $0x0  }
0xdf: {  	[sflag:s18] =	ssyncadd.s32 $0xFFFFF800  }
0xe0: {  	_ =	swait.ge [sflag:s18], $0x800  }
0xe1: {  	[sflag:s18] =	ssyncset.done $0x0  }
0xe2: {  	[sflag:s18] =	ssyncadd.s32 $0xFFFFF800  }
0xe3: {  	_ =	swait.ge [sflag:s18], $0x800  }
.Ltmp7:
0xe4: {  	[sflag:s18] =	ssyncset.done $0x0;
	(pc) =	sbr.rel .LBB2_8-.Ltmp7, $4  }
0xe5: {  	[sflag:s18] =	ssyncadd.s32 $0xFFFFF800  }
0xe6: {  	_ =	swait.ge [sflag:s18], $0x800  }
0xe7: {  	[sflag:s18] =	ssyncset.done $0x0  }
0xe8: {  	[sflag:s18] =	ssyncadd.s32 $0xFFFFF800  }
.LBB2_10:
0xe9: {  	_ =	sfence.sel $0x180000  }
0xea: {  	[bflag:$0x0] =	sbarrier.arrive $0xFFFF  }
0xeb: {  	_ =	strace $0x9000004A  }
0xec: {  	[bflag:$0x2] =	sbarrier.arrive $0xFFFF  }
0xed: {  	p0 =	sne.s32 s5, $0x0;
	s0 =	rddreg [dreg:$0x5]  }
0xee: {  	s0 =	sadd.s32 @!p0 $0x100000, s0  }
0xef: {  	[sflag:s0] =	ssyncadd.tile.s32 @!p0 $0x1;
	_ =	shalt  }
.Lfunc_end2:
_tile_overlayer_lowered:
.L_overlay_start_2:
0xf0: {  	(tag) =	ssettag $0x2  }
0xf1: {  	s0 =	rddreg [dreg:$0x0];
	s2 =	stileid.u32  }
0xf2: {  	s1 =	rddreg [dreg:$0x1];
	p0 =	sne.s32 s2, $0x0  }
0xf3: {  	s3 =	rddreg [dreg:$0x2];
	[bflag:$0x3] =	sbarrier.arrive $0xFFFF;
	s2 =	simm.s32 @!p0 $0x1C04  }
0xf4: {  	[timem:s3], [sflag:s2] =	dma.local @!p0 [hbm:s0], s1  }
0xf5: {  	s0 =	simm.s32 @!p0 $0x4  }
0xf6: {  	_ =	swait.ge @!p0 [sflag:s0], s1  }
0xf7: {  	s1 =	ssub.s32 @!p0 $0x0, s1;
	[sflag:s0] =	ssyncset.done @!p0 $0x0  }
0xf8: {  	[sflag:s0] =	ssyncadd.s32 @!p0 s1  }
0xf9: {  	[bflag:$0x3] =	sbarrier.arrive $0xFFFF  }
0xfa: {  	_ =	shalt  }

// kernel: sparse-core-data-format-call.1.cloned.1.call-start
scs
called_computation.1_lowered:
.L_overlay_start_0:
0x0: {  	s2 =	sld [smem:$0x3FD9]  }
0x1: {  	s3 =	sld [smem:$0x3FFE];
	_ =	sdelay $0x1  }
0x2: {  	s1 =	srdreg.scid  }
0x3: {  	s0 =	sand.u32 $0x1, s1  }
0x4: {  	s16 =	sshll.u32 s0, $0xA;
	s2 =	sadd.s32 s3, s2  }
0x5: {  	s2 =	sadd.s32 s2, s16  }
0x6: {  	[smem:$0x3FC0] =	sst s2  }
0x7: {  	_ = 	snop  }
0x8: {  	s2 =	sld [smem:$0x3FD0];
	_ =	sdelay $0x2  }
0x9: {  	s17 =	simm.s32 $0xB;
	s4 =	simm.s32 $0x10  }
0xa: {  	[smem:s4], [sflag:s17] =	dma.local [hbm:s2], $0x1  }
0xb: {  	_ =	swait.eq [sflag:s17], $0x1  }
0xc: {  	[sflag:s17] =	ssyncset.done $0x0  }
0xd: {  	[sflag:s17] =	ssyncadd.s32 $0xFFFFFFFF  }
0xe: {  	s18 =	sld [smem:$0x10];
	(tm) =	ssettm $0x1  }
0xf: {  	s19 =	sld [smem:$0x3FFB];
	_ =	sdelay $0x3  }
0x10: {  	_ =	strace s19  }
0x11: {  	s2 =	sld [smem:$0x3FFC];
	_ =	sdelay $0x3  }
0x12: {  	_ =	strace s2  }
0x13: {  	s2 =	sld [smem:$0x3FFD];
	_ =	sdelay $0x3  }
0x14: {  	_ =	strace s2  }
0x15: {  	_ =	strace $0x8FFFFFFF  }
0x16: {  	s20 =	sld [smem:$0x3FDB];
	_ =	sdelay $0x1  }
0x17: {  	s21 =	simm.s32 $_scs_section_size  }
0x18: {  	s5 =	simm.s32 $_size__tile_overlayer_lowered;
	s6 =	simm.s32 $_tile_overlayer_lowered  }
0x19: {  	s7 =	simm.s32 $0x1BFF;
	s22 =	sshll.u32 s6, $0x1;
	s4 =	sadd.s32 s21, s20  }
0x1a: {  	s23 =	simm.s32 $0x0;
	s5 =	sshll.u32 s5, $0x1;
	s6 =	sadd.s32 s22, s4  }
0x1b: {  	[timem:s23], [sflag:s7] =	dma.local [hbm:s6], s5  }
0x1c: {  	_ =	swait.ge [sflag:s7], s5  }
0x1d: {  	s5 =	ssub.s32 $0x0, s5;
	[sflag:s7] =	ssyncset.done $0x0  }
0x1e: {  	[sflag:s7] =	ssyncadd.s32 s5;
	_ =	sdelay $0x1  }
0x1f: {  	s24 =	simm.s32 $0x1B8B  }
0x20: {  	_ =	swait.ge [sflag:s24], $0x1  }
0x21: {  	[sflag:s24] =	ssyncset.done $0x0  }
0x22: {  	[sflag:s24] =	ssyncadd.s32 $0xFFFFFFFF  }
0x23: {  	s5 =	sld [smem:$0x0]  }
0x24: {  	s6 =	sand.u32 $0xFFFFFFFE, s1  }
0x25: {  	p0 =	sne.s32 s1, s6  }
0x26: {  	s6 =	sshll.u32 @p0 s6, $0xE  }
0x27: {  	s6 =	sadd.s32 @p0 $0x11B8D, s6;
	s7 =	sshll.u32 @p0 s5, $0x11  }
0x28: {  	s6 =	sor.u32 @p0 s7, s6  }
0x29: {  	[sflag:s6] =	ssyncadd.remote.s32 @p0 $0x1;
	_ =	sdelay $0x1  }
0x2a: {  	s6 =	simm.s32 @p0 $0x1B8D  }
0x2b: {  	_ =	swait.eq @p0 [sflag:s6], $0x1  }
0x2c: {  	[sflag:s6] =	ssyncadd.s32 @p0 $0xFFFFFFFF  }
0x2d: {  	s7 =	sshll.u32 @!p0 s1, $0xE  }
0x2e: {  	s7 =	sor.u32 @!p0 $0x4000, s7;
	s6 =	simm.s32 @!p0 $0x1B8D  }
0x2f: {  	s5 =	sshll.u32 @!p0 s5, $0x11;
	s7 =	sadd.s32 @!p0 $0x11B8D, s7;
	_ =	swait.eq @!p0 [sflag:s6], $0x1  }
0x30: {  	s5 =	sor.u32 @!p0 s5, s7;
	[sflag:s6] =	ssyncadd.s32 @!p0 $0xFFFFFFFF  }
0x31: {  	s26 =	simm.s32 $0x1B8E;
	s25 =	sld [smem:$0x3FFE];
	[sflag:s5] =	ssyncadd.remote.s32 @!p0 $0x1  }
0x32: {  	s27 =	simm.s32 $execute0_lowered;
	[smem:$0x3FD2] =	sst s26  }
0x33: {  	s6 =	sshll.u32 s27, $0x1;
	_ =	strace $0x8000004F;
	[dreg:$0x1] =	wrdreg $0xFFFFFFFF  }
0x34: {  	s28 =	simm.s32 $_size_execute0_lowered;
	s4 =	sadd.s32 s4, s6;
	[dreg:$0x0] =	wrdreg $0x0  }
0x35: {  	s6 =	sshll.u32 s28, $0x1;
	[dreg:$0x2] =	wrdreg s4  }
0x36: {  	[dreg:$0x3] =	wrdreg s6  }
0x37: {  	[dreg:$0x4] =	wrdreg $0xC0  }
0x38: {  	_ =	task [dreg:s23], $0x5FFFF  }
0x39: {  	[dreg:$0x1] =	wrdreg $0xFFFFFFFF  }
0x3a: {  	[dreg:$0x0] =	wrdreg $0x60  }
0x3b: {  	[dreg:$0x2] =	wrdreg s25  }
0x3c: {  	[dreg:$0x3] =	wrdreg s18  }
0x3d: {  	[dreg:$0x4] =	wrdreg $0xA  }
0x3e: {  	_ =	task.clear_ibuf [dreg:s23], $0x5FFFF;
	_ =	strace $0x9000004F  }
0x3f: {  	s29 =	simm.s32 $0xA;
	_ =	strace $0x80000051  }
0x40: {  	_ =	swait.ge [sflag:s29], $0x1  }
0x41: {  	[sflag:s29] =	ssyncadd.s32 $0xFFFFFFFF  }
0x42: {  	_ =	strace $0x90000051  }
0x43: {  	_ =	sfence  }
0x44: {  	s30 =	sld [smem:$0x0];
	_ =	sdelay $0x2  }
0x45: {  	s31 =	sshll.u32 s1, $0xD;
	s1 =	sshrl.u32 s1, $0x2  }
0x46: {  	s4 =	sand.u32 $0x4000, s31;
	s1 =	sadd.s32 s1, s30  }
0x47: {  	s0 =	sor.u32 s4, s0;
	s1 =	sshll.u32 s1, $0x11  }
0x48: {  	s0 =	sor.u32 s1, s0  }
0x49: {  	s0 =	sadd.s32 $0x8F2B, s0  }
0x4a: {  	[sflag:s0] =	ssyncadd.remote.s32 $0x1  }
0x4b: {  	_ =	sfence.sel $0xFFFF  }
0x4c: {  	[dreg:$0x0] =	wrdreg $0xFFFFFFFF;
	(pc) =	sbr.abs _section_cstart, $3  }
0x4d: {  	[dreg:$0x1] =	wrdreg $0xFFFFFFFF  }
0x4e: {  	_ =	task.clear_ibuf [dreg:s23], $0x2FFFF;
	_ =	strace $0x9FFFFFFF  }
0x4f: {  	(tm) =	ssettm $0x7FFFFFFF  }
tec
execute0_lowered:
.L_overlay_start_1:
0x0: {  	(tag) =	ssettag $0x1  }
0x1: {  	s0 =	srdreg.scid  }
0x2: {  	s1 =	sshll.u32 s0, $0x4  }
0x3: {  	s4 =	rddreg [dreg:$0x0];
	s0 =	stileid.u32;
	s1 =	sand.u32 $0x10, s1  }
0x4: {  	s2 =	rddreg [dreg:$0x1];
	s7 =	simm.s32 $0x1;
	s1 =	sor.u32 s0, s1  }
0x5: {  	s8 =	simm.s32 $0x2;
	s11 =	simm.s32 $0x0;
	s3 =	sshll.u32 s1, $0x7  }
0x6: {  	s10 =	simm.s32 $0x0;
	s4 =	sadd.s32 $0x1C0C400, s4;
	s6 =	ssub.s32 $0x186A00, s3  }
.Ltmp0:
0x7: {  	s1 =	rddreg [dreg:$0x2];
	s5 =	sand.u32 $0xF80, s6;
	(pc) =	sbr.rel .LBB1_1-.Ltmp0, $4  }
0x8: {  	_ =	strace $0x80000050;
	s9 =	smov.u32 s3;
	p0 =	sne.s32 s5, $0x0  }
0x9: {  	s6 =	sshrl.u32 s6, $0xC;
	s5 =	simm.s32 $0x1;
	s7 =	simm.s32 @!p0 $0x0  }
0xa: {  	[sflag:s5] =	ssyncpa.u1 $0x0;
	p0 =	por $0x0, $0x0;
	s6 =	sadd.s32 s7, s6  }
0xb: {  	[sflag:s8] =	ssyncpa.u1 $0x0;
	s8 =	simm.s32 $0xC35000;
	s7 =	sadd.s32 $0x1, s6  }
.LBB1_4:
0xc: {  	s14 =	sshll.u32 s11, $0x3  }
0xd: {  	s14 =	sand.u32 $0xFFFFFC00, s14  }
0xe: {  	s15 =	sshrl.u32 s14, $0x9  }
0xf: {  	s15 =	smulhi.u32 $0xA7C5AD, s15;
	_ =	sdelay $0x1  }
0x10: {  	s15 =	sshrl.u32 s15, $0x3  }
0x11: {  	s28 =	sand.u32 $0x7F, s11;
	s16 =	smul.u32 $0x186A00, s15  }
0x12: {  	[tilespmem:s12+$0xFFFFFFFC ss:$0x81] =	vst.msk $0xffff, v0;
	s11 =	sor.u32 s28, s14  }
0x13: {  	[tilespmem:s12+$0xFFFFFFFD ss:$0x81] =	vst.msk $0xffff, v3;
	s29 =	sand.u32 $0xF, s15;
	s11 =	ssub.s32 s11, s16  }
0x14: {  	[tilespmem:s12+$0xFFFFFFFE ss:$0x81] =	vst.msk $0xffff, v1;
	s14 =	smul.u32 $0x30D40, s29;
	s30 =	sshrl.u32 s11, $0x3;
	s11 =	sand.u32 $0x7, s11  }
0x15: {  	[tilespmem:s12+$0xFFFFFFFF ss:$0x81] =	vst.msk $0xffff, v4;
	s15 =	sadd.s32 s2, s30;
	s11 =	sshll.u32 s11, $0x12  }
0x16: {  	[tilespmem:s12+$0xFFFFFFF9 ss:$0x81] =	vst.msk $0xffff, v2;
	s31 =	sadd.s32 s14, s15;
	s11 =	sor.u32 $0x400, s11  }
0x17: {  	[hbm4b:s31+s11] =	stream.strided.scatter [tilespmem:s13], [sflag:$0x2], $0x800, s8, s11, $0x20;
	[tilespmem:$0x2020] =	vst v63  }
.LBB1_5:
0x18: {  	s13 =	sadd.s32 $0x1000, s9  }
0x19: {  	p2 =	sgt.s32 s13, $0x1869FF  }
0x1a: {  	s13 =	smov.u32 @p2 s3;
	p2 =	sne.s32 s10, s7  }
.Ltmp1:
0x1b: {  	p1 =	slt.u32 s10, $0x2;
	(pc) =	sbr.rel @!p2 .LBB1_6-.Ltmp1, $4  }
0x1c: {  	s12 =	simm.s32 @!p1 $0x2  }
0x1d: {  	s14 =	sadd.s32 $0x1, s10;
	_ =	swait.ge @!p1 [sflag:s12], $0x800  }
0x1e: {  	s11 =	smov.u32 s9;
	p0 =	por !p0, !p0;
	[sflag:s12] =	ssyncset.done @!p1 $0x0  }
0x1f: {  	s10 =	smov.u32 s14;
	s9 =	smov.u32 s13;
	[sflag:s12] =	ssyncadd.s32 @!p1 $0xFFFFF800  }
.LBB1_1:
0x20: {  	p1 =	sge.u32 s10, s6  }
0x21: {  	s12 =	sand.u32 @!p1 $0x1FFFFFF, s9  }
0x22: {  	s13 =	smulhi.u32 @!p1 $0x14F8B59, s12;
	_ =	sdelay $0x1  }
0x23: {  	s13 =	sshrl.u32 @!p1 s13, $0xD  }
0x24: {  	s13 =	smul.u32 @!p1 $0x186A00, s13;
	_ =	sdelay $0x1  }
0x25: {  	s31 =	sadd.s32 $0xFFFFFFFF, s10;
	s14 =	sxor.u32 @!p1 $0xFFFFFFFF, s10;
	s12 =	ssub.s32 @!p1 s12, s13  }
0x26: {  	s15 =	simm.s32 @!p1 $0x80;
	s14 =	sshll.u32 @!p1 s14, $0xB;
	s12 =	sshll.u32 @!p1 s12, $0x4  }
0x27: {  	s13 =	sand.u32 @!p1 $0x800, s14;
	s14 =	simm.s32 @!p1 $0x10;
	s12 =	sadd.s32 @!p1 s4, s12  }
0x28: {  	[tilespmem:s13], [sflag:$0x1] =	stream.strided.gather @!p1 [hbm4b:s12+s14], $0x800, s15, s14, $0x38;
	[tilespmem:$0x2020] =	vst v63  }
0x29: {  	p1 =	sge.u32 s31, s6  }
.Ltmp2:
0x2a: {  	_ = 	snop;
	(pc) =	sbr.rel @p1 .LBB1_5-.Ltmp2, $1  }
0x2b: {  	_ =	sdelay $0x3  }
0x2c: {  	s12 =	simm.s32 $0x1  }
0x2d: {  	_ =	swait.ge [sflag:s5], $0x800;
	s12 =	simm.s32 @!p0 $0x0  }
0x2e: {  	[sflag:s5] =	ssyncset.done $0x0;
	s13 =	sshll.u32 s12, $0xB  }
0x2f: {  	[sflag:s5] =	ssyncadd.s32 $0xFFFFF800;
	s15 =	sor.u32 $0x40, s13  }
0x30: {  	v2 =	vld [tilespmem:s15+$0x30]  }
0x31: {  	s12 =	smul.u32 $0x2040, s12;
	v4 =	vld [tilespmem:s15+$0xFFFFFFD0]  }
0x32: {  	v5 =	vld [tilespmem:s15+$0xFFFFFFE0]  }
0x33: {  	s31 =	sand.u32 $0x1, s10;
	s12 =	sshrl.u32 s12, $0x2;
	v0 =	vld [tilespmem:s15+$0xFFFFFFF0]  }
0x34: {  	s13 =	smul.u32 $0x2040, s31;
	v3 =	vld [tilespmem:s15+$0x0];
	s12 =	sor.u32 $0x1007, s12  }
0x35: {  	v1 =	vld [tilespmem:s15+$0x10];
	[tilespmem:s12+$0x0 ss:$0x81] =	vst.msk $0xffff, v2  }
0x36: {  	s13 =	sshrl.u32 s13, $0x2;
	[tilespmem:s12+$0xFFFFFFFA ss:$0x81] =	vst.msk $0xffff, v4;
	v4 =	vld [tilespmem:s15+$0x20]  }
0x37: {  	s14 =	simm.s32 $0x0;
	s13 =	sor.u32 $0x1000, s13;
	v2 =	vld [tilespmem:s15+$0xFFFFFFC0];
	[tilespmem:s12+$0xFFFFFFFB ss:$0x81] =	vst.msk $0xffff, v5;
	s15 =	sadd.s32 $0x80, s15  }
.LBB1_3:
0x38: {  	v5 =	vld [tilespmem:s15+$0x30];
	s14 =	sadd.s32 $0x8, s14;
	[tilespmem:s12+$0xFFFFFFFC ss:$0x81] =	vst.msk $0xffff, v0  }
0x39: {  	v6 =	vld [tilespmem:s15+$0xFFFFFFD0];
	p1 =	slt.u32 s14, $0x78;
	[tilespmem:s12+$0xFFFFFFFD ss:$0x81] =	vst.msk $0xffff, v3  }
0x3a: {  	v7 =	vld [tilespmem:s15+$0xFFFFFFE0];
	[tilespmem:s12+$0xFFFFFFFE ss:$0x81] =	vst.msk $0xffff, v1  }
.Ltmp3:
0x3b: {  	v0 =	vld [tilespmem:s15+$0xFFFFFFF0];
	[tilespmem:s12+$0xFFFFFFFF ss:$0x81] =	vst.msk $0xffff, v4;
	(pc) =	sbr.rel @p1 .LBB1_3-.Ltmp3, $4  }
0x3c: {  	v3 =	vld [tilespmem:s15+$0x0];
	[tilespmem:s12+$0xFFFFFFF9 ss:$0x81] =	vst.msk $0xffff, v2;
	s12 =	sadd.s32 $0x8, s12  }
0x3d: {  	v1 =	vld [tilespmem:s15+$0x10];
	[tilespmem:s12+$0x0 ss:$0x81] =	vst.msk $0xffff, v5  }
0x3e: {  	[tilespmem:s12+$0xFFFFFFFA ss:$0x81] =	vst.msk $0xffff, v6;
	v4 =	vld [tilespmem:s15+$0x20]  }
0x3f: {  	v2 =	vld [tilespmem:s15+$0xFFFFFFC0];
	[tilespmem:s12+$0xFFFFFFFB ss:$0x81] =	vst.msk $0xffff, v7;
	s15 =	sadd.s32 $0x80, s15  }
.Ltmp4:
0x40: {  	_ = 	snop;
	(pc) =	sbr.rel .LBB1_4-.Ltmp4, $1  }
0x41: {  	_ =	sdelay $0x3  }
.LBB1_6:
0x42: {  	_ =	sfence.sel $0x180000  }
0x43: {  	s2 =	simm.s32 $0x1;
	[bflag:$0x0] =	sbarrier.arrive $0xFFFF  }
0x44: {  	s31 =	simm.s32 $0x2;
	[sflag:s2] =	ssyncpa.u1 $0x1  }
0x45: {  	[sflag:s31] =	ssyncpa.u1 $0x1  }
0x46: {  	p0 =	sne.s32 s0, $0x0;
	_ =	strace $0x90000050  }
0x47: {  	s0 =	sadd.s32 @!p0 $0x100000, s1;
	[bflag:$0x2] =	sbarrier.arrive $0xFFFF  }
0x48: {  	[sflag:s0] =	ssyncadd.tile.s32 @!p0 $0x1;
	_ =	shalt  }
.Lfunc_end1:
_tile_overlayer_lowered:
.L_overlay_start_2:
0x49: {  	(tag) =	ssettag $0x2  }
0x4a: {  	s0 =	rddreg [dreg:$0x0];
	s2 =	stileid.u32  }
0x4b: {  	s1 =	rddreg [dreg:$0x1];
	p0 =	sne.s32 s2, $0x0  }
0x4c: {  	s3 =	rddreg [dreg:$0x2];
	[bflag:$0x3] =	sbarrier.arrive $0xFFFF;
	s2 =	simm.s32 @!p0 $0x1C01  }
0x4d: {  	[timem:s3], [sflag:s2] =	dma.local @!p0 [hbm:s0], s1  }
0x4e: {  	s0 =	simm.s32 @!p0 $0x1  }
0x4f: {  	_ =	swait.ge @!p0 [sflag:s0], s1  }
0x50: {  	s1 =	ssub.s32 @!p0 $0x0, s1;
	[sflag:s0] =	ssyncset.done @!p0 $0x0  }
0x51: {  	[sflag:s0] =	ssyncadd.s32 @!p0 s1  }
0x52: {  	[bflag:$0x3] =	sbarrier.arrive $0xFFFF  }
0x53: {  	_ =	shalt  }

// kernel: sparse-core-data-format-call.cloned.1.call-start
scs
called_computation_lowered:
.L_overlay_start_0:
0x0: {  	s2 =	sld [smem:$0x3FD9]  }
0x1: {  	s3 =	sld [smem:$0x3FFE];
	_ =	sdelay $0x1  }
0x2: {  	s1 =	srdreg.scid  }
0x3: {  	s0 =	sand.u32 $0x1, s1  }
0x4: {  	s16 =	sshll.u32 s0, $0xA;
	s2 =	sadd.s32 s3, s2  }
0x5: {  	s2 =	sadd.s32 s2, s16  }
0x6: {  	[smem:$0x3FC0] =	sst s2  }
0x7: {  	_ = 	snop  }
0x8: {  	s2 =	sld [smem:$0x3FD0];
	_ =	sdelay $0x2  }
0x9: {  	s17 =	simm.s32 $0xB;
	s4 =	simm.s32 $0x10  }
0xa: {  	[smem:s4], [sflag:s17] =	dma.local [hbm:s2], $0x1  }
0xb: {  	_ =	swait.eq [sflag:s17], $0x1  }
0xc: {  	[sflag:s17] =	ssyncset.done $0x0  }
0xd: {  	[sflag:s17] =	ssyncadd.s32 $0xFFFFFFFF  }
0xe: {  	s18 =	sld [smem:$0x11];
	(tm) =	ssettm $0x1  }
0xf: {  	s19 =	sld [smem:$0x3FFB];
	_ =	sdelay $0x3  }
0x10: {  	_ =	strace s19  }
0x11: {  	s2 =	sld [smem:$0x3FFC];
	_ =	sdelay $0x3  }
0x12: {  	_ =	strace s2  }
0x13: {  	s2 =	sld [smem:$0x3FFD];
	_ =	sdelay $0x3  }
0x14: {  	_ =	strace s2  }
0x15: {  	_ =	strace $0x8FFFFFFF  }
0x16: {  	s20 =	sld [smem:$0x3FDB];
	_ =	sdelay $0x1  }
0x17: {  	s21 =	simm.s32 $_scs_section_size  }
0x18: {  	s5 =	simm.s32 $_size__tile_overlayer_lowered;
	s6 =	simm.s32 $_tile_overlayer_lowered  }
0x19: {  	s7 =	simm.s32 $0x1BFF;
	s22 =	sshll.u32 s6, $0x1;
	s4 =	sadd.s32 s21, s20  }
0x1a: {  	s23 =	simm.s32 $0x0;
	s5 =	sshll.u32 s5, $0x1;
	s6 =	sadd.s32 s22, s4  }
0x1b: {  	[timem:s23], [sflag:s7] =	dma.local [hbm:s6], s5  }
0x1c: {  	_ =	swait.ge [sflag:s7], s5  }
0x1d: {  	s5 =	ssub.s32 $0x0, s5;
	[sflag:s7] =	ssyncset.done $0x0  }
0x1e: {  	[sflag:s7] =	ssyncadd.s32 s5;
	_ =	sdelay $0x1  }
0x1f: {  	s24 =	simm.s32 $0x1B8B  }
0x20: {  	_ =	swait.ge [sflag:s24], $0x1  }
0x21: {  	[sflag:s24] =	ssyncset.done $0x0  }
0x22: {  	[sflag:s24] =	ssyncadd.s32 $0xFFFFFFFF  }
0x23: {  	s5 =	sld [smem:$0x0]  }
0x24: {  	s6 =	sand.u32 $0xFFFFFFFE, s1  }
0x25: {  	p0 =	sne.s32 s1, s6  }
0x26: {  	s6 =	sshll.u32 @p0 s6, $0xE  }
0x27: {  	s6 =	sadd.s32 @p0 $0x11B8D, s6;
	s7 =	sshll.u32 @p0 s5, $0x11  }
0x28: {  	s6 =	sor.u32 @p0 s7, s6  }
0x29: {  	[sflag:s6] =	ssyncadd.remote.s32 @p0 $0x1;
	_ =	sdelay $0x1  }
0x2a: {  	s6 =	simm.s32 @p0 $0x1B8D  }
0x2b: {  	_ =	swait.eq @p0 [sflag:s6], $0x1  }
0x2c: {  	[sflag:s6] =	ssyncadd.s32 @p0 $0xFFFFFFFF  }
0x2d: {  	s7 =	sshll.u32 @!p0 s1, $0xE  }
0x2e: {  	s7 =	sor.u32 @!p0 $0x4000, s7;
	s6 =	simm.s32 @!p0 $0x1B8D  }
0x2f: {  	s5 =	sshll.u32 @!p0 s5, $0x11;
	s7 =	sadd.s32 @!p0 $0x11B8D, s7;
	_ =	swait.eq @!p0 [sflag:s6], $0x1  }
0x30: {  	s5 =	sor.u32 @!p0 s5, s7;
	[sflag:s6] =	ssyncadd.s32 @!p0 $0xFFFFFFFF  }
0x31: {  	s26 =	simm.s32 $0x1B8E;
	s25 =	sld [smem:$0x3FFE];
	[sflag:s5] =	ssyncadd.remote.s32 @!p0 $0x1  }
0x32: {  	s27 =	simm.s32 $execute0_lowered;
	[smem:$0x3FD2] =	sst s26  }
0x33: {  	s6 =	sshll.u32 s27, $0x1;
	_ =	strace $0x8000004C;
	[dreg:$0x1] =	wrdreg $0xFFFFFFFF  }
0x34: {  	s28 =	simm.s32 $_size_execute0_lowered;
	s4 =	sadd.s32 s4, s6;
	[dreg:$0x0] =	wrdreg $0x0  }
0x35: {  	s6 =	sshll.u32 s28, $0x1;
	[dreg:$0x2] =	wrdreg s4  }
0x36: {  	[dreg:$0x3] =	wrdreg s6  }
0x37: {  	[dreg:$0x4] =	wrdreg $0xC0  }
0x38: {  	_ =	task [dreg:s23], $0x5FFFF  }
0x39: {  	[dreg:$0x1] =	wrdreg $0xFFFFFFFF  }
0x3a: {  	[dreg:$0x0] =	wrdreg $0x60  }
0x3b: {  	[dreg:$0x2] =	wrdreg s25  }
0x3c: {  	[dreg:$0x3] =	wrdreg s18  }
0x3d: {  	[dreg:$0x4] =	wrdreg $0x9  }
0x3e: {  	_ =	task.clear_ibuf [dreg:s23], $0x5FFFF;
	_ =	strace $0x9000004C  }
0x3f: {  	s29 =	simm.s32 $0x9;
	_ =	strace $0x8000004E  }
0x40: {  	_ =	swait.ge [sflag:s29], $0x1  }
0x41: {  	[sflag:s29] =	ssyncadd.s32 $0xFFFFFFFF  }
0x42: {  	_ =	strace $0x9000004E  }
0x43: {  	_ =	sfence  }
0x44: {  	s30 =	sld [smem:$0x0];
	_ =	sdelay $0x2  }
0x45: {  	s31 =	sshll.u32 s1, $0xD;
	s1 =	sshrl.u32 s1, $0x2  }
0x46: {  	s4 =	sand.u32 $0x4000, s31;
	s1 =	sadd.s32 s1, s30  }
0x47: {  	s0 =	sor.u32 s4, s0;
	s1 =	sshll.u32 s1, $0x11  }
0x48: {  	s0 =	sor.u32 s1, s0  }
0x49: {  	s0 =	sadd.s32 $0x8F2B, s0  }
0x4a: {  	[sflag:s0] =	ssyncadd.remote.s32 $0x1  }
0x4b: {  	_ =	sfence.sel $0xFFFF  }
0x4c: {  	[dreg:$0x0] =	wrdreg $0xFFFFFFFF;
	(pc) =	sbr.abs _section_cstart, $3  }
0x4d: {  	[dreg:$0x1] =	wrdreg $0xFFFFFFFF  }
0x4e: {  	_ =	task.clear_ibuf [dreg:s23], $0x2FFFF;
	_ =	strace $0x9FFFFFFF  }
0x4f: {  	(tm) =	ssettm $0x7FFFFFFF  }
tec
execute0_lowered:
.L_overlay_start_1:
0x0: {  	(tag) =	ssettag $0x1  }
0x1: {  	s0 =	srdreg.scid  }
0x2: {  	s1 =	sshll.u32 s0, $0x4  }
0x3: {  	s4 =	rddreg [dreg:$0x0];
	s0 =	stileid.u32;
	s1 =	sand.u32 $0x10, s1  }
0x4: {  	s2 =	rddreg [dreg:$0x1];
	s7 =	simm.s32 $0x1;
	s1 =	sor.u32 s0, s1  }
0x5: {  	s8 =	simm.s32 $0x2;
	s11 =	simm.s32 $0x0;
	s3 =	sshll.u32 s1, $0x7  }
0x6: {  	s10 =	simm.s32 $0x0;
	s4 =	sadd.s32 $0x3A2400, s4;
	s6 =	ssub.s32 $0x186A00, s3  }
.Ltmp0:
0x7: {  	s1 =	rddreg [dreg:$0x2];
	s5 =	sand.u32 $0xF80, s6;
	(pc) =	sbr.rel .LBB1_1-.Ltmp0, $4  }
0x8: {  	_ =	strace $0x8000004D;
	s9 =	smov.u32 s3;
	p0 =	sne.s32 s5, $0x0  }
0x9: {  	s6 =	sshrl.u32 s6, $0xC;
	s5 =	simm.s32 $0x1;
	s7 =	simm.s32 @!p0 $0x0  }
0xa: {  	[sflag:s5] =	ssyncpa.u1 $0x0;
	p0 =	por $0x0, $0x0;
	s6 =	sadd.s32 s7, s6  }
0xb: {  	[sflag:s8] =	ssyncpa.u1 $0x0;
	s8 =	simm.s32 $0xC35000;
	s7 =	sadd.s32 $0x1, s6  }
.LBB1_4:
0xc: {  	s14 =	sshll.u32 s11, $0x3  }
0xd: {  	s14 =	sand.u32 $0xFFFFFC00, s14  }
0xe: {  	s15 =	sshrl.u32 s14, $0x9  }
0xf: {  	s15 =	smulhi.u32 $0xA7C5AD, s15;
	_ =	sdelay $0x1  }
0x10: {  	s15 =	sshrl.u32 s15, $0x3  }
0x11: {  	s28 =	sand.u32 $0x7F, s11;
	s16 =	smul.u32 $0x186A00, s15  }
0x12: {  	[tilespmem:s12+$0xFFFFFFFC ss:$0x81] =	vst.msk $0xffff, v0;
	s11 =	sor.u32 s28, s14  }
0x13: {  	[tilespmem:s12+$0xFFFFFFFD ss:$0x81] =	vst.msk $0xffff, v3;
	s29 =	sand.u32 $0xF, s15;
	s11 =	ssub.s32 s11, s16  }
0x14: {  	[tilespmem:s12+$0xFFFFFFFE ss:$0x81] =	vst.msk $0xffff, v1;
	s14 =	smul.u32 $0x30D40, s29;
	s30 =	sshrl.u32 s11, $0x3;
	s11 =	sand.u32 $0x7, s11  }
0x15: {  	[tilespmem:s12+$0xFFFFFFFF ss:$0x81] =	vst.msk $0xffff, v4;
	s15 =	sadd.s32 s2, s30;
	s11 =	sshll.u32 s11, $0x12  }
0x16: {  	[tilespmem:s12+$0xFFFFFFF9 ss:$0x81] =	vst.msk $0xffff, v2;
	s31 =	sadd.s32 s14, s15;
	s11 =	sor.u32 $0x400, s11  }
0x17: {  	[hbm4b:s31+s11] =	stream.strided.scatter [tilespmem:s13], [sflag:$0x2], $0x800, s8, s11, $0x20;
	[tilespmem:$0x2020] =	vst v63  }
.LBB1_5:
0x18: {  	s13 =	sadd.s32 $0x1000, s9  }
0x19: {  	p2 =	sgt.s32 s13, $0x1869FF  }
0x1a: {  	s13 =	smov.u32 @p2 s3;
	p2 =	sne.s32 s10, s7  }
.Ltmp1:
0x1b: {  	p1 =	slt.u32 s10, $0x2;
	(pc) =	sbr.rel @!p2 .LBB1_6-.Ltmp1, $4  }
0x1c: {  	s12 =	simm.s32 @!p1 $0x2  }
0x1d: {  	s14 =	sadd.s32 $0x1, s10;
	_ =	swait.ge @!p1 [sflag:s12], $0x800  }
0x1e: {  	s11 =	smov.u32 s9;
	p0 =	por !p0, !p0;
	[sflag:s12] =	ssyncset.done @!p1 $0x0  }
0x1f: {  	s10 =	smov.u32 s14;
	s9 =	smov.u32 s13;
	[sflag:s12] =	ssyncadd.s32 @!p1 $0xFFFFF800  }
.LBB1_1:
0x20: {  	p1 =	sge.u32 s10, s6  }
0x21: {  	s12 =	sand.u32 @!p1 $0x1FFFFFF, s9  }
0x22: {  	s13 =	smulhi.u32 @!p1 $0x14F8B59, s12;
	_ =	sdelay $0x1  }
0x23: {  	s13 =	sshrl.u32 @!p1 s13, $0xD  }
0x24: {  	s13 =	smul.u32 @!p1 $0x186A00, s13;
	_ =	sdelay $0x1  }
0x25: {  	s31 =	sadd.s32 $0xFFFFFFFF, s10;
	s14 =	sxor.u32 @!p1 $0xFFFFFFFF, s10;
	s12 =	ssub.s32 @!p1 s12, s13  }
0x26: {  	s15 =	simm.s32 @!p1 $0x80;
	s14 =	sshll.u32 @!p1 s14, $0xB;
	s12 =	sshll.u32 @!p1 s12, $0x4  }
0x27: {  	s13 =	sand.u32 @!p1 $0x800, s14;
	s14 =	simm.s32 @!p1 $0x10;
	s12 =	sadd.s32 @!p1 s4, s12  }
0x28: {  	[tilespmem:s13], [sflag:$0x1] =	stream.strided.gather @!p1 [hbm4b:s12+s14], $0x800, s15, s14, $0x38;
	[tilespmem:$0x2020] =	vst v63  }
0x29: {  	p1 =	sge.u32 s31, s6  }
.Ltmp2:
0x2a: {  	_ = 	snop;
	(pc) =	sbr.rel @p1 .LBB1_5-.Ltmp2, $1  }
0x2b: {  	_ =	sdelay $0x3  }
0x2c: {  	s12 =	simm.s32 $0x1  }
0x2d: {  	_ =	swait.ge [sflag:s5], $0x800;
	s12 =	simm.s32 @!p0 $0x0  }
0x2e: {  	[sflag:s5] =	ssyncset.done $0x0;
	s13 =	sshll.u32 s12, $0xB  }
0x2f: {  	[sflag:s5] =	ssyncadd.s32 $0xFFFFF800;
	s15 =	sor.u32 $0x40, s13  }
0x30: {  	v2 =	vld [tilespmem:s15+$0x30]  }
0x31: {  	s12 =	smul.u32 $0x2040, s12;
	v4 =	vld [tilespmem:s15+$0xFFFFFFD0]  }
0x32: {  	v5 =	vld [tilespmem:s15+$0xFFFFFFE0]  }
0x33: {  	s31 =	sand.u32 $0x1, s10;
	s12 =	sshrl.u32 s12, $0x2;
	v0 =	vld [tilespmem:s15+$0xFFFFFFF0]  }
0x34: {  	s13 =	smul.u32 $0x2040, s31;
	v3 =	vld [tilespmem:s15+$0x0];
	s12 =	sor.u32 $0x1007, s12  }
0x35: {  	v1 =	vld [tilespmem:s15+$0x10];
	[tilespmem:s12+$0x0 ss:$0x81] =	vst.msk $0xffff, v2  }
0x36: {  	s13 =	sshrl.u32 s13, $0x2;
	[tilespmem:s12+$0xFFFFFFFA ss:$0x81] =	vst.msk $0xffff, v4;
	v4 =	vld [tilespmem:s15+$0x20]  }
0x37: {  	s14 =	simm.s32 $0x0;
	s13 =	sor.u32 $0x1000, s13;
	v2 =	vld [tilespmem:s15+$0xFFFFFFC0];
	[tilespmem:s12+$0xFFFFFFFB ss:$0x81] =	vst.msk $0xffff, v5;
	s15 =	sadd.s32 $0x80, s15  }
.LBB1_3:
0x38: {  	v5 =	vld [tilespmem:s15+$0x30];
	s14 =	sadd.s32 $0x8, s14;
	[tilespmem:s12+$0xFFFFFFFC ss:$0x81] =	vst.msk $0xffff, v0  }
0x39: {  	v6 =	vld [tilespmem:s15+$0xFFFFFFD0];
	p1 =	slt.u32 s14, $0x78;
	[tilespmem:s12+$0xFFFFFFFD ss:$0x81] =	vst.msk $0xffff, v3  }
0x3a: {  	v7 =	vld [tilespmem:s15+$0xFFFFFFE0];
	[tilespmem:s12+$0xFFFFFFFE ss:$0x81] =	vst.msk $0xffff, v1  }
.Ltmp3:
0x3b: {  	v0 =	vld [tilespmem:s15+$0xFFFFFFF0];
	[tilespmem:s12+$0xFFFFFFFF ss:$0x81] =	vst.msk $0xffff, v4;
	(pc) =	sbr.rel @p1 .LBB1_3-.Ltmp3, $4  }
0x3c: {  	v3 =	vld [tilespmem:s15+$0x0];
	[tilespmem:s12+$0xFFFFFFF9 ss:$0x81] =	vst.msk $0xffff, v2;
	s12 =	sadd.s32 $0x8, s12  }
0x3d: {  	v1 =	vld [tilespmem:s15+$0x10];
	[tilespmem:s12+$0x0 ss:$0x81] =	vst.msk $0xffff, v5  }
0x3e: {  	[tilespmem:s12+$0xFFFFFFFA ss:$0x81] =	vst.msk $0xffff, v6;
	v4 =	vld [tilespmem:s15+$0x20]  }
0x3f: {  	v2 =	vld [tilespmem:s15+$0xFFFFFFC0];
	[tilespmem:s12+$0xFFFFFFFB ss:$0x81] =	vst.msk $0xffff, v7;
	s15 =	sadd.s32 $0x80, s15  }
.Ltmp4:
0x40: {  	_ = 	snop;
	(pc) =	sbr.rel .LBB1_4-.Ltmp4, $1  }
0x41: {  	_ =	sdelay $0x3  }
.LBB1_6:
0x42: {  	_ =	sfence.sel $0x180000  }
0x43: {  	s2 =	simm.s32 $0x1;
	[bflag:$0x0] =	sbarrier.arrive $0xFFFF  }
0x44: {  	s31 =	simm.s32 $0x2;
	[sflag:s2] =	ssyncpa.u1 $0x1  }
0x45: {  	[sflag:s31] =	ssyncpa.u1 $0x1  }
0x46: {  	p0 =	sne.s32 s0, $0x0;
	_ =	strace $0x9000004D  }
0x47: {  	s0 =	sadd.s32 @!p0 $0x100000, s1;
	[bflag:$0x2] =	sbarrier.arrive $0xFFFF  }
0x48: {  	[sflag:s0] =	ssyncadd.tile.s32 @!p0 $0x1;
	_ =	shalt  }
.Lfunc_end1:
_tile_overlayer_lowered:
.L_overlay_start_2:
0x49: {  	(tag) =	ssettag $0x2  }
0x4a: {  	s0 =	rddreg [dreg:$0x0];
	s2 =	stileid.u32  }
0x4b: {  	s1 =	rddreg [dreg:$0x1];
	p0 =	sne.s32 s2, $0x0  }
0x4c: {  	s3 =	rddreg [dreg:$0x2];
	[bflag:$0x3] =	sbarrier.arrive $0xFFFF;
	s2 =	simm.s32 @!p0 $0x1C01  }
0x4d: {  	[timem:s3], [sflag:s2] =	dma.local @!p0 [hbm:s0], s1  }
0x4e: {  	s0 =	simm.s32 @!p0 $0x1  }
0x4f: {  	_ =	swait.ge @!p0 [sflag:s0], s1  }
0x50: {  	s1 =	ssub.s32 @!p0 $0x0, s1;
	[sflag:s0] =	ssyncset.done @!p0 $0x0  }
0x51: {  	[sflag:s0] =	ssyncadd.s32 @!p0 s1  }
0x52: {  	[bflag:$0x3] =	sbarrier.arrive $0xFFFF  }
0x53: {  	_ =	shalt  }

</sc_bundles>
